<compile_context>
chip_gen: v7x
topology: tpu7x:2x2x1
jax: 0.10.2.dev20260603
libtpu: 0.0.44.dev20260713+nightly
codegen_flags: <defaults>
</compile_context>

<pallas_src>
import functools
import math

import jax
import jax.numpy as jnp
from jax import lax
from jax.experimental import pallas as pl
from jax.experimental.pallas import tpu as pltpu
from jax.experimental.pallas import tpu_sc as plsc

_NC = 2
_NS = 16
_NW = _NC * _NS
_LANES = 16


@functools.lru_cache(maxsize=None)
def _make_sc_gather_mean(M, K, D):
    npw = M // _NW
    G = 2
    nchunks = npw // G
    nvec = D // _LANES
    inv_k = 1.0 / K
    mesh = plsc.VectorSubcoreMesh(core_axis_name="c", subcore_axis_name="s")

    @functools.partial(
        pl.kernel,
        out_type=jax.ShapeDtypeStruct((M, D), jnp.float32),
        mesh=mesh,
        scratch_types=[
            pltpu.VMEM((npw * K,), jnp.int32),
            pltpu.VMEM((2, G * K, D), jnp.float32),
            pltpu.VMEM((npw, D), jnp.float32),
            pltpu.SemaphoreType.DMA,
            pltpu.SemaphoreType.DMA,
        ],
    )
    def sc_gather_mean(x_hbm, adj_hbm, out_hbm, idx_v, rows_v, out_v, sem0, sem1):
        cid = lax.axis_index("c")
        sid = lax.axis_index("s")
        wid = sid * _NC + cid
        base = wid * npw
        sems = (sem0, sem1)

        pltpu.sync_copy(adj_hbm.at[pl.ds(base * K, npw * K)], idx_v)

        for b2 in range(2):
            pltpu.async_copy(
                x_hbm.at[idx_v.at[pl.ds(b2 * G * K, G * K)]],
                rows_v.at[b2], sems[b2])

        def pair_body(g, carry):
            for b2 in range(2):
                c = 2 * g + b2
                pltpu.make_async_copy(
                    x_hbm.at[idx_v.at[pl.ds(c * G * K, G * K)]],
                    rows_v.at[b2], sems[b2]).wait()
                for n2 in range(G):
                    def jbody(j, accs, _b2=b2, _n2=n2):
                        return tuple(
                            accs[d] + rows_v[_b2, _n2 * K + j, pl.ds(d * _LANES, _LANES)]
                            for d in range(nvec))
                    init = tuple(rows_v[b2, n2 * K, pl.ds(d * _LANES, _LANES)]
                                 for d in range(nvec))
                    accs = lax.fori_loop(1, K, jbody, init)
                    node = c * G + n2
                    for d in range(nvec):
                        out_v[node, pl.ds(d * _LANES, _LANES)] = accs[d] * inv_k

                @pl.when(c + 2 < nchunks)
                def _(_b2=b2, _c=c):
                    pltpu.async_copy(
                        x_hbm.at[idx_v.at[pl.ds((_c + 2) * G * K, G * K)]],
                        rows_v.at[_b2], sems[_b2])
            return carry

        lax.fori_loop(0, nchunks // 2, pair_body, 0)
        pltpu.sync_copy(out_v, out_hbm.at[pl.ds(base, npw)])

    return sc_gather_mean


@functools.lru_cache(maxsize=None)
def _make_tc_tail(M, D, blk):
    inv_sqrt2 = 1.0 / math.sqrt(2.0)

    def body(x_ref, nm_ref, w1_ref, w2_ref, b_ref, g_ref, be_ref, o_ref):
        xb = x_ref[...]
        h = jnp.dot(xb, w1_ref[...], preferred_element_type=jnp.float32)
        h = h + jnp.dot(nm_ref[...], w2_ref[...], preferred_element_type=jnp.float32)
        h = h + b_ref[...]
        h = 0.5 * h * (1.0 + lax.erf(h * inv_sqrt2))
        hh = h + xb
        mu = jnp.mean(hh, axis=1, keepdims=True)
        dv = hh - mu
        var = jnp.mean(dv * dv, axis=1, keepdims=True)
        o_ref[...] = dv * lax.rsqrt(var + 1e-5) * g_ref[...] + be_ref[...]

    return pl.pallas_call(
        body,
        grid=(M // blk,),
        in_specs=[
            pl.BlockSpec((blk, D), lambda i: (i, 0)),
            pl.BlockSpec((blk, D), lambda i: (i, 0)),
            pl.BlockSpec((D, D), lambda i: (0, 0)),
            pl.BlockSpec((D, D), lambda i: (0, 0)),
            pl.BlockSpec((1, D), lambda i: (0, 0)),
            pl.BlockSpec((1, D), lambda i: (0, 0)),
            pl.BlockSpec((1, D), lambda i: (0, 0)),
        ],
        out_specs=pl.BlockSpec((blk, D), lambda i: (i, 0)),
        out_shape=jax.ShapeDtypeStruct((M, D), jnp.float32),
    )


def kernel(x, adj, W, b, gamma, beta):
    B, N, D = x.shape
    K = adj.shape[-1]
    M = B * N
    xf = x.reshape(M, D)
    offs = (jnp.arange(B, dtype=jnp.int32) * N)[:, None, None]
    adjf = (adj.astype(jnp.int32) + offs).reshape(M * K)
    nm = _make_sc_gather_mean(M, K, D)(xf, adjf)
    y = _make_tc_tail(M, D, 1024)(
        xf, nm, W[:D], W[D:], b[None], gamma[None], beta[None])
    return y.reshape(B, N, D)

# --- scband reference (transcript-rebuilt; emitter-appended) ---
"""Pipeline reference for scband-graph-conv-layer-76493367542297 (READ-ONLY COPY).

The authoritative reference and input builder live on the scoring server;
editing this copy changes nothing except your own understanding.
"""

import jax, jax.numpy as jnp
import numpy as np

B, N, K, D = 4, 2048, 32, 256

def setup_inputs(seed: int = 0) -> dict:
    key = jax.random.key(seed)
    k_x, k_adj, k_w = jax.random.split(key, 3)
    x = jax.random.normal(k_x, (B, N, D), dtype=jnp.float32)
    adj = jax.random.randint(k_adj, (B, N, K), 0, N, dtype=jnp.int64)
    W = jax.random.normal(k_w, (2 * D, D), dtype=jnp.float32) * 0.02
    b = jnp.zeros((D,), dtype=jnp.float32)
    gamma = jnp.ones((D,), dtype=jnp.float32)
    beta = jnp.zeros((D,), dtype=jnp.float32)
    return {"x": x, "adj": adj, "W": W, "b": b, "gamma": gamma, "beta": beta}

def reference(x, adj, W, b, gamma, beta):
    # gather neighbour features: per-batch row gather (SparseCore-style gather)
    neigh = jax.vmap(lambda xb, ab: jnp.take(xb, ab, axis=0))(x, adj)  # (B, N, K, D)
    neigh_mean = neigh.mean(axis=2)  # (B, N, D)
    cat = jnp.concatenate([x, neigh_mean], axis=-1)  # (B, N, 2D)
    out = cat @ W + b
    out = jax.nn.gelu(out, approximate=False)
    # dropout is identity in eval/reference mode
    h = out + x
    mu = h.mean(axis=-1, keepdims=True)
    var = ((h - mu) ** 2).mean(axis=-1, keepdims=True)
    y = (h - mu) / jnp.sqrt(var + 1e-5) * gamma + beta
    return y

if __name__ == "__main__":
    import jax
    _d = setup_inputs()
    print(jax.jit(kernel)(*tuple(_d.values())))

</pallas_src>

<mosaic_0001>
#map = affine_map<(d0, d1) -> (0, 0)>
#map1 = affine_map<(d0, d1) -> (0)>
module attributes {stable_mosaic.version = 14 : i64} {
  func.func @sc_gather_mean(%arg0: i32, %arg1: i32, %arg2: memref<8192x256xf32, #tpu.memory_space<hbm>>, %arg3: memref<262144xi32, #tpu.memory_space<hbm>>, %arg4: memref<8192x256xf32, #tpu.memory_space<hbm>>, %arg5: memref<8192xi32, #tpu.memory_space<vmem>>, %arg6: memref<2x64x256xf32, #tpu.memory_space<vmem>>, %arg7: memref<256x256xf32, #tpu.memory_space<vmem>>, %arg8: memref<!tpu.dma_semaphore, #tpu.memory_space<semaphore_mem>>, %arg9: memref<!tpu.dma_semaphore, #tpu.memory_space<semaphore_mem>>) attributes {dimension_semantics = [#tpu.dimension_semantics<core_parallel>, #tpu.dimension_semantics<subcore_parallel>], iteration_bounds = array<i64: 2, 16>, scalar_prefetch = 0 : i64, scratch_operands = 5 : i64, tpu.core_type = #tpu.core_type<sc_vector_subcore>, window_params = [{transform_indices = #map}, {transform_indices = #map1}, {transform_indices = #map}]} {
    %mul3A = arith.constant 2 : i32
    %mul3A_0 = arith.muli %arg1, %mul3A : i32
    %add3A = arith.addi %mul3A_0, %arg0 : i32
    %mul3A_1 = arith.constant 256 : i32
    %mul3A_2 = arith.muli %add3A, %mul3A_1 : i32
    %mul3A_3 = arith.constant 32 : i32
    %mul3A_4 = arith.muli %mul3A_2, %mul3A_3 : i32
    "tpu.region"() ({
      %run_scoped3A = tpu.sem_alloc : memref<!tpu.dma_semaphore, #tpu.memory_space<semaphore_mem>>
      %dma_start3A_29 = tpu.memref_slice %arg3[%mul3A_4] : memref<262144xi32, #tpu.memory_space<hbm>> -> memref<8192xi32, #tpu.memory_space<hbm>>
      %dma_start3A_30 = tpu.memref_slice %arg3[%mul3A_4] : memref<262144xi32, #tpu.memory_space<hbm>> -> memref<8192xi32, #tpu.memory_space<hbm>>
      tpu.enqueue_dma source(%dma_start3A_30 : memref<8192xi32, #tpu.memory_space<hbm>>) target(%arg5 : memref<8192xi32, #tpu.memory_space<vmem>>) target_semaphore(%run_scoped3A : memref<!tpu.dma_semaphore, #tpu.memory_space<semaphore_mem>>)
      %dma_wait3A = tpu.memref_slice %arg3[%mul3A_4] : memref<262144xi32, #tpu.memory_space<hbm>> -> memref<8192xi32, #tpu.memory_space<hbm>>
      %dma_wait3A_31 = tpu.memref_slice %arg3[%mul3A_4] : memref<262144xi32, #tpu.memory_space<hbm>> -> memref<8192xi32, #tpu.memory_space<hbm>>
      tpu.wait_dma2 semaphore(%run_scoped3A : memref<!tpu.dma_semaphore, #tpu.memory_space<semaphore_mem>>) src(%dma_wait3A_31 : memref<8192xi32, #tpu.memory_space<hbm>>) dst(%arg5 : memref<8192xi32, #tpu.memory_space<vmem>>)
      tpu.yield
    }) : () -> ()
    %dma_start3A = arith.constant 0 : i32
    %dma_start3A_5 = arith.constant 0 : i32
    %dma_start3A_6 = arith.constant 0 : i32
    %dma_start3A_7 = tpu.memref_slice %arg6[%dma_start3A, %dma_start3A_5, %dma_start3A_6] : memref<2x64x256xf32, #tpu.memory_space<vmem>> -> memref<1x64x256xf32, #tpu.memory_space<vmem>>
    %dma_start3A_8 = tpu.memref_squeeze %dma_start3A_7 : memref<1x64x256xf32, #tpu.memory_space<vmem>> -> memref<64x256xf32, #tpu.memory_space<vmem>>
    %dma_start3A_9 = arith.constant 0 : i32
    %dma_start3A_10 = tpu.memref_slice %arg5[%dma_start3A_9] : memref<8192xi32, #tpu.memory_space<vmem>> -> memref<64xi32, #tpu.memory_space<vmem>>
    %dma_start3A_11 = arith.constant 0 : i32
    %dma_start3A_12 = arith.constant 0 : i32
    %dma_start3A_13 = tpu.memref_slice %arg2[%dma_start3A_11, %dma_start3A_12] : memref<8192x256xf32, #tpu.memory_space<hbm>> -> memref<8192x256xf32, #tpu.memory_space<hbm>>
    tpu.enqueue_indirect_dma source(%dma_start3A_13 : memref<8192x256xf32, #tpu.memory_space<hbm>>) target(%dma_start3A_8 : memref<64x256xf32, #tpu.memory_space<vmem>>) offsets(%dma_start3A_10 : memref<64xi32, #tpu.memory_space<vmem>>) semaphore(%arg8 : memref<!tpu.dma_semaphore, #tpu.memory_space<semaphore_mem>>)
    %dma_start3A_14 = arith.constant 1 : i32
    %dma_start3A_15 = arith.constant 0 : i32
    %dma_start3A_16 = arith.constant 0 : i32
    %dma_start3A_17 = tpu.memref_slice %arg6[%dma_start3A_14, %dma_start3A_15, %dma_start3A_16] : memref<2x64x256xf32, #tpu.memory_space<vmem>> -> memref<1x64x256xf32, #tpu.memory_space<vmem>>
    %dma_start3A_18 = tpu.memref_squeeze %dma_start3A_17 : memref<1x64x256xf32, #tpu.memory_space<vmem>> -> memref<64x256xf32, #tpu.memory_space<vmem>>
    %dma_start3A_19 = arith.constant 64 : i32
    %dma_start3A_20 = tpu.memref_slice %arg5[%dma_start3A_19] : memref<8192xi32, #tpu.memory_space<vmem>> -> memref<64xi32, #tpu.memory_space<vmem>>
    %dma_start3A_21 = arith.constant 0 : i32
    %dma_start3A_22 = arith.constant 0 : i32
    %dma_start3A_23 = tpu.memref_slice %arg2[%dma_start3A_21, %dma_start3A_22] : memref<8192x256xf32, #tpu.memory_space<hbm>> -> memref<8192x256xf32, #tpu.memory_space<hbm>>
    tpu.enqueue_indirect_dma source(%dma_start3A_23 : memref<8192x256xf32, #tpu.memory_space<hbm>>) target(%dma_start3A_18 : memref<64x256xf32, #tpu.memory_space<vmem>>) offsets(%dma_start3A_20 : memref<64xi32, #tpu.memory_space<vmem>>) semaphore(%arg9 : memref<!tpu.dma_semaphore, #tpu.memory_space<semaphore_mem>>)
    %scan3A = arith.constant 0 : i32
    %scan3A_24 = arith.constant 0 : i32
    %scan3A_25 = arith.constant 64 : i32
    %scan3A_26 = arith.addi %scan3A_24, %scan3A_25 : i32
    %scan3A_27 = arith.constant 1 : i32
    scf.for %scan3A_29 = %scan3A_24 to %scan3A_26 step %scan3A_27  : i32 {
      %mul3A_30 = arith.constant 2 : i32
      %mul3A_31 = arith.muli %mul3A_30, %scan3A_29 : i32
      %add3A_32 = arith.constant 0 : i32
      %add3A_33 = arith.addi %mul3A_31, %add3A_32 : i32
      %mul3A_34 = arith.constant 2 : i32
      %mul3A_35 = arith.muli %add3A_33, %mul3A_34 : i32
      %mul3A_36 = arith.constant 32 : i32
      %mul3A_37 = arith.muli %mul3A_35, %mul3A_36 : i32
      %dma_wait3A = arith.constant 0 : i32
      %dma_wait3A_38 = arith.constant 0 : i32
      %dma_wait3A_39 = arith.constant 0 : i32
      %dma_wait3A_40 = tpu.memref_slice %arg6[%dma_wait3A, %dma_wait3A_38, %dma_wait3A_39] : memref<2x64x256xf32, #tpu.memory_space<vmem>> -> memref<1x64x256xf32, #tpu.memory_space<vmem>>
      %dma_wait3A_41 = tpu.memref_squeeze %dma_wait3A_40 : memref<1x64x256xf32, #tpu.memory_space<vmem>> -> memref<64x256xf32, #tpu.memory_space<vmem>>
      %dma_wait3A_42 = tpu.memref_slice %arg5[%mul3A_37] : memref<8192xi32, #tpu.memory_space<vmem>> -> memref<64xi32, #tpu.memory_space<vmem>>
      %dma_wait3A_43 = arith.constant 0 : i32
      %dma_wait3A_44 = arith.constant 0 : i32
      %dma_wait3A_45 = tpu.memref_slice %arg2[%dma_wait3A_43, %dma_wait3A_44] : memref<8192x256xf32, #tpu.memory_space<hbm>> -> memref<8192x256xf32, #tpu.memory_space<hbm>>
      tpu.wait_indirect_dma semaphore(%arg8 : memref<!tpu.dma_semaphore, #tpu.memory_space<semaphore_mem>>) src(%dma_wait3A_45 : memref<8192x256xf32, #tpu.memory_space<hbm>>) dst(%dma_wait3A_41 : memref<64x256xf32, #tpu.memory_space<vmem>>)
      %get3A = arith.constant 0 : i32
      %get3A_46 = arith.constant 0 : i32
      %get3A_47 = arith.index_cast %get3A : i32 to index
      %get3A_48 = arith.index_cast %get3A_46 : i32 to index
      %get3A_49 = arith.constant 0 : index
      %get3A_50 = tpu.vector_load %arg6[%get3A_47, %get3A_48, %get3A_49] {strides = array<i32>} : memref<2x64x256xf32, #tpu.memory_space<vmem>>, vector<1x1x16xf32>,
      %get3A_51 = vector.shape_cast %get3A_50 : vector<1x1x16xf32> to vector<16xf32>
      %get3A_52 = arith.constant 0 : i32
      %get3A_53 = arith.constant 0 : i32
      %get3A_54 = arith.index_cast %get3A_52 : i32 to index
      %get3A_55 = arith.index_cast %get3A_53 : i32 to index
      %get3A_56 = arith.constant 16 : index
      %get3A_57 = tpu.vector_load %arg6[%get3A_54, %get3A_55, %get3A_56] {strides = array<i32>} : memref<2x64x256xf32, #tpu.memory_space<vmem>>, vector<1x1x16xf32>,
      %get3A_58 = vector.shape_cast %get3A_57 : vector<1x1x16xf32> to vector<16xf32>
      %get3A_59 = arith.constant 0 : i32
      %get3A_60 = arith.constant 0 : i32
      %get3A_61 = arith.index_cast %get3A_59 : i32 to index
      %get3A_62 = arith.index_cast %get3A_60 : i32 to index
      %get3A_63 = arith.constant 32 : index
      %get3A_64 = tpu.vector_load %arg6[%get3A_61, %get3A_62, %get3A_63] {strides = array<i32>} : memref<2x64x256xf32, #tpu.memory_space<vmem>>, vector<1x1x16xf32>,
      %get3A_65 = vector.shape_cast %get3A_64 : vector<1x1x16xf32> to vector<16xf32>
      %get3A_66 = arith.constant 0 : i32
      %get3A_67 = arith.constant 0 : i32
      %get3A_68 = arith.index_cast %get3A_66 : i32 to index
      %get3A_69 = arith.index_cast %get3A_67 : i32 to index
      %get3A_70 = arith.constant 48 : index
      %get3A_71 = tpu.vector_load %arg6[%get3A_68, %get3A_69, %get3A_70] {strides = array<i32>} : memref<2x64x256xf32, #tpu.memory_space<vmem>>, vector<1x1x16xf32>,
      %get3A_72 = vector.shape_cast %get3A_71 : vector<1x1x16xf32> to vector<16xf32>
      %get3A_73 = arith.constant 0 : i32
      %get3A_74 = arith.constant 0 : i32
      %get3A_75 = arith.index_cast %get3A_73 : i32 to index
      %get3A_76 = arith.index_cast %get3A_74 : i32 to index
      %get3A_77 = arith.constant 64 : index
      %get3A_78 = tpu.vector_load %arg6[%get3A_75, %get3A_76, %get3A_77] {strides = array<i32>} : memref<2x64x256xf32, #tpu.memory_space<vmem>>, vector<1x1x16xf32>,
      %get3A_79 = vector.shape_cast %get3A_78 : vector<1x1x16xf32> to vector<16xf32>
      %get3A_80 = arith.constant 0 : i32
      %get3A_81 = arith.constant 0 : i32
      %get3A_82 = arith.index_cast %get3A_80 : i32 to index
      %get3A_83 = arith.index_cast %get3A_81 : i32 to index
      %get3A_84 = arith.constant 80 : index
      %get3A_85 = tpu.vector_load %arg6[%get3A_82, %get3A_83, %get3A_84] {strides = array<i32>} : memref<2x64x256xf32, #tpu.memory_space<vmem>>, vector<1x1x16xf32>,
      %get3A_86 = vector.shape_cast %get3A_85 : vector<1x1x16xf32> to vector<16xf32>
      %get3A_87 = arith.constant 0 : i32
      %get3A_88 = arith.constant 0 : i32
      %get3A_89 = arith.index_cast %get3A_87 : i32 to index
      %get3A_90 = arith.index_cast %get3A_88 : i32 to index
      %get3A_91 = arith.constant 96 : index
      %get3A_92 = tpu.vector_load %arg6[%get3A_89, %get3A_90, %get3A_91] {strides = array<i32>} : memref<2x64x256xf32, #tpu.memory_space<vmem>>, vector<1x1x16xf32>,
      %get3A_93 = vector.shape_cast %get3A_92 : vector<1x1x16xf32> to vector<16xf32>
      %get3A_94 = arith.constant 0 : i32
      %get3A_95 = arith.constant 0 : i32
      %get3A_96 = arith.index_cast %get3A_94 : i32 to index
      %get3A_97 = arith.index_cast %get3A_95 : i32 to index
      %get3A_98 = arith.constant 112 : index
      %get3A_99 = tpu.vector_load %arg6[%get3A_96, %get3A_97, %get3A_98] {strides = array<i32>} : memref<2x64x256xf32, #tpu.memory_space<vmem>>, vector<1x1x16xf32>,
      %get3A_100 = vector.shape_cast %get3A_99 : vector<1x1x16xf32> to vector<16xf32>
      %get3A_101 = arith.constant 0 : i32
      %get3A_102 = arith.constant 0 : i32
      %get3A_103 = arith.index_cast %get3A_101 : i32 to index
      %get3A_104 = arith.index_cast %get3A_102 : i32 to index
      %get3A_105 = arith.constant 128 : index
      %get3A_106 = tpu.vector_load %arg6[%get3A_103, %get3A_104, %get3A_105] {strides = array<i32>} : memref<2x64x256xf32, #tpu.memory_space<vmem>>, vector<1x1x16xf32>,
      %get3A_107 = vector.shape_cast %get3A_106 : vector<1x1x16xf32> to vector<16xf32>
      %get3A_108 = arith.constant 0 : i32
      %get3A_109 = arith.constant 0 : i32
      %get3A_110 = arith.index_cast %get3A_108 : i32 to index
      %get3A_111 = arith.index_cast %get3A_109 : i32 to index
      %get3A_112 = arith.constant 144 : index
      %get3A_113 = tpu.vector_load %arg6[%get3A_110, %get3A_111, %get3A_112] {strides = array<i32>} : memref<2x64x256xf32, #tpu.memory_space<vmem>>, vector<1x1x16xf32>,
      %get3A_114 = vector.shape_cast %get3A_113 : vector<1x1x16xf32> to vector<16xf32>
      %get3A_115 = arith.constant 0 : i32
      %get3A_116 = arith.constant 0 : i32
      %get3A_117 = arith.index_cast %get3A_115 : i32 to index
      %get3A_118 = arith.index_cast %get3A_116 : i32 to index
      %get3A_119 = arith.constant 160 : index
      %get3A_120 = tpu.vector_load %arg6[%get3A_117, %get3A_118, %get3A_119] {strides = array<i32>} : memref<2x64x256xf32, #tpu.memory_space<vmem>>, vector<1x1x16xf32>,
      %get3A_121 = vector.shape_cast %get3A_120 : vector<1x1x16xf32> to vector<16xf32>
      %get3A_122 = arith.constant 0 : i32
      %get3A_123 = arith.constant 0 : i32
      %get3A_124 = arith.index_cast %get3A_122 : i32 to index
      %get3A_125 = arith.index_cast %get3A_123 : i32 to index
      %get3A_126 = arith.constant 176 : index
      %get3A_127 = tpu.vector_load %arg6[%get3A_124, %get3A_125, %get3A_126] {strides = array<i32>} : memref<2x64x256xf32, #tpu.memory_space<vmem>>, vector<1x1x16xf32>,
      %get3A_128 = vector.shape_cast %get3A_127 : vector<1x1x16xf32> to vector<16xf32>
      %get3A_129 = arith.constant 0 : i32
      %get3A_130 = arith.constant 0 : i32
      %get3A_131 = arith.index_cast %get3A_129 : i32 to index
      %get3A_132 = arith.index_cast %get3A_130 : i32 to index
      %get3A_133 = arith.constant 192 : index
      %get3A_134 = tpu.vector_load %arg6[%get3A_131, %get3A_132, %get3A_133] {strides = array<i32>} : memref<2x64x256xf32, #tpu.memory_space<vmem>>, vector<1x1x16xf32>,
      %get3A_135 = vector.shape_cast %get3A_134 : vector<1x1x16xf32> to vector<16xf32>
      %get3A_136 = arith.constant 0 : i32
      %get3A_137 = arith.constant 0 : i32
      %get3A_138 = arith.index_cast %get3A_136 : i32 to index
      %get3A_139 = arith.index_cast %get3A_137 : i32 to index
      %get3A_140 = arith.constant 208 : index
      %get3A_141 = tpu.vector_load %arg6[%get3A_138, %get3A_139, %get3A_140] {strides = array<i32>} : memref<2x64x256xf32, #tpu.memory_space<vmem>>, vector<1x1x16xf32>,
      %get3A_142 = vector.shape_cast %get3A_141 : vector<1x1x16xf32> to vector<16xf32>
      %get3A_143 = arith.constant 0 : i32
      %get3A_144 = arith.constant 0 : i32
      %get3A_145 = arith.index_cast %get3A_143 : i32 to index
      %get3A_146 = arith.index_cast %get3A_144 : i32 to index
      %get3A_147 = arith.constant 224 : index
      %get3A_148 = tpu.vector_load %arg6[%get3A_145, %get3A_146, %get3A_147] {strides = array<i32>} : memref<2x64x256xf32, #tpu.memory_space<vmem>>, vector<1x1x16xf32>,
      %get3A_149 = vector.shape_cast %get3A_148 : vector<1x1x16xf32> to vector<16xf32>
      %get3A_150 = arith.constant 0 : i32
      %get3A_151 = arith.constant 0 : i32
      %get3A_152 = arith.index_cast %get3A_150 : i32 to index
      %get3A_153 = arith.index_cast %get3A_151 : i32 to index
      %get3A_154 = arith.constant 240 : index
      %get3A_155 = tpu.vector_load %arg6[%get3A_152, %get3A_153, %get3A_154] {strides = array<i32>} : memref<2x64x256xf32, #tpu.memory_space<vmem>>, vector<1x1x16xf32>,
      %get3A_156 = vector.shape_cast %get3A_155 : vector<1x1x16xf32> to vector<16xf32>
      %scan3A_157 = arith.constant 1 : i32
      %scan3A_158 = arith.constant 31 : i32
      %scan3A_159 = arith.addi %scan3A_157, %scan3A_158 : i32
      %scan3A_160 = arith.constant 1 : i32
      %scan3A_161:16 = scf.for %scan3A_1072 = %scan3A_157 to %scan3A_159 step %scan3A_160 iter_args(%scan3A_1073 = %get3A_51, %scan3A_1074 = %get3A_58, %scan3A_1075 = %get3A_65, %scan3A_1076 = %get3A_72, %scan3A_1077 = %get3A_79, %scan3A_1078 = %get3A_86, %scan3A_1079 = %get3A_93, %scan3A_1080 = %get3A_100, %scan3A_1081 = %get3A_107, %scan3A_1082 = %get3A_114, %scan3A_1083 = %get3A_121, %scan3A_1084 = %get3A_128, %scan3A_1085 = %get3A_135, %scan3A_1086 = %get3A_142, %scan3A_1087 = %get3A_149, %scan3A_1088 = %get3A_156) -> (vector<16xf32>, vector<16xf32>, vector<16xf32>, vector<16xf32>, vector<16xf32>, vector<16xf32>, vector<16xf32>, vector<16xf32>, vector<16xf32>, vector<16xf32>, vector<16xf32>, vector<16xf32>, vector<16xf32>, vector<16xf32>, vector<16xf32>, vector<16xf32>)  : i32 {
        %add3A_1089 = arith.constant 0 : i32
        %add3A_1090 = arith.addi %add3A_1089, %scan3A_1072 : i32
        %get3A_1091 = arith.constant 0 : i32
        %get3A_1092 = arith.index_cast %get3A_1091 : i32 to index
        %get3A_1093 = arith.index_cast %add3A_1090 : i32 to index
        %get3A_1094 = arith.constant 0 : index
        %get3A_1095 = tpu.vector_load %arg6[%get3A_1092, %get3A_1093, %get3A_1094] {strides = array<i32>} : memref<2x64x256xf32, #tpu.memory_space<vmem>>, vector<1x1x16xf32>,
        %get3A_1096 = vector.shape_cast %get3A_1095 : vector<1x1x16xf32> to vector<16xf32>
        %add3A_1097 = arith.addf %scan3A_1073, %get3A_1096 : vector<16xf32>
        %add3A_1098 = arith.constant 0 : i32
        %add3A_1099 = arith.addi %add3A_1098, %scan3A_1072 : i32
        %get3A_1100 = arith.constant 0 : i32
        %get3A_1101 = arith.index_cast %get3A_1100 : i32 to index
        %get3A_1102 = arith.index_cast %add3A_1099 : i32 to index
        %get3A_1103 = arith.constant 16 : index
        %get3A_1104 = tpu.vector_load %arg6[%get3A_1101, %get3A_1102, %get3A_1103] {strides = array<i32>} : memref<2x64x256xf32, #tpu.memory_space<vmem>>, vector<1x1x16xf32>,
        %get3A_1105 = vector.shape_cast %get3A_1104 : vector<1x1x16xf32> to vector<16xf32>
        %add3A_1106 = arith.addf %scan3A_1074, %get3A_1105 : vector<16xf32>
        %add3A_1107 = arith.constant 0 : i32
        %add3A_1108 = arith.addi %add3A_1107, %scan3A_1072 : i32
        %get3A_1109 = arith.constant 0 : i32
        %get3A_1110 = arith.index_cast %get3A_1109 : i32 to index
        %get3A_1111 = arith.index_cast %add3A_1108 : i32 to index
        %get3A_1112 = arith.constant 32 : index
        %get3A_1113 = tpu.vector_load %arg6[%get3A_1110, %get3A_1111, %get3A_1112] {strides = array<i32>} : memref<2x64x256xf32, #tpu.memory_space<vmem>>, vector<1x1x16xf32>,
        %get3A_1114 = vector.shape_cast %get3A_1113 : vector<1x1x16xf32> to vector<16xf32>
        %add3A_1115 = arith.addf %scan3A_1075, %get3A_1114 : vector<16xf32>
        %add3A_1116 = arith.constant 0 : i32
        %add3A_1117 = arith.addi %add3A_1116, %scan3A_1072 : i32
        %get3A_1118 = arith.constant 0 : i32
        %get3A_1119 = arith.index_cast %get3A_1118 : i32 to index
        %get3A_1120 = arith.index_cast %add3A_1117 : i32 to index
        %get3A_1121 = arith.constant 48 : index
        %get3A_1122 = tpu.vector_load %arg6[%get3A_1119, %get3A_1120, %get3A_1121] {strides = array<i32>} : memref<2x64x256xf32, #tpu.memory_space<vmem>>, vector<1x1x16xf32>,
        %get3A_1123 = vector.shape_cast %get3A_1122 : vector<1x1x16xf32> to vector<16xf32>
        %add3A_1124 = arith.addf %scan3A_1076, %get3A_1123 : vector<16xf32>
        %add3A_1125 = arith.constant 0 : i32
        %add3A_1126 = arith.addi %add3A_1125, %scan3A_1072 : i32
        %get3A_1127 = arith.constant 0 : i32
        %get3A_1128 = arith.index_cast %get3A_1127 : i32 to index
        %get3A_1129 = arith.index_cast %add3A_1126 : i32 to index
        %get3A_1130 = arith.constant 64 : index
        %get3A_1131 = tpu.vector_load %arg6[%get3A_1128, %get3A_1129, %get3A_1130] {strides = array<i32>} : memref<2x64x256xf32, #tpu.memory_space<vmem>>, vector<1x1x16xf32>,
        %get3A_1132 = vector.shape_cast %get3A_1131 : vector<1x1x16xf32> to vector<16xf32>
        %add3A_1133 = arith.addf %scan3A_1077, %get3A_1132 : vector<16xf32>
        %add3A_1134 = arith.constant 0 : i32
        %add3A_1135 = arith.addi %add3A_1134, %scan3A_1072 : i32
        %get3A_1136 = arith.constant 0 : i32
        %get3A_1137 = arith.index_cast %get3A_1136 : i32 to index
        %get3A_1138 = arith.index_cast %add3A_1135 : i32 to index
        %get3A_1139 = arith.constant 80 : index
        %get3A_1140 = tpu.vector_load %arg6[%get3A_1137, %get3A_1138, %get3A_1139] {strides = array<i32>} : memref<2x64x256xf32, #tpu.memory_space<vmem>>, vector<1x1x16xf32>,
        %get3A_1141 = vector.shape_cast %get3A_1140 : vector<1x1x16xf32> to vector<16xf32>
        %add3A_1142 = arith.addf %scan3A_1078, %get3A_1141 : vector<16xf32>
        %add3A_1143 = arith.constant 0 : i32
        %add3A_1144 = arith.addi %add3A_1143, %scan3A_1072 : i32
        %get3A_1145 = arith.constant 0 : i32
        %get3A_1146 = arith.index_cast %get3A_1145 : i32 to index
        %get3A_1147 = arith.index_cast %add3A_1144 : i32 to index
        %get3A_1148 = arith.constant 96 : index
        %get3A_1149 = tpu.vector_load %arg6[%get3A_1146, %get3A_1147, %get3A_1148] {strides = array<i32>} : memref<2x64x256xf32, #tpu.memory_space<vmem>>, vector<1x1x16xf32>,
        %get3A_1150 = vector.shape_cast %get3A_1149 : vector<1x1x16xf32> to vector<16xf32>
        %add3A_1151 = arith.addf %scan3A_1079, %get3A_1150 : vector<16xf32>
        %add3A_1152 = arith.constant 0 : i32
        %add3A_1153 = arith.addi %add3A_1152, %scan3A_1072 : i32
        %get3A_1154 = arith.constant 0 : i32
        %get3A_1155 = arith.index_cast %get3A_1154 : i32 to index
        %get3A_1156 = arith.index_cast %add3A_1153 : i32 to index
        %get3A_1157 = arith.constant 112 : index
        %get3A_1158 = tpu.vector_load %arg6[%get3A_1155, %get3A_1156, %get3A_1157] {strides = array<i32>} : memref<2x64x256xf32, #tpu.memory_space<vmem>>, vector<1x1x16xf32>,
        %get3A_1159 = vector.shape_cast %get3A_1158 : vector<1x1x16xf32> to vector<16xf32>
        %add3A_1160 = arith.addf %scan3A_1080, %get3A_1159 : vector<16xf32>
        %add3A_1161 = arith.constant 0 : i32
        %add3A_1162 = arith.addi %add3A_1161, %scan3A_1072 : i32
        %get3A_1163 = arith.constant 0 : i32
        %get3A_1164 = arith.index_cast %get3A_1163 : i32 to index
        %get3A_1165 = arith.index_cast %add3A_1162 : i32 to index
        %get3A_1166 = arith.constant 128 : index
        %get3A_1167 = tpu.vector_load %arg6[%get3A_1164, %get3A_1165, %get3A_1166] {strides = array<i32>} : memref<2x64x256xf32, #tpu.memory_space<vmem>>, vector<1x1x16xf32>,
        %get3A_1168 = vector.shape_cast %get3A_1167 : vector<1x1x16xf32> to vector<16xf32>
        %add3A_1169 = arith.addf %scan3A_1081, %get3A_1168 : vector<16xf32>
        %add3A_1170 = arith.constant 0 : i32
        %add3A_1171 = arith.addi %add3A_1170, %scan3A_1072 : i32
        %get3A_1172 = arith.constant 0 : i32
        %get3A_1173 = arith.index_cast %get3A_1172 : i32 to index
        %get3A_1174 = arith.index_cast %add3A_1171 : i32 to index
        %get3A_1175 = arith.constant 144 : index
        %get3A_1176 = tpu.vector_load %arg6[%get3A_1173, %get3A_1174, %get3A_1175] {strides = array<i32>} : memref<2x64x256xf32, #tpu.memory_space<vmem>>, vector<1x1x16xf32>,
        %get3A_1177 = vector.shape_cast %get3A_1176 : vector<1x1x16xf32> to vector<16xf32>
        %add3A_1178 = arith.addf %scan3A_1082, %get3A_1177 : vector<16xf32>
        %add3A_1179 = arith.constant 0 : i32
        %add3A_1180 = arith.addi %add3A_1179, %scan3A_1072 : i32
        %get3A_1181 = arith.constant 0 : i32
        %get3A_1182 = arith.index_cast %get3A_1181 : i32 to index
        %get3A_1183 = arith.index_cast %add3A_1180 : i32 to index
        %get3A_1184 = arith.constant 160 : index
        %get3A_1185 = tpu.vector_load %arg6[%get3A_1182, %get3A_1183, %get3A_1184] {strides = array<i32>} : memref<2x64x256xf32, #tpu.memory_space<vmem>>, vector<1x1x16xf32>,
        %get3A_1186 = vector.shape_cast %get3A_1185 : vector<1x1x16xf32> to vector<16xf32>
        %add3A_1187 = arith.addf %scan3A_1083, %get3A_1186 : vector<16xf32>
        %add3A_1188 = arith.constant 0 : i32
        %add3A_1189 = arith.addi %add3A_1188, %scan3A_1072 : i32
        %get3A_1190 = arith.constant 0 : i32
        %get3A_1191 = arith.index_cast %get3A_1190 : i32 to index
        %get3A_1192 = arith.index_cast %add3A_1189 : i32 to index
        %get3A_1193 = arith.constant 176 : index
        %get3A_1194 = tpu.vector_load %arg6[%get3A_1191, %get3A_1192, %get3A_1193] {strides = array<i32>} : memref<2x64x256xf32, #tpu.memory_space<vmem>>, vector<1x1x16xf32>,
        %get3A_1195 = vector.shape_cast %get3A_1194 : vector<1x1x16xf32> to vector<16xf32>
        %add3A_1196 = arith.addf %scan3A_1084, %get3A_1195 : vector<16xf32>
        %add3A_1197 = arith.constant 0 : i32
        %add3A_1198 = arith.addi %add3A_1197, %scan3A_1072 : i32
        %get3A_1199 = arith.constant 0 : i32
        %get3A_1200 = arith.index_cast %get3A_1199 : i32 to index
        %get3A_1201 = arith.index_cast %add3A_1198 : i32 to index
        %get3A_1202 = arith.constant 192 : index
        %get3A_1203 = tpu.vector_load %arg6[%get3A_1200, %get3A_1201, %get3A_1202] {strides = array<i32>} : memref<2x64x256xf32, #tpu.memory_space<vmem>>, vector<1x1x16xf32>,
        %get3A_1204 = vector.shape_cast %get3A_1203 : vector<1x1x16xf32> to vector<16xf32>
        %add3A_1205 = arith.addf %scan3A_1085, %get3A_1204 : vector<16xf32>
        %add3A_1206 = arith.constant 0 : i32
        %add3A_1207 = arith.addi %add3A_1206, %scan3A_1072 : i32
        %get3A_1208 = arith.constant 0 : i32
        %get3A_1209 = arith.index_cast %get3A_1208 : i32 to index
        %get3A_1210 = arith.index_cast %add3A_1207 : i32 to index
        %get3A_1211 = arith.constant 208 : index
        %get3A_1212 = tpu.vector_load %arg6[%get3A_1209, %get3A_1210, %get3A_1211] {strides = array<i32>} : memref<2x64x256xf32, #tpu.memory_space<vmem>>, vector<1x1x16xf32>,
        %get3A_1213 = vector.shape_cast %get3A_1212 : vector<1x1x16xf32> to vector<16xf32>
        %add3A_1214 = arith.addf %scan3A_1086, %get3A_1213 : vector<16xf32>
        %add3A_1215 = arith.constant 0 : i32
        %add3A_1216 = arith.addi %add3A_1215, %scan3A_1072 : i32
        %get3A_1217 = arith.constant 0 : i32
        %get3A_1218 = arith.index_cast %get3A_1217 : i32 to index
        %get3A_1219 = arith.index_cast %add3A_1216 : i32 to index
        %get3A_1220 = arith.constant 224 : index
        %get3A_1221 = tpu.vector_load %arg6[%get3A_1218, %get3A_1219, %get3A_1220] {strides = array<i32>} : memref<2x64x256xf32, #tpu.memory_space<vmem>>, vector<1x1x16xf32>,
        %get3A_1222 = vector.shape_cast %get3A_1221 : vector<1x1x16xf32> to vector<16xf32>
        %add3A_1223 = arith.addf %scan3A_1087, %get3A_1222 : vector<16xf32>
        %add3A_1224 = arith.constant 0 : i32
        %add3A_1225 = arith.addi %add3A_1224, %scan3A_1072 : i32
        %get3A_1226 = arith.constant 0 : i32
        %get3A_1227 = arith.index_cast %get3A_1226 : i32 to index
        %get3A_1228 = arith.index_cast %add3A_1225 : i32 to index
        %get3A_1229 = arith.constant 240 : index
        %get3A_1230 = tpu.vector_load %arg6[%get3A_1227, %get3A_1228, %get3A_1229] {strides = array<i32>} : memref<2x64x256xf32, #tpu.memory_space<vmem>>, vector<1x1x16xf32>,
        %get3A_1231 = vector.shape_cast %get3A_1230 : vector<1x1x16xf32> to vector<16xf32>
        %add3A_1232 = arith.addf %scan3A_1088, %get3A_1231 : vector<16xf32>
        scf.yield %add3A_1097, %add3A_1106, %add3A_1115, %add3A_1124, %add3A_1133, %add3A_1142, %add3A_1151, %add3A_1160, %add3A_1169, %add3A_1178, %add3A_1187, %add3A_1196, %add3A_1205, %add3A_1214, %add3A_1223, %add3A_1232 : vector<16xf32>, vector<16xf32>, vector<16xf32>, vector<16xf32>, vector<16xf32>, vector<16xf32>, vector<16xf32>, vector<16xf32>, vector<16xf32>, vector<16xf32>, vector<16xf32>, vector<16xf32>, vector<16xf32>, vector<16xf32>, vector<16xf32>, vector<16xf32>
      }
      %scan3A_162 = arith.constant 31 : i32
      %mul3A_163 = arith.constant 2 : i32
      %mul3A_164 = arith.muli %add3A_33, %mul3A_163 : i32
      %add3A_165 = arith.constant 0 : i32
      %add3A_166 = arith.addi %mul3A_164, %add3A_165 : i32
      %mul3A_167 = arith.constant 3.125000e-02 : f32
      %mul3A_168 = vector.broadcast %mul3A_167 : f32 to vector<16xf32>
      %mul3A_169 = arith.mulf %scan3A_161#0, %mul3A_168 : vector<16xf32>
      %swap3A = arith.index_cast %add3A_166 : i32 to index
      %swap3A_170 = arith.constant 0 : index
      %swap3A_171 = tpu.vector_load %arg7[%swap3A, %swap3A_170] {strides = array<i32>} : memref<256x256xf32, #tpu.memory_space<vmem>>, vector<1x16xf32>,
      %swap3A_172 = vector.shape_cast %swap3A_171 : vector<1x16xf32> to vector<16xf32>
      %swap3A_173 = vector.shape_cast %mul3A_169 : vector<16xf32> to vector<1x16xf32>
      tpu.vector_store %arg7[%swap3A, %swap3A_170], %swap3A_173 {strides = array<i32>} : memref<256x256xf32, #tpu.memory_space<vmem>>, vector<1x16xf32>,
      %mul3A_174 = arith.constant 3.125000e-02 : f32
      %mul3A_175 = vector.broadcast %mul3A_174 : f32 to vector<16xf32>
      %mul3A_176 = arith.mulf %scan3A_161#1, %mul3A_175 : vector<16xf32>
      %swap3A_177 = arith.index_cast %add3A_166 : i32 to index
      %swap3A_178 = arith.constant 16 : index
      %swap3A_179 = tpu.vector_load %arg7[%swap3A_177, %swap3A_178] {strides = array<i32>} : memref<256x256xf32, #tpu.memory_space<vmem>>, vector<1x16xf32>,
      %swap3A_180 = vector.shape_cast %swap3A_179 : vector<1x16xf32> to vector<16xf32>
      %swap3A_181 = vector.shape_cast %mul3A_176 : vector<16xf32> to vector<1x16xf32>
      tpu.vector_store %arg7[%swap3A_177, %swap3A_178], %swap3A_181 {strides = array<i32>} : memref<256x256xf32, #tpu.memory_space<vmem>>, vector<1x16xf32>,
      %mul3A_182 = arith.constant 3.125000e-02 : f32
      %mul3A_183 = vector.broadcast %mul3A_182 : f32 to vector<16xf32>
      %mul3A_184 = arith.mulf %scan3A_161#2, %mul3A_183 : vector<16xf32>
      %swap3A_185 = arith.index_cast %add3A_166 : i32 to index
      %swap3A_186 = arith.constant 32 : index
      %swap3A_187 = tpu.vector_load %arg7[%swap3A_185, %swap3A_186] {strides = array<i32>} : memref<256x256xf32, #tpu.memory_space<vmem>>, vector<1x16xf32>,
      %swap3A_188 = vector.shape_cast %swap3A_187 : vector<1x16xf32> to vector<16xf32>
      %swap3A_189 = vector.shape_cast %mul3A_184 : vector<16xf32> to vector<1x16xf32>
      tpu.vector_store %arg7[%swap3A_185, %swap3A_186], %swap3A_189 {strides = array<i32>} : memref<256x256xf32, #tpu.memory_space<vmem>>, vector<1x16xf32>,
      %mul3A_190 = arith.constant 3.125000e-02 : f32
      %mul3A_191 = vector.broadcast %mul3A_190 : f32 to vector<16xf32>
      %mul3A_192 = arith.mulf %scan3A_161#3, %mul3A_191 : vector<16xf32>
      %swap3A_193 = arith.index_cast %add3A_166 : i32 to index
      %swap3A_194 = arith.constant 48 : index
      %swap3A_195 = tpu.vector_load %arg7[%swap3A_193, %swap3A_194] {strides = array<i32>} : memref<256x256xf32, #tpu.memory_space<vmem>>, vector<1x16xf32>,
      %swap3A_196 = vector.shape_cast %swap3A_195 : vector<1x16xf32> to vector<16xf32>
      %swap3A_197 = vector.shape_cast %mul3A_192 : vector<16xf32> to vector<1x16xf32>
      tpu.vector_store %arg7[%swap3A_193, %swap3A_194], %swap3A_197 {strides = array<i32>} : memref<256x256xf32, #tpu.memory_space<vmem>>, vector<1x16xf32>,
      %mul3A_198 = arith.constant 3.125000e-02 : f32
      %mul3A_199 = vector.broadcast %mul3A_198 : f32 to vector<16xf32>
      %mul3A_200 = arith.mulf %scan3A_161#4, %mul3A_199 : vector<16xf32>
      %swap3A_201 = arith.index_cast %add3A_166 : i32 to index
      %swap3A_202 = arith.constant 64 : index
      %swap3A_203 = tpu.vector_load %arg7[%swap3A_201, %swap3A_202] {strides = array<i32>} : memref<256x256xf32, #tpu.memory_space<vmem>>, vector<1x16xf32>,
      %swap3A_204 = vector.shape_cast %swap3A_203 : vector<1x16xf32> to vector<16xf32>
      %swap3A_205 = vector.shape_cast %mul3A_200 : vector<16xf32> to vector<1x16xf32>
      tpu.vector_store %arg7[%swap3A_201, %swap3A_202], %swap3A_205 {strides = array<i32>} : memref<256x256xf32, #tpu.memory_space<vmem>>, vector<1x16xf32>,
      %mul3A_206 = arith.constant 3.125000e-02 : f32
      %mul3A_207 = vector.broadcast %mul3A_206 : f32 to vector<16xf32>
      %mul3A_208 = arith.mulf %scan3A_161#5, %mul3A_207 : vector<16xf32>
      %swap3A_209 = arith.index_cast %add3A_166 : i32 to index
      %swap3A_210 = arith.constant 80 : index
      %swap3A_211 = tpu.vector_load %arg7[%swap3A_209, %swap3A_210] {strides = array<i32>} : memref<256x256xf32, #tpu.memory_space<vmem>>, vector<1x16xf32>,
      %swap3A_212 = vector.shape_cast %swap3A_211 : vector<1x16xf32> to vector<16xf32>
      %swap3A_213 = vector.shape_cast %mul3A_208 : vector<16xf32> to vector<1x16xf32>
      tpu.vector_store %arg7[%swap3A_209, %swap3A_210], %swap3A_213 {strides = array<i32>} : memref<256x256xf32, #tpu.memory_space<vmem>>, vector<1x16xf32>,
      %mul3A_214 = arith.constant 3.125000e-02 : f32
      %mul3A_215 = vector.broadcast %mul3A_214 : f32 to vector<16xf32>
      %mul3A_216 = arith.mulf %scan3A_161#6, %mul3A_215 : vector<16xf32>
      %swap3A_217 = arith.index_cast %add3A_166 : i32 to index
      %swap3A_218 = arith.constant 96 : index
      %swap3A_219 = tpu.vector_load %arg7[%swap3A_217, %swap3A_218] {strides = array<i32>} : memref<256x256xf32, #tpu.memory_space<vmem>>, vector<1x16xf32>,
      %swap3A_220 = vector.shape_cast %swap3A_219 : vector<1x16xf32> to vector<16xf32>
      %swap3A_221 = vector.shape_cast %mul3A_216 : vector<16xf32> to vector<1x16xf32>
      tpu.vector_store %arg7[%swap3A_217, %swap3A_218], %swap3A_221 {strides = array<i32>} : memref<256x256xf32, #tpu.memory_space<vmem>>, vector<1x16xf32>,
      %mul3A_222 = arith.constant 3.125000e-02 : f32
      %mul3A_223 = vector.broadcast %mul3A_222 : f32 to vector<16xf32>
      %mul3A_224 = arith.mulf %scan3A_161#7, %mul3A_223 : vector<16xf32>
      %swap3A_225 = arith.index_cast %add3A_166 : i32 to index
      %swap3A_226 = arith.constant 112 : index
      %swap3A_227 = tpu.vector_load %arg7[%swap3A_225, %swap3A_226] {strides = array<i32>} : memref<256x256xf32, #tpu.memory_space<vmem>>, vector<1x16xf32>,
      %swap3A_228 = vector.shape_cast %swap3A_227 : vector<1x16xf32> to vector<16xf32>
      %swap3A_229 = vector.shape_cast %mul3A_224 : vector<16xf32> to vector<1x16xf32>
      tpu.vector_store %arg7[%swap3A_225, %swap3A_226], %swap3A_229 {strides = array<i32>} : memref<256x256xf32, #tpu.memory_space<vmem>>, vector<1x16xf32>,
      %mul3A_230 = arith.constant 3.125000e-02 : f32
      %mul3A_231 = vector.broadcast %mul3A_230 : f32 to vector<16xf32>
      %mul3A_232 = arith.mulf %scan3A_161#8, %mul3A_231 : vector<16xf32>
      %swap3A_233 = arith.index_cast %add3A_166 : i32 to index
      %swap3A_234 = arith.constant 128 : index
      %swap3A_235 = tpu.vector_load %arg7[%swap3A_233, %swap3A_234] {strides = array<i32>} : memref<256x256xf32, #tpu.memory_space<vmem>>, vector<1x16xf32>,
      %swap3A_236 = vector.shape_cast %swap3A_235 : vector<1x16xf32> to vector<16xf32>
      %swap3A_237 = vector.shape_cast %mul3A_232 : vector<16xf32> to vector<1x16xf32>
      tpu.vector_store %arg7[%swap3A_233, %swap3A_234], %swap3A_237 {strides = array<i32>} : memref<256x256xf32, #tpu.memory_space<vmem>>, vector<1x16xf32>,
      %mul3A_238 = arith.constant 3.125000e-02 : f32
      %mul3A_239 = vector.broadcast %mul3A_238 : f32 to vector<16xf32>
      %mul3A_240 = arith.mulf %scan3A_161#9, %mul3A_239 : vector<16xf32>
      %swap3A_241 = arith.index_cast %add3A_166 : i32 to index
      %swap3A_242 = arith.constant 144 : index
      %swap3A_243 = tpu.vector_load %arg7[%swap3A_241, %swap3A_242] {strides = array<i32>} : memref<256x256xf32, #tpu.memory_space<vmem>>, vector<1x16xf32>,
      %swap3A_244 = vector.shape_cast %swap3A_243 : vector<1x16xf32> to vector<16xf32>
      %swap3A_245 = vector.shape_cast %mul3A_240 : vector<16xf32> to vector<1x16xf32>
      tpu.vector_store %arg7[%swap3A_241, %swap3A_242], %swap3A_245 {strides = array<i32>} : memref<256x256xf32, #tpu.memory_space<vmem>>, vector<1x16xf32>,
      %mul3A_246 = arith.constant 3.125000e-02 : f32
      %mul3A_247 = vector.broadcast %mul3A_246 : f32 to vector<16xf32>
      %mul3A_248 = arith.mulf %scan3A_161#10, %mul3A_247 : vector<16xf32>
      %swap3A_249 = arith.index_cast %add3A_166 : i32 to index
      %swap3A_250 = arith.constant 160 : index
      %swap3A_251 = tpu.vector_load %arg7[%swap3A_249, %swap3A_250] {strides = array<i32>} : memref<256x256xf32, #tpu.memory_space<vmem>>, vector<1x16xf32>,
      %swap3A_252 = vector.shape_cast %swap3A_251 : vector<1x16xf32> to vector<16xf32>
      %swap3A_253 = vector.shape_cast %mul3A_248 : vector<16xf32> to vector<1x16xf32>
      tpu.vector_store %arg7[%swap3A_249, %swap3A_250], %swap3A_253 {strides = array<i32>} : memref<256x256xf32, #tpu.memory_space<vmem>>, vector<1x16xf32>,
      %mul3A_254 = arith.constant 3.125000e-02 : f32
      %mul3A_255 = vector.broadcast %mul3A_254 : f32 to vector<16xf32>
      %mul3A_256 = arith.mulf %scan3A_161#11, %mul3A_255 : vector<16xf32>
      %swap3A_257 = arith.index_cast %add3A_166 : i32 to index
      %swap3A_258 = arith.constant 176 : index
      %swap3A_259 = tpu.vector_load %arg7[%swap3A_257, %swap3A_258] {strides = array<i32>} : memref<256x256xf32, #tpu.memory_space<vmem>>, vector<1x16xf32>,
      %swap3A_260 = vector.shape_cast %swap3A_259 : vector<1x16xf32> to vector<16xf32>
      %swap3A_261 = vector.shape_cast %mul3A_256 : vector<16xf32> to vector<1x16xf32>
      tpu.vector_store %arg7[%swap3A_257, %swap3A_258], %swap3A_261 {strides = array<i32>} : memref<256x256xf32, #tpu.memory_space<vmem>>, vector<1x16xf32>,
      %mul3A_262 = arith.constant 3.125000e-02 : f32
      %mul3A_263 = vector.broadcast %mul3A_262 : f32 to vector<16xf32>
      %mul3A_264 = arith.mulf %scan3A_161#12, %mul3A_263 : vector<16xf32>
      %swap3A_265 = arith.index_cast %add3A_166 : i32 to index
      %swap3A_266 = arith.constant 192 : index
      %swap3A_267 = tpu.vector_load %arg7[%swap3A_265, %swap3A_266] {strides = array<i32>} : memref<256x256xf32, #tpu.memory_space<vmem>>, vector<1x16xf32>,
      %swap3A_268 = vector.shape_cast %swap3A_267 : vector<1x16xf32> to vector<16xf32>
      %swap3A_269 = vector.shape_cast %mul3A_264 : vector<16xf32> to vector<1x16xf32>
      tpu.vector_store %arg7[%swap3A_265, %swap3A_266], %swap3A_269 {strides = array<i32>} : memref<256x256xf32, #tpu.memory_space<vmem>>, vector<1x16xf32>,
      %mul3A_270 = arith.constant 3.125000e-02 : f32
      %mul3A_271 = vector.broadcast %mul3A_270 : f32 to vector<16xf32>
      %mul3A_272 = arith.mulf %scan3A_161#13, %mul3A_271 : vector<16xf32>
      %swap3A_273 = arith.index_cast %add3A_166 : i32 to index
      %swap3A_274 = arith.constant 208 : index
      %swap3A_275 = tpu.vector_load %arg7[%swap3A_273, %swap3A_274] {strides = array<i32>} : memref<256x256xf32, #tpu.memory_space<vmem>>, vector<1x16xf32>,
      %swap3A_276 = vector.shape_cast %swap3A_275 : vector<1x16xf32> to vector<16xf32>
      %swap3A_277 = vector.shape_cast %mul3A_272 : vector<16xf32> to vector<1x16xf32>
      tpu.vector_store %arg7[%swap3A_273, %swap3A_274], %swap3A_277 {strides = array<i32>} : memref<256x256xf32, #tpu.memory_space<vmem>>, vector<1x16xf32>,
      %mul3A_278 = arith.constant 3.125000e-02 : f32
      %mul3A_279 = vector.broadcast %mul3A_278 : f32 to vector<16xf32>
      %mul3A_280 = arith.mulf %scan3A_161#14, %mul3A_279 : vector<16xf32>
      %swap3A_281 = arith.index_cast %add3A_166 : i32 to index
      %swap3A_282 = arith.constant 224 : index
      %swap3A_283 = tpu.vector_load %arg7[%swap3A_281, %swap3A_282] {strides = array<i32>} : memref<256x256xf32, #tpu.memory_space<vmem>>, vector<1x16xf32>,
      %swap3A_284 = vector.shape_cast %swap3A_283 : vector<1x16xf32> to vector<16xf32>
      %swap3A_285 = vector.shape_cast %mul3A_280 : vector<16xf32> to vector<1x16xf32>
      tpu.vector_store %arg7[%swap3A_281, %swap3A_282], %swap3A_285 {strides = array<i32>} : memref<256x256xf32, #tpu.memory_space<vmem>>, vector<1x16xf32>,
      %mul3A_286 = arith.constant 3.125000e-02 : f32
      %mul3A_287 = vector.broadcast %mul3A_286 : f32 to vector<16xf32>
      %mul3A_288 = arith.mulf %scan3A_161#15, %mul3A_287 : vector<16xf32>
      %swap3A_289 = arith.index_cast %add3A_166 : i32 to index
      %swap3A_290 = arith.constant 240 : index
      %swap3A_291 = tpu.vector_load %arg7[%swap3A_289, %swap3A_290] {strides = array<i32>} : memref<256x256xf32, #tpu.memory_space<vmem>>, vector<1x16xf32>,
      %swap3A_292 = vector.shape_cast %swap3A_291 : vector<1x16xf32> to vector<16xf32>
      %swap3A_293 = vector.shape_cast %mul3A_288 : vector<16xf32> to vector<1x16xf32>
      tpu.vector_store %arg7[%swap3A_289, %swap3A_290], %swap3A_293 {strides = array<i32>} : memref<256x256xf32, #tpu.memory_space<vmem>>, vector<1x16xf32>,
      %get3A_294 = arith.constant 0 : i32
      %get3A_295 = arith.constant 32 : i32
      %get3A_296 = arith.index_cast %get3A_294 : i32 to index
      %get3A_297 = arith.index_cast %get3A_295 : i32 to index
      %get3A_298 = arith.constant 0 : index
      %get3A_299 = tpu.vector_load %arg6[%get3A_296, %get3A_297, %get3A_298] {strides = array<i32>} : memref<2x64x256xf32, #tpu.memory_space<vmem>>, vector<1x1x16xf32>,
      %get3A_300 = vector.shape_cast %get3A_299 : vector<1x1x16xf32> to vector<16xf32>
      %get3A_301 = arith.constant 0 : i32
      %get3A_302 = arith.constant 32 : i32
      %get3A_303 = arith.index_cast %get3A_301 : i32 to index
      %get3A_304 = arith.index_cast %get3A_302 : i32 to index
      %get3A_305 = arith.constant 16 : index
      %get3A_306 = tpu.vector_load %arg6[%get3A_303, %get3A_304, %get3A_305] {strides = array<i32>} : memref<2x64x256xf32, #tpu.memory_space<vmem>>, vector<1x1x16xf32>,
      %get3A_307 = vector.shape_cast %get3A_306 : vector<1x1x16xf32> to vector<16xf32>
      %get3A_308 = arith.constant 0 : i32
      %get3A_309 = arith.constant 32 : i32
      %get3A_310 = arith.index_cast %get3A_308 : i32 to index
      %get3A_311 = arith.index_cast %get3A_309 : i32 to index
      %get3A_312 = arith.constant 32 : index
      %get3A_313 = tpu.vector_load %arg6[%get3A_310, %get3A_311, %get3A_312] {strides = array<i32>} : memref<2x64x256xf32, #tpu.memory_space<vmem>>, vector<1x1x16xf32>,
      %get3A_314 = vector.shape_cast %get3A_313 : vector<1x1x16xf32> to vector<16xf32>
      %get3A_315 = arith.constant 0 : i32
      %get3A_316 = arith.constant 32 : i32
      %get3A_317 = arith.index_cast %get3A_315 : i32 to index
      %get3A_318 = arith.index_cast %get3A_316 : i32 to index
      %get3A_319 = arith.constant 48 : index
      %get3A_320 = tpu.vector_load %arg6[%get3A_317, %get3A_318, %get3A_319] {strides = array<i32>} : memref<2x64x256xf32, #tpu.memory_space<vmem>>, vector<1x1x16xf32>,
      %get3A_321 = vector.shape_cast %get3A_320 : vector<1x1x16xf32> to vector<16xf32>
      %get3A_322 = arith.constant 0 : i32
      %get3A_323 = arith.constant 32 : i32
      %get3A_324 = arith.index_cast %get3A_322 : i32 to index
      %get3A_325 = arith.index_cast %get3A_323 : i32 to index
      %get3A_326 = arith.constant 64 : index
      %get3A_327 = tpu.vector_load %arg6[%get3A_324, %get3A_325, %get3A_326] {strides = array<i32>} : memref<2x64x256xf32, #tpu.memory_space<vmem>>, vector<1x1x16xf32>,
      %get3A_328 = vector.shape_cast %get3A_327 : vector<1x1x16xf32> to vector<16xf32>
      %get3A_329 = arith.constant 0 : i32
      %get3A_330 = arith.constant 32 : i32
      %get3A_331 = arith.index_cast %get3A_329 : i32 to index
      %get3A_332 = arith.index_cast %get3A_330 : i32 to index
      %get3A_333 = arith.constant 80 : index
      %get3A_334 = tpu.vector_load %arg6[%get3A_331, %get3A_332, %get3A_333] {strides = array<i32>} : memref<2x64x256xf32, #tpu.memory_space<vmem>>, vector<1x1x16xf32>,
      %get3A_335 = vector.shape_cast %get3A_334 : vector<1x1x16xf32> to vector<16xf32>
      %get3A_336 = arith.constant 0 : i32
      %get3A_337 = arith.constant 32 : i32
      %get3A_338 = arith.index_cast %get3A_336 : i32 to index
      %get3A_339 = arith.index_cast %get3A_337 : i32 to index
      %get3A_340 = arith.constant 96 : index
      %get3A_341 = tpu.vector_load %arg6[%get3A_338, %get3A_339, %get3A_340] {strides = array<i32>} : memref<2x64x256xf32, #tpu.memory_space<vmem>>, vector<1x1x16xf32>,
      %get3A_342 = vector.shape_cast %get3A_341 : vector<1x1x16xf32> to vector<16xf32>
      %get3A_343 = arith.constant 0 : i32
      %get3A_344 = arith.constant 32 : i32
      %get3A_345 = arith.index_cast %get3A_343 : i32 to index
      %get3A_346 = arith.index_cast %get3A_344 : i32 to index
      %get3A_347 = arith.constant 112 : index
      %get3A_348 = tpu.vector_load %arg6[%get3A_345, %get3A_346, %get3A_347] {strides = array<i32>} : memref<2x64x256xf32, #tpu.memory_space<vmem>>, vector<1x1x16xf32>,
      %get3A_349 = vector.shape_cast %get3A_348 : vector<1x1x16xf32> to vector<16xf32>
      %get3A_350 = arith.constant 0 : i32
      %get3A_351 = arith.constant 32 : i32
      %get3A_352 = arith.index_cast %get3A_350 : i32 to index
      %get3A_353 = arith.index_cast %get3A_351 : i32 to index
      %get3A_354 = arith.constant 128 : index
      %get3A_355 = tpu.vector_load %arg6[%get3A_352, %get3A_353, %get3A_354] {strides = array<i32>} : memref<2x64x256xf32, #tpu.memory_space<vmem>>, vector<1x1x16xf32>,
      %get3A_356 = vector.shape_cast %get3A_355 : vector<1x1x16xf32> to vector<16xf32>
      %get3A_357 = arith.constant 0 : i32
      %get3A_358 = arith.constant 32 : i32
      %get3A_359 = arith.index_cast %get3A_357 : i32 to index
      %get3A_360 = arith.index_cast %get3A_358 : i32 to index
      %get3A_361 = arith.constant 144 : index
      %get3A_362 = tpu.vector_load %arg6[%get3A_359, %get3A_360, %get3A_361] {strides = array<i32>} : memref<2x64x256xf32, #tpu.memory_space<vmem>>, vector<1x1x16xf32>,
      %get3A_363 = vector.shape_cast %get3A_362 : vector<1x1x16xf32> to vector<16xf32>
      %get3A_364 = arith.constant 0 : i32
      %get3A_365 = arith.constant 32 : i32
      %get3A_366 = arith.index_cast %get3A_364 : i32 to index
      %get3A_367 = arith.index_cast %get3A_365 : i32 to index
      %get3A_368 = arith.constant 160 : index
      %get3A_369 = tpu.vector_load %arg6[%get3A_366, %get3A_367, %get3A_368] {strides = array<i32>} : memref<2x64x256xf32, #tpu.memory_space<vmem>>, vector<1x1x16xf32>,
      %get3A_370 = vector.shape_cast %get3A_369 : vector<1x1x16xf32> to vector<16xf32>
      %get3A_371 = arith.constant 0 : i32
      %get3A_372 = arith.constant 32 : i32
      %get3A_373 = arith.index_cast %get3A_371 : i32 to index
      %get3A_374 = arith.index_cast %get3A_372 : i32 to index
      %get3A_375 = arith.constant 176 : index
      %get3A_376 = tpu.vector_load %arg6[%get3A_373, %get3A_374, %get3A_375] {strides = array<i32>} : memref<2x64x256xf32, #tpu.memory_space<vmem>>, vector<1x1x16xf32>,
      %get3A_377 = vector.shape_cast %get3A_376 : vector<1x1x16xf32> to vector<16xf32>
      %get3A_378 = arith.constant 0 : i32
      %get3A_379 = arith.constant 32 : i32
      %get3A_380 = arith.index_cast %get3A_378 : i32 to index
      %get3A_381 = arith.index_cast %get3A_379 : i32 to index
      %get3A_382 = arith.constant 192 : index
      %get3A_383 = tpu.vector_load %arg6[%get3A_380, %get3A_381, %get3A_382] {strides = array<i32>} : memref<2x64x256xf32, #tpu.memory_space<vmem>>, vector<1x1x16xf32>,
      %get3A_384 = vector.shape_cast %get3A_383 : vector<1x1x16xf32> to vector<16xf32>
      %get3A_385 = arith.constant 0 : i32
      %get3A_386 = arith.constant 32 : i32
      %get3A_387 = arith.index_cast %get3A_385 : i32 to index
      %get3A_388 = arith.index_cast %get3A_386 : i32 to index
      %get3A_389 = arith.constant 208 : index
      %get3A_390 = tpu.vector_load %arg6[%get3A_387, %get3A_388, %get3A_389] {strides = array<i32>} : memref<2x64x256xf32, #tpu.memory_space<vmem>>, vector<1x1x16xf32>,
      %get3A_391 = vector.shape_cast %get3A_390 : vector<1x1x16xf32> to vector<16xf32>
      %get3A_392 = arith.constant 0 : i32
      %get3A_393 = arith.constant 32 : i32
      %get3A_394 = arith.index_cast %get3A_392 : i32 to index
      %get3A_395 = arith.index_cast %get3A_393 : i32 to index
      %get3A_396 = arith.constant 224 : index
      %get3A_397 = tpu.vector_load %arg6[%get3A_394, %get3A_395, %get3A_396] {strides = array<i32>} : memref<2x64x256xf32, #tpu.memory_space<vmem>>, vector<1x1x16xf32>,
      %get3A_398 = vector.shape_cast %get3A_397 : vector<1x1x16xf32> to vector<16xf32>
      %get3A_399 = arith.constant 0 : i32
      %get3A_400 = arith.constant 32 : i32
      %get3A_401 = arith.index_cast %get3A_399 : i32 to index
      %get3A_402 = arith.index_cast %get3A_400 : i32 to index
      %get3A_403 = arith.constant 240 : index
      %get3A_404 = tpu.vector_load %arg6[%get3A_401, %get3A_402, %get3A_403] {strides = array<i32>} : memref<2x64x256xf32, #tpu.memory_space<vmem>>, vector<1x1x16xf32>,
      %get3A_405 = vector.shape_cast %get3A_404 : vector<1x1x16xf32> to vector<16xf32>
      %scan3A_406 = arith.constant 1 : i32
      %scan3A_407 = arith.constant 31 : i32
      %scan3A_408 = arith.addi %scan3A_406, %scan3A_407 : i32
      %scan3A_409 = arith.constant 1 : i32
      %scan3A_410:16 = scf.for %scan3A_1072 = %scan3A_406 to %scan3A_408 step %scan3A_409 iter_args(%scan3A_1073 = %get3A_300, %scan3A_1074 = %get3A_307, %scan3A_1075 = %get3A_314, %scan3A_1076 = %get3A_321, %scan3A_1077 = %get3A_328, %scan3A_1078 = %get3A_335, %scan3A_1079 = %get3A_342, %scan3A_1080 = %get3A_349, %scan3A_1081 = %get3A_356, %scan3A_1082 = %get3A_363, %scan3A_1083 = %get3A_370, %scan3A_1084 = %get3A_377, %scan3A_1085 = %get3A_384, %scan3A_1086 = %get3A_391, %scan3A_1087 = %get3A_398, %scan3A_1088 = %get3A_405) -> (vector<16xf32>, vector<16xf32>, vector<16xf32>, vector<16xf32>, vector<16xf32>, vector<16xf32>, vector<16xf32>, vector<16xf32>, vector<16xf32>, vector<16xf32>, vector<16xf32>, vector<16xf32>, vector<16xf32>, vector<16xf32>, vector<16xf32>, vector<16xf32>)  : i32 {
        %add3A_1089 = arith.constant 32 : i32
        %add3A_1090 = arith.addi %add3A_1089, %scan3A_1072 : i32
        %get3A_1091 = arith.constant 0 : i32
        %get3A_1092 = arith.index_cast %get3A_1091 : i32 to index
        %get3A_1093 = arith.index_cast %add3A_1090 : i32 to index
        %get3A_1094 = arith.constant 0 : index
        %get3A_1095 = tpu.vector_load %arg6[%get3A_1092, %get3A_1093, %get3A_1094] {strides = array<i32>} : memref<2x64x256xf32, #tpu.memory_space<vmem>>, vector<1x1x16xf32>,
        %get3A_1096 = vector.shape_cast %get3A_1095 : vector<1x1x16xf32> to vector<16xf32>
        %add3A_1097 = arith.addf %scan3A_1073, %get3A_1096 : vector<16xf32>
        %add3A_1098 = arith.constant 32 : i32
        %add3A_1099 = arith.addi %add3A_1098, %scan3A_1072 : i32
        %get3A_1100 = arith.constant 0 : i32
        %get3A_1101 = arith.index_cast %get3A_1100 : i32 to index
        %get3A_1102 = arith.index_cast %add3A_1099 : i32 to index
        %get3A_1103 = arith.constant 16 : index
        %get3A_1104 = tpu.vector_load %arg6[%get3A_1101, %get3A_1102, %get3A_1103] {strides = array<i32>} : memref<2x64x256xf32, #tpu.memory_space<vmem>>, vector<1x1x16xf32>,
        %get3A_1105 = vector.shape_cast %get3A_1104 : vector<1x1x16xf32> to vector<16xf32>
        %add3A_1106 = arith.addf %scan3A_1074, %get3A_1105 : vector<16xf32>
        %add3A_1107 = arith.constant 32 : i32
        %add3A_1108 = arith.addi %add3A_1107, %scan3A_1072 : i32
        %get3A_1109 = arith.constant 0 : i32
        %get3A_1110 = arith.index_cast %get3A_1109 : i32 to index
        %get3A_1111 = arith.index_cast %add3A_1108 : i32 to index
        %get3A_1112 = arith.constant 32 : index
        %get3A_1113 = tpu.vector_load %arg6[%get3A_1110, %get3A_1111, %get3A_1112] {strides = array<i32>} : memref<2x64x256xf32, #tpu.memory_space<vmem>>, vector<1x1x16xf32>,
        %get3A_1114 = vector.shape_cast %get3A_1113 : vector<1x1x16xf32> to vector<16xf32>
        %add3A_1115 = arith.addf %scan3A_1075, %get3A_1114 : vector<16xf32>
        %add3A_1116 = arith.constant 32 : i32
        %add3A_1117 = arith.addi %add3A_1116, %scan3A_1072 : i32
        %get3A_1118 = arith.constant 0 : i32
        %get3A_1119 = arith.index_cast %get3A_1118 : i32 to index
        %get3A_1120 = arith.index_cast %add3A_1117 : i32 to index
        %get3A_1121 = arith.constant 48 : index
        %get3A_1122 = tpu.vector_load %arg6[%get3A_1119, %get3A_1120, %get3A_1121] {strides = array<i32>} : memref<2x64x256xf32, #tpu.memory_space<vmem>>, vector<1x1x16xf32>,
        %get3A_1123 = vector.shape_cast %get3A_1122 : vector<1x1x16xf32> to vector<16xf32>
        %add3A_1124 = arith.addf %scan3A_1076, %get3A_1123 : vector<16xf32>
        %add3A_1125 = arith.constant 32 : i32
        %add3A_1126 = arith.addi %add3A_1125, %scan3A_1072 : i32
        %get3A_1127 = arith.constant 0 : i32
        %get3A_1128 = arith.index_cast %get3A_1127 : i32 to index
        %get3A_1129 = arith.index_cast %add3A_1126 : i32 to index
        %get3A_1130 = arith.constant 64 : index
        %get3A_1131 = tpu.vector_load %arg6[%get3A_1128, %get3A_1129, %get3A_1130] {strides = array<i32>} : memref<2x64x256xf32, #tpu.memory_space<vmem>>, vector<1x1x16xf32>,
        %get3A_1132 = vector.shape_cast %get3A_1131 : vector<1x1x16xf32> to vector<16xf32>
        %add3A_1133 = arith.addf %scan3A_1077, %get3A_1132 : vector<16xf32>
        %add3A_1134 = arith.constant 32 : i32
        %add3A_1135 = arith.addi %add3A_1134, %scan3A_1072 : i32
        %get3A_1136 = arith.constant 0 : i32
        %get3A_1137 = arith.index_cast %get3A_1136 : i32 to index
        %get3A_1138 = arith.index_cast %add3A_1135 : i32 to index
        %get3A_1139 = arith.constant 80 : index
        %get3A_1140 = tpu.vector_load %arg6[%get3A_1137, %get3A_1138, %get3A_1139] {strides = array<i32>} : memref<2x64x256xf32, #tpu.memory_space<vmem>>, vector<1x1x16xf32>,
        %get3A_1141 = vector.shape_cast %get3A_1140 : vector<1x1x16xf32> to vector<16xf32>
        %add3A_1142 = arith.addf %scan3A_1078, %get3A_1141 : vector<16xf32>
        %add3A_1143 = arith.constant 32 : i32
        %add3A_1144 = arith.addi %add3A_1143, %scan3A_1072 : i32
        %get3A_1145 = arith.constant 0 : i32
        %get3A_1146 = arith.index_cast %get3A_1145 : i32 to index
        %get3A_1147 = arith.index_cast %add3A_1144 : i32 to index
        %get3A_1148 = arith.constant 96 : index
        %get3A_1149 = tpu.vector_load %arg6[%get3A_1146, %get3A_1147, %get3A_1148] {strides = array<i32>} : memref<2x64x256xf32, #tpu.memory_space<vmem>>, vector<1x1x16xf32>,
        %get3A_1150 = vector.shape_cast %get3A_1149 : vector<1x1x16xf32> to vector<16xf32>
        %add3A_1151 = arith.addf %scan3A_1079, %get3A_1150 : vector<16xf32>
        %add3A_1152 = arith.constant 32 : i32
        %add3A_1153 = arith.addi %add3A_1152, %scan3A_1072 : i32
        %get3A_1154 = arith.constant 0 : i32
        %get3A_1155 = arith.index_cast %get3A_1154 : i32 to index
        %get3A_1156 = arith.index_cast %add3A_1153 : i32 to index
        %get3A_1157 = arith.constant 112 : index
        %get3A_1158 = tpu.vector_load %arg6[%get3A_1155, %get3A_1156, %get3A_1157] {strides = array<i32>} : memref<2x64x256xf32, #tpu.memory_space<vmem>>, vector<1x1x16xf32>,
        %get3A_1159 = vector.shape_cast %get3A_1158 : vector<1x1x16xf32> to vector<16xf32>
        %add3A_1160 = arith.addf %scan3A_1080, %get3A_1159 : vector<16xf32>
        %add3A_1161 = arith.constant 32 : i32
        %add3A_1162 = arith.addi %add3A_1161, %scan3A_1072 : i32
        %get3A_1163 = arith.constant 0 : i32
        %get3A_1164 = arith.index_cast %get3A_1163 : i32 to index
        %get3A_1165 = arith.index_cast %add3A_1162 : i32 to index
        %get3A_1166 = arith.constant 128 : index
        %get3A_1167 = tpu.vector_load %arg6[%get3A_1164, %get3A_1165, %get3A_1166] {strides = array<i32>} : memref<2x64x256xf32, #tpu.memory_space<vmem>>, vector<1x1x16xf32>,
        %get3A_1168 = vector.shape_cast %get3A_1167 : vector<1x1x16xf32> to vector<16xf32>
        %add3A_1169 = arith.addf %scan3A_1081, %get3A_1168 : vector<16xf32>
        %add3A_1170 = arith.constant 32 : i32
        %add3A_1171 = arith.addi %add3A_1170, %scan3A_1072 : i32
        %get3A_1172 = arith.constant 0 : i32
        %get3A_1173 = arith.index_cast %get3A_1172 : i32 to index
        %get3A_1174 = arith.index_cast %add3A_1171 : i32 to index
        %get3A_1175 = arith.constant 144 : index
        %get3A_1176 = tpu.vector_load %arg6[%get3A_1173, %get3A_1174, %get3A_1175] {strides = array<i32>} : memref<2x64x256xf32, #tpu.memory_space<vmem>>, vector<1x1x16xf32>,
        %get3A_1177 = vector.shape_cast %get3A_1176 : vector<1x1x16xf32> to vector<16xf32>
        %add3A_1178 = arith.addf %scan3A_1082, %get3A_1177 : vector<16xf32>
        %add3A_1179 = arith.constant 32 : i32
        %add3A_1180 = arith.addi %add3A_1179, %scan3A_1072 : i32
        %get3A_1181 = arith.constant 0 : i32
        %get3A_1182 = arith.index_cast %get3A_1181 : i32 to index
        %get3A_1183 = arith.index_cast %add3A_1180 : i32 to index
        %get3A_1184 = arith.constant 160 : index
        %get3A_1185 = tpu.vector_load %arg6[%get3A_1182, %get3A_1183, %get3A_1184] {strides = array<i32>} : memref<2x64x256xf32, #tpu.memory_space<vmem>>, vector<1x1x16xf32>,
        %get3A_1186 = vector.shape_cast %get3A_1185 : vector<1x1x16xf32> to vector<16xf32>
        %add3A_1187 = arith.addf %scan3A_1083, %get3A_1186 : vector<16xf32>
        %add3A_1188 = arith.constant 32 : i32
        %add3A_1189 = arith.addi %add3A_1188, %scan3A_1072 : i32
        %get3A_1190 = arith.constant 0 : i32
        %get3A_1191 = arith.index_cast %get3A_1190 : i32 to index
        %get3A_1192 = arith.index_cast %add3A_1189 : i32 to index
        %get3A_1193 = arith.constant 176 : index
        %get3A_1194 = tpu.vector_load %arg6[%get3A_1191, %get3A_1192, %get3A_1193] {strides = array<i32>} : memref<2x64x256xf32, #tpu.memory_space<vmem>>, vector<1x1x16xf32>,
        %get3A_1195 = vector.shape_cast %get3A_1194 : vector<1x1x16xf32> to vector<16xf32>
        %add3A_1196 = arith.addf %scan3A_1084, %get3A_1195 : vector<16xf32>
        %add3A_1197 = arith.constant 32 : i32
        %add3A_1198 = arith.addi %add3A_1197, %scan3A_1072 : i32
        %get3A_1199 = arith.constant 0 : i32
        %get3A_1200 = arith.index_cast %get3A_1199 : i32 to index
        %get3A_1201 = arith.index_cast %add3A_1198 : i32 to index
        %get3A_1202 = arith.constant 192 : index
        %get3A_1203 = tpu.vector_load %arg6[%get3A_1200, %get3A_1201, %get3A_1202] {strides = array<i32>} : memref<2x64x256xf32, #tpu.memory_space<vmem>>, vector<1x1x16xf32>,
        %get3A_1204 = vector.shape_cast %get3A_1203 : vector<1x1x16xf32> to vector<16xf32>
        %add3A_1205 = arith.addf %scan3A_1085, %get3A_1204 : vector<16xf32>
        %add3A_1206 = arith.constant 32 : i32
        %add3A_1207 = arith.addi %add3A_1206, %scan3A_1072 : i32
        %get3A_1208 = arith.constant 0 : i32
        %get3A_1209 = arith.index_cast %get3A_1208 : i32 to index
        %get3A_1210 = arith.index_cast %add3A_1207 : i32 to index
        %get3A_1211 = arith.constant 208 : index
        %get3A_1212 = tpu.vector_load %arg6[%get3A_1209, %get3A_1210, %get3A_1211] {strides = array<i32>} : memref<2x64x256xf32, #tpu.memory_space<vmem>>, vector<1x1x16xf32>,
        %get3A_1213 = vector.shape_cast %get3A_1212 : vector<1x1x16xf32> to vector<16xf32>
        %add3A_1214 = arith.addf %scan3A_1086, %get3A_1213 : vector<16xf32>
        %add3A_1215 = arith.constant 32 : i32
        %add3A_1216 = arith.addi %add3A_1215, %scan3A_1072 : i32
        %get3A_1217 = arith.constant 0 : i32
        %get3A_1218 = arith.index_cast %get3A_1217 : i32 to index
        %get3A_1219 = arith.index_cast %add3A_1216 : i32 to index
        %get3A_1220 = arith.constant 224 : index
        %get3A_1221 = tpu.vector_load %arg6[%get3A_1218, %get3A_1219, %get3A_1220] {strides = array<i32>} : memref<2x64x256xf32, #tpu.memory_space<vmem>>, vector<1x1x16xf32>,
        %get3A_1222 = vector.shape_cast %get3A_1221 : vector<1x1x16xf32> to vector<16xf32>
        %add3A_1223 = arith.addf %scan3A_1087, %get3A_1222 : vector<16xf32>
        %add3A_1224 = arith.constant 32 : i32
        %add3A_1225 = arith.addi %add3A_1224, %scan3A_1072 : i32
        %get3A_1226 = arith.constant 0 : i32
        %get3A_1227 = arith.index_cast %get3A_1226 : i32 to index
        %get3A_1228 = arith.index_cast %add3A_1225 : i32 to index
        %get3A_1229 = arith.constant 240 : index
        %get3A_1230 = tpu.vector_load %arg6[%get3A_1227, %get3A_1228, %get3A_1229] {strides = array<i32>} : memref<2x64x256xf32, #tpu.memory_space<vmem>>, vector<1x1x16xf32>,
        %get3A_1231 = vector.shape_cast %get3A_1230 : vector<1x1x16xf32> to vector<16xf32>
        %add3A_1232 = arith.addf %scan3A_1088, %get3A_1231 : vector<16xf32>
        scf.yield %add3A_1097, %add3A_1106, %add3A_1115, %add3A_1124, %add3A_1133, %add3A_1142, %add3A_1151, %add3A_1160, %add3A_1169, %add3A_1178, %add3A_1187, %add3A_1196, %add3A_1205, %add3A_1214, %add3A_1223, %add3A_1232 : vector<16xf32>, vector<16xf32>, vector<16xf32>, vector<16xf32>, vector<16xf32>, vector<16xf32>, vector<16xf32>, vector<16xf32>, vector<16xf32>, vector<16xf32>, vector<16xf32>, vector<16xf32>, vector<16xf32>, vector<16xf32>, vector<16xf32>, vector<16xf32>
      }
      %scan3A_411 = arith.constant 31 : i32
      %mul3A_412 = arith.constant 2 : i32
      %mul3A_413 = arith.muli %add3A_33, %mul3A_412 : i32
      %add3A_414 = arith.constant 1 : i32
      %add3A_415 = arith.addi %mul3A_413, %add3A_414 : i32
      %mul3A_416 = arith.constant 3.125000e-02 : f32
      %mul3A_417 = vector.broadcast %mul3A_416 : f32 to vector<16xf32>
      %mul3A_418 = arith.mulf %scan3A_410#0, %mul3A_417 : vector<16xf32>
      %swap3A_419 = arith.index_cast %add3A_415 : i32 to index
      %swap3A_420 = arith.constant 0 : index
      %swap3A_421 = tpu.vector_load %arg7[%swap3A_419, %swap3A_420] {strides = array<i32>} : memref<256x256xf32, #tpu.memory_space<vmem>>, vector<1x16xf32>,
      %swap3A_422 = vector.shape_cast %swap3A_421 : vector<1x16xf32> to vector<16xf32>
      %swap3A_423 = vector.shape_cast %mul3A_418 : vector<16xf32> to vector<1x16xf32>
      tpu.vector_store %arg7[%swap3A_419, %swap3A_420], %swap3A_423 {strides = array<i32>} : memref<256x256xf32, #tpu.memory_space<vmem>>, vector<1x16xf32>,
      %mul3A_424 = arith.constant 3.125000e-02 : f32
      %mul3A_425 = vector.broadcast %mul3A_424 : f32 to vector<16xf32>
      %mul3A_426 = arith.mulf %scan3A_410#1, %mul3A_425 : vector<16xf32>
      %swap3A_427 = arith.index_cast %add3A_415 : i32 to index
      %swap3A_428 = arith.constant 16 : index
      %swap3A_429 = tpu.vector_load %arg7[%swap3A_427, %swap3A_428] {strides = array<i32>} : memref<256x256xf32, #tpu.memory_space<vmem>>, vector<1x16xf32>,
      %swap3A_430 = vector.shape_cast %swap3A_429 : vector<1x16xf32> to vector<16xf32>
      %swap3A_431 = vector.shape_cast %mul3A_426 : vector<16xf32> to vector<1x16xf32>
      tpu.vector_store %arg7[%swap3A_427, %swap3A_428], %swap3A_431 {strides = array<i32>} : memref<256x256xf32, #tpu.memory_space<vmem>>, vector<1x16xf32>,
      %mul3A_432 = arith.constant 3.125000e-02 : f32
      %mul3A_433 = vector.broadcast %mul3A_432 : f32 to vector<16xf32>
      %mul3A_434 = arith.mulf %scan3A_410#2, %mul3A_433 : vector<16xf32>
      %swap3A_435 = arith.index_cast %add3A_415 : i32 to index
      %swap3A_436 = arith.constant 32 : index
      %swap3A_437 = tpu.vector_load %arg7[%swap3A_435, %swap3A_436] {strides = array<i32>} : memref<256x256xf32, #tpu.memory_space<vmem>>, vector<1x16xf32>,
      %swap3A_438 = vector.shape_cast %swap3A_437 : vector<1x16xf32> to vector<16xf32>
      %swap3A_439 = vector.shape_cast %mul3A_434 : vector<16xf32> to vector<1x16xf32>
      tpu.vector_store %arg7[%swap3A_435, %swap3A_436], %swap3A_439 {strides = array<i32>} : memref<256x256xf32, #tpu.memory_space<vmem>>, vector<1x16xf32>,
      %mul3A_440 = arith.constant 3.125000e-02 : f32
      %mul3A_441 = vector.broadcast %mul3A_440 : f32 to vector<16xf32>
      %mul3A_442 = arith.mulf %scan3A_410#3, %mul3A_441 : vector<16xf32>
      %swap3A_443 = arith.index_cast %add3A_415 : i32 to index
      %swap3A_444 = arith.constant 48 : index
      %swap3A_445 = tpu.vector_load %arg7[%swap3A_443, %swap3A_444] {strides = array<i32>} : memref<256x256xf32, #tpu.memory_space<vmem>>, vector<1x16xf32>,
      %swap3A_446 = vector.shape_cast %swap3A_445 : vector<1x16xf32> to vector<16xf32>
      %swap3A_447 = vector.shape_cast %mul3A_442 : vector<16xf32> to vector<1x16xf32>
      tpu.vector_store %arg7[%swap3A_443, %swap3A_444], %swap3A_447 {strides = array<i32>} : memref<256x256xf32, #tpu.memory_space<vmem>>, vector<1x16xf32>,
      %mul3A_448 = arith.constant 3.125000e-02 : f32
      %mul3A_449 = vector.broadcast %mul3A_448 : f32 to vector<16xf32>
      %mul3A_450 = arith.mulf %scan3A_410#4, %mul3A_449 : vector<16xf32>
      %swap3A_451 = arith.index_cast %add3A_415 : i32 to index
      %swap3A_452 = arith.constant 64 : index
      %swap3A_453 = tpu.vector_load %arg7[%swap3A_451, %swap3A_452] {strides = array<i32>} : memref<256x256xf32, #tpu.memory_space<vmem>>, vector<1x16xf32>,
      %swap3A_454 = vector.shape_cast %swap3A_453 : vector<1x16xf32> to vector<16xf32>
      %swap3A_455 = vector.shape_cast %mul3A_450 : vector<16xf32> to vector<1x16xf32>
      tpu.vector_store %arg7[%swap3A_451, %swap3A_452], %swap3A_455 {strides = array<i32>} : memref<256x256xf32, #tpu.memory_space<vmem>>, vector<1x16xf32>,
      %mul3A_456 = arith.constant 3.125000e-02 : f32
      %mul3A_457 = vector.broadcast %mul3A_456 : f32 to vector<16xf32>
      %mul3A_458 = arith.mulf %scan3A_410#5, %mul3A_457 : vector<16xf32>
      %swap3A_459 = arith.index_cast %add3A_415 : i32 to index
      %swap3A_460 = arith.constant 80 : index
      %swap3A_461 = tpu.vector_load %arg7[%swap3A_459, %swap3A_460] {strides = array<i32>} : memref<256x256xf32, #tpu.memory_space<vmem>>, vector<1x16xf32>,
      %swap3A_462 = vector.shape_cast %swap3A_461 : vector<1x16xf32> to vector<16xf32>
      %swap3A_463 = vector.shape_cast %mul3A_458 : vector<16xf32> to vector<1x16xf32>
      tpu.vector_store %arg7[%swap3A_459, %swap3A_460], %swap3A_463 {strides = array<i32>} : memref<256x256xf32, #tpu.memory_space<vmem>>, vector<1x16xf32>,
      %mul3A_464 = arith.constant 3.125000e-02 : f32
      %mul3A_465 = vector.broadcast %mul3A_464 : f32 to vector<16xf32>
      %mul3A_466 = arith.mulf %scan3A_410#6, %mul3A_465 : vector<16xf32>
      %swap3A_467 = arith.index_cast %add3A_415 : i32 to index
      %swap3A_468 = arith.constant 96 : index
      %swap3A_469 = tpu.vector_load %arg7[%swap3A_467, %swap3A_468] {strides = array<i32>} : memref<256x256xf32, #tpu.memory_space<vmem>>, vector<1x16xf32>,
      %swap3A_470 = vector.shape_cast %swap3A_469 : vector<1x16xf32> to vector<16xf32>
      %swap3A_471 = vector.shape_cast %mul3A_466 : vector<16xf32> to vector<1x16xf32>
      tpu.vector_store %arg7[%swap3A_467, %swap3A_468], %swap3A_471 {strides = array<i32>} : memref<256x256xf32, #tpu.memory_space<vmem>>, vector<1x16xf32>,
      %mul3A_472 = arith.constant 3.125000e-02 : f32
      %mul3A_473 = vector.broadcast %mul3A_472 : f32 to vector<16xf32>
      %mul3A_474 = arith.mulf %scan3A_410#7, %mul3A_473 : vector<16xf32>
      %swap3A_475 = arith.index_cast %add3A_415 : i32 to index
      %swap3A_476 = arith.constant 112 : index
      %swap3A_477 = tpu.vector_load %arg7[%swap3A_475, %swap3A_476] {strides = array<i32>} : memref<256x256xf32, #tpu.memory_space<vmem>>, vector<1x16xf32>,
      %swap3A_478 = vector.shape_cast %swap3A_477 : vector<1x16xf32> to vector<16xf32>
      %swap3A_479 = vector.shape_cast %mul3A_474 : vector<16xf32> to vector<1x16xf32>
      tpu.vector_store %arg7[%swap3A_475, %swap3A_476], %swap3A_479 {strides = array<i32>} : memref<256x256xf32, #tpu.memory_space<vmem>>, vector<1x16xf32>,
      %mul3A_480 = arith.constant 3.125000e-02 : f32
      %mul3A_481 = vector.broadcast %mul3A_480 : f32 to vector<16xf32>
      %mul3A_482 = arith.mulf %scan3A_410#8, %mul3A_481 : vector<16xf32>
      %swap3A_483 = arith.index_cast %add3A_415 : i32 to index
      %swap3A_484 = arith.constant 128 : index
      %swap3A_485 = tpu.vector_load %arg7[%swap3A_483, %swap3A_484] {strides = array<i32>} : memref<256x256xf32, #tpu.memory_space<vmem>>, vector<1x16xf32>,
      %swap3A_486 = vector.shape_cast %swap3A_485 : vector<1x16xf32> to vector<16xf32>
      %swap3A_487 = vector.shape_cast %mul3A_482 : vector<16xf32> to vector<1x16xf32>
      tpu.vector_store %arg7[%swap3A_483, %swap3A_484], %swap3A_487 {strides = array<i32>} : memref<256x256xf32, #tpu.memory_space<vmem>>, vector<1x16xf32>,
      %mul3A_488 = arith.constant 3.125000e-02 : f32
      %mul3A_489 = vector.broadcast %mul3A_488 : f32 to vector<16xf32>
      %mul3A_490 = arith.mulf %scan3A_410#9, %mul3A_489 : vector<16xf32>
      %swap3A_491 = arith.index_cast %add3A_415 : i32 to index
      %swap3A_492 = arith.constant 144 : index
      %swap3A_493 = tpu.vector_load %arg7[%swap3A_491, %swap3A_492] {strides = array<i32>} : memref<256x256xf32, #tpu.memory_space<vmem>>, vector<1x16xf32>,
      %swap3A_494 = vector.shape_cast %swap3A_493 : vector<1x16xf32> to vector<16xf32>
      %swap3A_495 = vector.shape_cast %mul3A_490 : vector<16xf32> to vector<1x16xf32>
      tpu.vector_store %arg7[%swap3A_491, %swap3A_492], %swap3A_495 {strides = array<i32>} : memref<256x256xf32, #tpu.memory_space<vmem>>, vector<1x16xf32>,
      %mul3A_496 = arith.constant 3.125000e-02 : f32
      %mul3A_497 = vector.broadcast %mul3A_496 : f32 to vector<16xf32>
      %mul3A_498 = arith.mulf %scan3A_410#10, %mul3A_497 : vector<16xf32>
      %swap3A_499 = arith.index_cast %add3A_415 : i32 to index
      %swap3A_500 = arith.constant 160 : index
      %swap3A_501 = tpu.vector_load %arg7[%swap3A_499, %swap3A_500] {strides = array<i32>} : memref<256x256xf32, #tpu.memory_space<vmem>>, vector<1x16xf32>,
      %swap3A_502 = vector.shape_cast %swap3A_501 : vector<1x16xf32> to vector<16xf32>
      %swap3A_503 = vector.shape_cast %mul3A_498 : vector<16xf32> to vector<1x16xf32>
      tpu.vector_store %arg7[%swap3A_499, %swap3A_500], %swap3A_503 {strides = array<i32>} : memref<256x256xf32, #tpu.memory_space<vmem>>, vector<1x16xf32>,
      %mul3A_504 = arith.constant 3.125000e-02 : f32
      %mul3A_505 = vector.broadcast %mul3A_504 : f32 to vector<16xf32>
      %mul3A_506 = arith.mulf %scan3A_410#11, %mul3A_505 : vector<16xf32>
      %swap3A_507 = arith.index_cast %add3A_415 : i32 to index
      %swap3A_508 = arith.constant 176 : index
      %swap3A_509 = tpu.vector_load %arg7[%swap3A_507, %swap3A_508] {strides = array<i32>} : memref<256x256xf32, #tpu.memory_space<vmem>>, vector<1x16xf32>,
      %swap3A_510 = vector.shape_cast %swap3A_509 : vector<1x16xf32> to vector<16xf32>
      %swap3A_511 = vector.shape_cast %mul3A_506 : vector<16xf32> to vector<1x16xf32>
      tpu.vector_store %arg7[%swap3A_507, %swap3A_508], %swap3A_511 {strides = array<i32>} : memref<256x256xf32, #tpu.memory_space<vmem>>, vector<1x16xf32>,
      %mul3A_512 = arith.constant 3.125000e-02 : f32
      %mul3A_513 = vector.broadcast %mul3A_512 : f32 to vector<16xf32>
      %mul3A_514 = arith.mulf %scan3A_410#12, %mul3A_513 : vector<16xf32>
      %swap3A_515 = arith.index_cast %add3A_415 : i32 to index
      %swap3A_516 = arith.constant 192 : index
      %swap3A_517 = tpu.vector_load %arg7[%swap3A_515, %swap3A_516] {strides = array<i32>} : memref<256x256xf32, #tpu.memory_space<vmem>>, vector<1x16xf32>,
      %swap3A_518 = vector.shape_cast %swap3A_517 : vector<1x16xf32> to vector<16xf32>
      %swap3A_519 = vector.shape_cast %mul3A_514 : vector<16xf32> to vector<1x16xf32>
      tpu.vector_store %arg7[%swap3A_515, %swap3A_516], %swap3A_519 {strides = array<i32>} : memref<256x256xf32, #tpu.memory_space<vmem>>, vector<1x16xf32>,
      %mul3A_520 = arith.constant 3.125000e-02 : f32
      %mul3A_521 = vector.broadcast %mul3A_520 : f32 to vector<16xf32>
      %mul3A_522 = arith.mulf %scan3A_410#13, %mul3A_521 : vector<16xf32>
      %swap3A_523 = arith.index_cast %add3A_415 : i32 to index
      %swap3A_524 = arith.constant 208 : index
      %swap3A_525 = tpu.vector_load %arg7[%swap3A_523, %swap3A_524] {strides = array<i32>} : memref<256x256xf32, #tpu.memory_space<vmem>>, vector<1x16xf32>,
      %swap3A_526 = vector.shape_cast %swap3A_525 : vector<1x16xf32> to vector<16xf32>
      %swap3A_527 = vector.shape_cast %mul3A_522 : vector<16xf32> to vector<1x16xf32>
      tpu.vector_store %arg7[%swap3A_523, %swap3A_524], %swap3A_527 {strides = array<i32>} : memref<256x256xf32, #tpu.memory_space<vmem>>, vector<1x16xf32>,
      %mul3A_528 = arith.constant 3.125000e-02 : f32
      %mul3A_529 = vector.broadcast %mul3A_528 : f32 to vector<16xf32>
      %mul3A_530 = arith.mulf %scan3A_410#14, %mul3A_529 : vector<16xf32>
      %swap3A_531 = arith.index_cast %add3A_415 : i32 to index
      %swap3A_532 = arith.constant 224 : index
      %swap3A_533 = tpu.vector_load %arg7[%swap3A_531, %swap3A_532] {strides = array<i32>} : memref<256x256xf32, #tpu.memory_space<vmem>>, vector<1x16xf32>,
      %swap3A_534 = vector.shape_cast %swap3A_533 : vector<1x16xf32> to vector<16xf32>
      %swap3A_535 = vector.shape_cast %mul3A_530 : vector<16xf32> to vector<1x16xf32>
      tpu.vector_store %arg7[%swap3A_531, %swap3A_532], %swap3A_535 {strides = array<i32>} : memref<256x256xf32, #tpu.memory_space<vmem>>, vector<1x16xf32>,
      %mul3A_536 = arith.constant 3.125000e-02 : f32
      %mul3A_537 = vector.broadcast %mul3A_536 : f32 to vector<16xf32>
      %mul3A_538 = arith.mulf %scan3A_410#15, %mul3A_537 : vector<16xf32>
      %swap3A_539 = arith.index_cast %add3A_415 : i32 to index
      %swap3A_540 = arith.constant 240 : index
      %swap3A_541 = tpu.vector_load %arg7[%swap3A_539, %swap3A_540] {strides = array<i32>} : memref<256x256xf32, #tpu.memory_space<vmem>>, vector<1x16xf32>,
      %swap3A_542 = vector.shape_cast %swap3A_541 : vector<1x16xf32> to vector<16xf32>
      %swap3A_543 = vector.shape_cast %mul3A_538 : vector<16xf32> to vector<1x16xf32>
      tpu.vector_store %arg7[%swap3A_539, %swap3A_540], %swap3A_543 {strides = array<i32>} : memref<256x256xf32, #tpu.memory_space<vmem>>, vector<1x16xf32>,
      %add3A_544 = arith.constant 2 : i32
      %add3A_545 = arith.addi %add3A_33, %add3A_544 : i32
      %lt3A = arith.constant 128 : i32
      %lt3A_546 = arith.cmpi slt, %add3A_545, %lt3A : i32
      %convert_element_type3A = arith.extui %lt3A_546 : i1 to i32
      %cond3A = arith.constant 0 : i32
      %cond3A_547 = arith.cmpi ne, %convert_element_type3A, %cond3A : i32
      scf.if %cond3A_547 {
        %add3A_1072 = arith.constant 2 : i32
        %add3A_1073 = arith.addi %add3A_33, %add3A_1072 : i32
        %mul3A_1074 = arith.constant 2 : i32
        %mul3A_1075 = arith.muli %add3A_1073, %mul3A_1074 : i32
        %mul3A_1076 = arith.constant 32 : i32
        %mul3A_1077 = arith.muli %mul3A_1075, %mul3A_1076 : i32
        %dma_start3A_1078 = arith.constant 0 : i32
        %dma_start3A_1079 = arith.constant 0 : i32
        %dma_start3A_1080 = arith.constant 0 : i32
        %dma_start3A_1081 = tpu.memref_slice %arg6[%dma_start3A_1078, %dma_start3A_1079, %dma_start3A_1080] : memref<2x64x256xf32, #tpu.memory_space<vmem>> -> memref<1x64x256xf32, #tpu.memory_space<vmem>>
        %dma_start3A_1082 = tpu.memref_squeeze %dma_start3A_1081 : memref<1x64x256xf32, #tpu.memory_space<vmem>> -> memref<64x256xf32, #tpu.memory_space<vmem>>
        %dma_start3A_1083 = tpu.memref_slice %arg5[%mul3A_1077] : memref<8192xi32, #tpu.memory_space<vmem>> -> memref<64xi32, #tpu.memory_space<vmem>>
        %dma_start3A_1084 = arith.constant 0 : i32
        %dma_start3A_1085 = arith.constant 0 : i32
        %dma_start3A_1086 = tpu.memref_slice %arg2[%dma_start3A_1084, %dma_start3A_1085] : memref<8192x256xf32, #tpu.memory_space<hbm>> -> memref<8192x256xf32, #tpu.memory_space<hbm>>
        tpu.enqueue_indirect_dma source(%dma_start3A_1086 : memref<8192x256xf32, #tpu.memory_space<hbm>>) target(%dma_start3A_1082 : memref<64x256xf32, #tpu.memory_space<vmem>>) offsets(%dma_start3A_1083 : memref<64xi32, #tpu.memory_space<vmem>>) semaphore(%arg8 : memref<!tpu.dma_semaphore, #tpu.memory_space<semaphore_mem>>)
      } else {
      }
      %mul3A_548 = arith.constant 2 : i32
      %mul3A_549 = arith.muli %mul3A_548, %scan3A_29 : i32
      %add3A_550 = arith.constant 1 : i32
      %add3A_551 = arith.addi %mul3A_549, %add3A_550 : i32
      %mul3A_552 = arith.constant 2 : i32
      %mul3A_553 = arith.muli %add3A_551, %mul3A_552 : i32
      %mul3A_554 = arith.constant 32 : i32
      %mul3A_555 = arith.muli %mul3A_553, %mul3A_554 : i32
      %dma_wait3A_556 = arith.constant 1 : i32
      %dma_wait3A_557 = arith.constant 0 : i32
      %dma_wait3A_558 = arith.constant 0 : i32
      %dma_wait3A_559 = tpu.memref_slice %arg6[%dma_wait3A_556, %dma_wait3A_557, %dma_wait3A_558] : memref<2x64x256xf32, #tpu.memory_space<vmem>> -> memref<1x64x256xf32, #tpu.memory_space<vmem>>
      %dma_wait3A_560 = tpu.memref_squeeze %dma_wait3A_559 : memref<1x64x256xf32, #tpu.memory_space<vmem>> -> memref<64x256xf32, #tpu.memory_space<vmem>>
      %dma_wait3A_561 = tpu.memref_slice %arg5[%mul3A_555] : memref<8192xi32, #tpu.memory_space<vmem>> -> memref<64xi32, #tpu.memory_space<vmem>>
      %dma_wait3A_562 = arith.constant 0 : i32
      %dma_wait3A_563 = arith.constant 0 : i32
      %dma_wait3A_564 = tpu.memref_slice %arg2[%dma_wait3A_562, %dma_wait3A_563] : memref<8192x256xf32, #tpu.memory_space<hbm>> -> memref<8192x256xf32, #tpu.memory_space<hbm>>
      tpu.wait_indirect_dma semaphore(%arg9 : memref<!tpu.dma_semaphore, #tpu.memory_space<semaphore_mem>>) src(%dma_wait3A_564 : memref<8192x256xf32, #tpu.memory_space<hbm>>) dst(%dma_wait3A_560 : memref<64x256xf32, #tpu.memory_space<vmem>>)
      %get3A_565 = arith.constant 1 : i32
      %get3A_566 = arith.constant 0 : i32
      %get3A_567 = arith.index_cast %get3A_565 : i32 to index
      %get3A_568 = arith.index_cast %get3A_566 : i32 to index
      %get3A_569 = arith.constant 0 : index
      %get3A_570 = tpu.vector_load %arg6[%get3A_567, %get3A_568, %get3A_569] {strides = array<i32>} : memref<2x64x256xf32, #tpu.memory_space<vmem>>, vector<1x1x16xf32>,
      %get3A_571 = vector.shape_cast %get3A_570 : vector<1x1x16xf32> to vector<16xf32>
      %get3A_572 = arith.constant 1 : i32
      %get3A_573 = arith.constant 0 : i32
      %get3A_574 = arith.index_cast %get3A_572 : i32 to index
      %get3A_575 = arith.index_cast %get3A_573 : i32 to index
      %get3A_576 = arith.constant 16 : index
      %get3A_577 = tpu.vector_load %arg6[%get3A_574, %get3A_575, %get3A_576] {strides = array<i32>} : memref<2x64x256xf32, #tpu.memory_space<vmem>>, vector<1x1x16xf32>,
      %get3A_578 = vector.shape_cast %get3A_577 : vector<1x1x16xf32> to vector<16xf32>
      %get3A_579 = arith.constant 1 : i32
      %get3A_580 = arith.constant 0 : i32
      %get3A_581 = arith.index_cast %get3A_579 : i32 to index
      %get3A_582 = arith.index_cast %get3A_580 : i32 to index
      %get3A_583 = arith.constant 32 : index
      %get3A_584 = tpu.vector_load %arg6[%get3A_581, %get3A_582, %get3A_583] {strides = array<i32>} : memref<2x64x256xf32, #tpu.memory_space<vmem>>, vector<1x1x16xf32>,
      %get3A_585 = vector.shape_cast %get3A_584 : vector<1x1x16xf32> to vector<16xf32>
      %get3A_586 = arith.constant 1 : i32
      %get3A_587 = arith.constant 0 : i32
      %get3A_588 = arith.index_cast %get3A_586 : i32 to index
      %get3A_589 = arith.index_cast %get3A_587 : i32 to index
      %get3A_590 = arith.constant 48 : index
      %get3A_591 = tpu.vector_load %arg6[%get3A_588, %get3A_589, %get3A_590] {strides = array<i32>} : memref<2x64x256xf32, #tpu.memory_space<vmem>>, vector<1x1x16xf32>,
      %get3A_592 = vector.shape_cast %get3A_591 : vector<1x1x16xf32> to vector<16xf32>
      %get3A_593 = arith.constant 1 : i32
      %get3A_594 = arith.constant 0 : i32
      %get3A_595 = arith.index_cast %get3A_593 : i32 to index
      %get3A_596 = arith.index_cast %get3A_594 : i32 to index
      %get3A_597 = arith.constant 64 : index
      %get3A_598 = tpu.vector_load %arg6[%get3A_595, %get3A_596, %get3A_597] {strides = array<i32>} : memref<2x64x256xf32, #tpu.memory_space<vmem>>, vector<1x1x16xf32>,
      %get3A_599 = vector.shape_cast %get3A_598 : vector<1x1x16xf32> to vector<16xf32>
      %get3A_600 = arith.constant 1 : i32
      %get3A_601 = arith.constant 0 : i32
      %get3A_602 = arith.index_cast %get3A_600 : i32 to index
      %get3A_603 = arith.index_cast %get3A_601 : i32 to index
      %get3A_604 = arith.constant 80 : index
      %get3A_605 = tpu.vector_load %arg6[%get3A_602, %get3A_603, %get3A_604] {strides = array<i32>} : memref<2x64x256xf32, #tpu.memory_space<vmem>>, vector<1x1x16xf32>,
      %get3A_606 = vector.shape_cast %get3A_605 : vector<1x1x16xf32> to vector<16xf32>
      %get3A_607 = arith.constant 1 : i32
      %get3A_608 = arith.constant 0 : i32
      %get3A_609 = arith.index_cast %get3A_607 : i32 to index
      %get3A_610 = arith.index_cast %get3A_608 : i32 to index
      %get3A_611 = arith.constant 96 : index
      %get3A_612 = tpu.vector_load %arg6[%get3A_609, %get3A_610, %get3A_611] {strides = array<i32>} : memref<2x64x256xf32, #tpu.memory_space<vmem>>, vector<1x1x16xf32>,
      %get3A_613 = vector.shape_cast %get3A_612 : vector<1x1x16xf32> to vector<16xf32>
      %get3A_614 = arith.constant 1 : i32
      %get3A_615 = arith.constant 0 : i32
      %get3A_616 = arith.index_cast %get3A_614 : i32 to index
      %get3A_617 = arith.index_cast %get3A_615 : i32 to index
      %get3A_618 = arith.constant 112 : index
      %get3A_619 = tpu.vector_load %arg6[%get3A_616, %get3A_617, %get3A_618] {strides = array<i32>} : memref<2x64x256xf32, #tpu.memory_space<vmem>>, vector<1x1x16xf32>,
      %get3A_620 = vector.shape_cast %get3A_619 : vector<1x1x16xf32> to vector<16xf32>
      %get3A_621 = arith.constant 1 : i32
      %get3A_622 = arith.constant 0 : i32
      %get3A_623 = arith.index_cast %get3A_621 : i32 to index
      %get3A_624 = arith.index_cast %get3A_622 : i32 to index
      %get3A_625 = arith.constant 128 : index
      %get3A_626 = tpu.vector_load %arg6[%get3A_623, %get3A_624, %get3A_625] {strides = array<i32>} : memref<2x64x256xf32, #tpu.memory_space<vmem>>, vector<1x1x16xf32>,
      %get3A_627 = vector.shape_cast %get3A_626 : vector<1x1x16xf32> to vector<16xf32>
      %get3A_628 = arith.constant 1 : i32
      %get3A_629 = arith.constant 0 : i32
      %get3A_630 = arith.index_cast %get3A_628 : i32 to index
      %get3A_631 = arith.index_cast %get3A_629 : i32 to index
      %get3A_632 = arith.constant 144 : index
      %get3A_633 = tpu.vector_load %arg6[%get3A_630, %get3A_631, %get3A_632] {strides = array<i32>} : memref<2x64x256xf32, #tpu.memory_space<vmem>>, vector<1x1x16xf32>,
      %get3A_634 = vector.shape_cast %get3A_633 : vector<1x1x16xf32> to vector<16xf32>
      %get3A_635 = arith.constant 1 : i32
      %get3A_636 = arith.constant 0 : i32
      %get3A_637 = arith.index_cast %get3A_635 : i32 to index
      %get3A_638 = arith.index_cast %get3A_636 : i32 to index
      %get3A_639 = arith.constant 160 : index
      %get3A_640 = tpu.vector_load %arg6[%get3A_637, %get3A_638, %get3A_639] {strides = array<i32>} : memref<2x64x256xf32, #tpu.memory_space<vmem>>, vector<1x1x16xf32>,
      %get3A_641 = vector.shape_cast %get3A_640 : vector<1x1x16xf32> to vector<16xf32>
      %get3A_642 = arith.constant 1 : i32
      %get3A_643 = arith.constant 0 : i32
      %get3A_644 = arith.index_cast %get3A_642 : i32 to index
      %get3A_645 = arith.index_cast %get3A_643 : i32 to index
      %get3A_646 = arith.constant 176 : index
      %get3A_647 = tpu.vector_load %arg6[%get3A_644, %get3A_645, %get3A_646] {strides = array<i32>} : memref<2x64x256xf32, #tpu.memory_space<vmem>>, vector<1x1x16xf32>,
      %get3A_648 = vector.shape_cast %get3A_647 : vector<1x1x16xf32> to vector<16xf32>
      %get3A_649 = arith.constant 1 : i32
      %get3A_650 = arith.constant 0 : i32
      %get3A_651 = arith.index_cast %get3A_649 : i32 to index
      %get3A_652 = arith.index_cast %get3A_650 : i32 to index
      %get3A_653 = arith.constant 192 : index
      %get3A_654 = tpu.vector_load %arg6[%get3A_651, %get3A_652, %get3A_653] {strides = array<i32>} : memref<2x64x256xf32, #tpu.memory_space<vmem>>, vector<1x1x16xf32>,
      %get3A_655 = vector.shape_cast %get3A_654 : vector<1x1x16xf32> to vector<16xf32>
      %get3A_656 = arith.constant 1 : i32
      %get3A_657 = arith.constant 0 : i32
      %get3A_658 = arith.index_cast %get3A_656 : i32 to index
      %get3A_659 = arith.index_cast %get3A_657 : i32 to index
      %get3A_660 = arith.constant 208 : index
      %get3A_661 = tpu.vector_load %arg6[%get3A_658, %get3A_659, %get3A_660] {strides = array<i32>} : memref<2x64x256xf32, #tpu.memory_space<vmem>>, vector<1x1x16xf32>,
      %get3A_662 = vector.shape_cast %get3A_661 : vector<1x1x16xf32> to vector<16xf32>
      %get3A_663 = arith.constant 1 : i32
      %get3A_664 = arith.constant 0 : i32
      %get3A_665 = arith.index_cast %get3A_663 : i32 to index
      %get3A_666 = arith.index_cast %get3A_664 : i32 to index
      %get3A_667 = arith.constant 224 : index
      %get3A_668 = tpu.vector_load %arg6[%get3A_665, %get3A_666, %get3A_667] {strides = array<i32>} : memref<2x64x256xf32, #tpu.memory_space<vmem>>, vector<1x1x16xf32>,
      %get3A_669 = vector.shape_cast %get3A_668 : vector<1x1x16xf32> to vector<16xf32>
      %get3A_670 = arith.constant 1 : i32
      %get3A_671 = arith.constant 0 : i32
      %get3A_672 = arith.index_cast %get3A_670 : i32 to index
      %get3A_673 = arith.index_cast %get3A_671 : i32 to index
      %get3A_674 = arith.constant 240 : index
      %get3A_675 = tpu.vector_load %arg6[%get3A_672, %get3A_673, %get3A_674] {strides = array<i32>} : memref<2x64x256xf32, #tpu.memory_space<vmem>>, vector<1x1x16xf32>,
      %get3A_676 = vector.shape_cast %get3A_675 : vector<1x1x16xf32> to vector<16xf32>
      %scan3A_677 = arith.constant 1 : i32
      %scan3A_678 = arith.constant 31 : i32
      %scan3A_679 = arith.addi %scan3A_677, %scan3A_678 : i32
      %scan3A_680 = arith.constant 1 : i32
      %scan3A_681:16 = scf.for %scan3A_1072 = %scan3A_677 to %scan3A_679 step %scan3A_680 iter_args(%scan3A_1073 = %get3A_571, %scan3A_1074 = %get3A_578, %scan3A_1075 = %get3A_585, %scan3A_1076 = %get3A_592, %scan3A_1077 = %get3A_599, %scan3A_1078 = %get3A_606, %scan3A_1079 = %get3A_613, %scan3A_1080 = %get3A_620, %scan3A_1081 = %get3A_627, %scan3A_1082 = %get3A_634, %scan3A_1083 = %get3A_641, %scan3A_1084 = %get3A_648, %scan3A_1085 = %get3A_655, %scan3A_1086 = %get3A_662, %scan3A_1087 = %get3A_669, %scan3A_1088 = %get3A_676) -> (vector<16xf32>, vector<16xf32>, vector<16xf32>, vector<16xf32>, vector<16xf32>, vector<16xf32>, vector<16xf32>, vector<16xf32>, vector<16xf32>, vector<16xf32>, vector<16xf32>, vector<16xf32>, vector<16xf32>, vector<16xf32>, vector<16xf32>, vector<16xf32>)  : i32 {
        %add3A_1089 = arith.constant 0 : i32
        %add3A_1090 = arith.addi %add3A_1089, %scan3A_1072 : i32
        %get3A_1091 = arith.constant 1 : i32
        %get3A_1092 = arith.index_cast %get3A_1091 : i32 to index
        %get3A_1093 = arith.index_cast %add3A_1090 : i32 to index
        %get3A_1094 = arith.constant 0 : index
        %get3A_1095 = tpu.vector_load %arg6[%get3A_1092, %get3A_1093, %get3A_1094] {strides = array<i32>} : memref<2x64x256xf32, #tpu.memory_space<vmem>>, vector<1x1x16xf32>,
        %get3A_1096 = vector.shape_cast %get3A_1095 : vector<1x1x16xf32> to vector<16xf32>
        %add3A_1097 = arith.addf %scan3A_1073, %get3A_1096 : vector<16xf32>
        %add3A_1098 = arith.constant 0 : i32
        %add3A_1099 = arith.addi %add3A_1098, %scan3A_1072 : i32
        %get3A_1100 = arith.constant 1 : i32
        %get3A_1101 = arith.index_cast %get3A_1100 : i32 to index
        %get3A_1102 = arith.index_cast %add3A_1099 : i32 to index
        %get3A_1103 = arith.constant 16 : index
        %get3A_1104 = tpu.vector_load %arg6[%get3A_1101, %get3A_1102, %get3A_1103] {strides = array<i32>} : memref<2x64x256xf32, #tpu.memory_space<vmem>>, vector<1x1x16xf32>,
        %get3A_1105 = vector.shape_cast %get3A_1104 : vector<1x1x16xf32> to vector<16xf32>
        %add3A_1106 = arith.addf %scan3A_1074, %get3A_1105 : vector<16xf32>
        %add3A_1107 = arith.constant 0 : i32
        %add3A_1108 = arith.addi %add3A_1107, %scan3A_1072 : i32
        %get3A_1109 = arith.constant 1 : i32
        %get3A_1110 = arith.index_cast %get3A_1109 : i32 to index
        %get3A_1111 = arith.index_cast %add3A_1108 : i32 to index
        %get3A_1112 = arith.constant 32 : index
        %get3A_1113 = tpu.vector_load %arg6[%get3A_1110, %get3A_1111, %get3A_1112] {strides = array<i32>} : memref<2x64x256xf32, #tpu.memory_space<vmem>>, vector<1x1x16xf32>,
        %get3A_1114 = vector.shape_cast %get3A_1113 : vector<1x1x16xf32> to vector<16xf32>
        %add3A_1115 = arith.addf %scan3A_1075, %get3A_1114 : vector<16xf32>
        %add3A_1116 = arith.constant 0 : i32
        %add3A_1117 = arith.addi %add3A_1116, %scan3A_1072 : i32
        %get3A_1118 = arith.constant 1 : i32
        %get3A_1119 = arith.index_cast %get3A_1118 : i32 to index
        %get3A_1120 = arith.index_cast %add3A_1117 : i32 to index
        %get3A_1121 = arith.constant 48 : index
        %get3A_1122 = tpu.vector_load %arg6[%get3A_1119, %get3A_1120, %get3A_1121] {strides = array<i32>} : memref<2x64x256xf32, #tpu.memory_space<vmem>>, vector<1x1x16xf32>,
        %get3A_1123 = vector.shape_cast %get3A_1122 : vector<1x1x16xf32> to vector<16xf32>
        %add3A_1124 = arith.addf %scan3A_1076, %get3A_1123 : vector<16xf32>
        %add3A_1125 = arith.constant 0 : i32
        %add3A_1126 = arith.addi %add3A_1125, %scan3A_1072 : i32
        %get3A_1127 = arith.constant 1 : i32
        %get3A_1128 = arith.index_cast %get3A_1127 : i32 to index
        %get3A_1129 = arith.index_cast %add3A_1126 : i32 to index
        %get3A_1130 = arith.constant 64 : index
        %get3A_1131 = tpu.vector_load %arg6[%get3A_1128, %get3A_1129, %get3A_1130] {strides = array<i32>} : memref<2x64x256xf32, #tpu.memory_space<vmem>>, vector<1x1x16xf32>,
        %get3A_1132 = vector.shape_cast %get3A_1131 : vector<1x1x16xf32> to vector<16xf32>
        %add3A_1133 = arith.addf %scan3A_1077, %get3A_1132 : vector<16xf32>
        %add3A_1134 = arith.constant 0 : i32
        %add3A_1135 = arith.addi %add3A_1134, %scan3A_1072 : i32
        %get3A_1136 = arith.constant 1 : i32
        %get3A_1137 = arith.index_cast %get3A_1136 : i32 to index
        %get3A_1138 = arith.index_cast %add3A_1135 : i32 to index
        %get3A_1139 = arith.constant 80 : index
        %get3A_1140 = tpu.vector_load %arg6[%get3A_1137, %get3A_1138, %get3A_1139] {strides = array<i32>} : memref<2x64x256xf32, #tpu.memory_space<vmem>>, vector<1x1x16xf32>,
        %get3A_1141 = vector.shape_cast %get3A_1140 : vector<1x1x16xf32> to vector<16xf32>
        %add3A_1142 = arith.addf %scan3A_1078, %get3A_1141 : vector<16xf32>
        %add3A_1143 = arith.constant 0 : i32
        %add3A_1144 = arith.addi %add3A_1143, %scan3A_1072 : i32
        %get3A_1145 = arith.constant 1 : i32
        %get3A_1146 = arith.index_cast %get3A_1145 : i32 to index
        %get3A_1147 = arith.index_cast %add3A_1144 : i32 to index
        %get3A_1148 = arith.constant 96 : index
        %get3A_1149 = tpu.vector_load %arg6[%get3A_1146, %get3A_1147, %get3A_1148] {strides = array<i32>} : memref<2x64x256xf32, #tpu.memory_space<vmem>>, vector<1x1x16xf32>,
        %get3A_1150 = vector.shape_cast %get3A_1149 : vector<1x1x16xf32> to vector<16xf32>
        %add3A_1151 = arith.addf %scan3A_1079, %get3A_1150 : vector<16xf32>
        %add3A_1152 = arith.constant 0 : i32
        %add3A_1153 = arith.addi %add3A_1152, %scan3A_1072 : i32
        %get3A_1154 = arith.constant 1 : i32
        %get3A_1155 = arith.index_cast %get3A_1154 : i32 to index
        %get3A_1156 = arith.index_cast %add3A_1153 : i32 to index
        %get3A_1157 = arith.constant 112 : index
        %get3A_1158 = tpu.vector_load %arg6[%get3A_1155, %get3A_1156, %get3A_1157] {strides = array<i32>} : memref<2x64x256xf32, #tpu.memory_space<vmem>>, vector<1x1x16xf32>,
        %get3A_1159 = vector.shape_cast %get3A_1158 : vector<1x1x16xf32> to vector<16xf32>
        %add3A_1160 = arith.addf %scan3A_1080, %get3A_1159 : vector<16xf32>
        %add3A_1161 = arith.constant 0 : i32
        %add3A_1162 = arith.addi %add3A_1161, %scan3A_1072 : i32
        %get3A_1163 = arith.constant 1 : i32
        %get3A_1164 = arith.index_cast %get3A_1163 : i32 to index
        %get3A_1165 = arith.index_cast %add3A_1162 : i32 to index
        %get3A_1166 = arith.constant 128 : index
        %get3A_1167 = tpu.vector_load %arg6[%get3A_1164, %get3A_1165, %get3A_1166] {strides = array<i32>} : memref<2x64x256xf32, #tpu.memory_space<vmem>>, vector<1x1x16xf32>,
        %get3A_1168 = vector.shape_cast %get3A_1167 : vector<1x1x16xf32> to vector<16xf32>
        %add3A_1169 = arith.addf %scan3A_1081, %get3A_1168 : vector<16xf32>
        %add3A_1170 = arith.constant 0 : i32
        %add3A_1171 = arith.addi %add3A_1170, %scan3A_1072 : i32
        %get3A_1172 = arith.constant 1 : i32
        %get3A_1173 = arith.index_cast %get3A_1172 : i32 to index
        %get3A_1174 = arith.index_cast %add3A_1171 : i32 to index
        %get3A_1175 = arith.constant 144 : index
        %get3A_1176 = tpu.vector_load %arg6[%get3A_1173, %get3A_1174, %get3A_1175] {strides = array<i32>} : memref<2x64x256xf32, #tpu.memory_space<vmem>>, vector<1x1x16xf32>,
        %get3A_1177 = vector.shape_cast %get3A_1176 : vector<1x1x16xf32> to vector<16xf32>
        %add3A_1178 = arith.addf %scan3A_1082, %get3A_1177 : vector<16xf32>
        %add3A_1179 = arith.constant 0 : i32
        %add3A_1180 = arith.addi %add3A_1179, %scan3A_1072 : i32
        %get3A_1181 = arith.constant 1 : i32
        %get3A_1182 = arith.index_cast %get3A_1181 : i32 to index
        %get3A_1183 = arith.index_cast %add3A_1180 : i32 to index
        %get3A_1184 = arith.constant 160 : index
        %get3A_1185 = tpu.vector_load %arg6[%get3A_1182, %get3A_1183, %get3A_1184] {strides = array<i32>} : memref<2x64x256xf32, #tpu.memory_space<vmem>>, vector<1x1x16xf32>,
        %get3A_1186 = vector.shape_cast %get3A_1185 : vector<1x1x16xf32> to vector<16xf32>
        %add3A_1187 = arith.addf %scan3A_1083, %get3A_1186 : vector<16xf32>
        %add3A_1188 = arith.constant 0 : i32
        %add3A_1189 = arith.addi %add3A_1188, %scan3A_1072 : i32
        %get3A_1190 = arith.constant 1 : i32
        %get3A_1191 = arith.index_cast %get3A_1190 : i32 to index
        %get3A_1192 = arith.index_cast %add3A_1189 : i32 to index
        %get3A_1193 = arith.constant 176 : index
        %get3A_1194 = tpu.vector_load %arg6[%get3A_1191, %get3A_1192, %get3A_1193] {strides = array<i32>} : memref<2x64x256xf32, #tpu.memory_space<vmem>>, vector<1x1x16xf32>,
        %get3A_1195 = vector.shape_cast %get3A_1194 : vector<1x1x16xf32> to vector<16xf32>
        %add3A_1196 = arith.addf %scan3A_1084, %get3A_1195 : vector<16xf32>
        %add3A_1197 = arith.constant 0 : i32
        %add3A_1198 = arith.addi %add3A_1197, %scan3A_1072 : i32
        %get3A_1199 = arith.constant 1 : i32
        %get3A_1200 = arith.index_cast %get3A_1199 : i32 to index
        %get3A_1201 = arith.index_cast %add3A_1198 : i32 to index
        %get3A_1202 = arith.constant 192 : index
        %get3A_1203 = tpu.vector_load %arg6[%get3A_1200, %get3A_1201, %get3A_1202] {strides = array<i32>} : memref<2x64x256xf32, #tpu.memory_space<vmem>>, vector<1x1x16xf32>,
        %get3A_1204 = vector.shape_cast %get3A_1203 : vector<1x1x16xf32> to vector<16xf32>
        %add3A_1205 = arith.addf %scan3A_1085, %get3A_1204 : vector<16xf32>
        %add3A_1206 = arith.constant 0 : i32
        %add3A_1207 = arith.addi %add3A_1206, %scan3A_1072 : i32
        %get3A_1208 = arith.constant 1 : i32
        %get3A_1209 = arith.index_cast %get3A_1208 : i32 to index
        %get3A_1210 = arith.index_cast %add3A_1207 : i32 to index
        %get3A_1211 = arith.constant 208 : index
        %get3A_1212 = tpu.vector_load %arg6[%get3A_1209, %get3A_1210, %get3A_1211] {strides = array<i32>} : memref<2x64x256xf32, #tpu.memory_space<vmem>>, vector<1x1x16xf32>,
        %get3A_1213 = vector.shape_cast %get3A_1212 : vector<1x1x16xf32> to vector<16xf32>
        %add3A_1214 = arith.addf %scan3A_1086, %get3A_1213 : vector<16xf32>
        %add3A_1215 = arith.constant 0 : i32
        %add3A_1216 = arith.addi %add3A_1215, %scan3A_1072 : i32
        %get3A_1217 = arith.constant 1 : i32
        %get3A_1218 = arith.index_cast %get3A_1217 : i32 to index
        %get3A_1219 = arith.index_cast %add3A_1216 : i32 to index
        %get3A_1220 = arith.constant 224 : index
        %get3A_1221 = tpu.vector_load %arg6[%get3A_1218, %get3A_1219, %get3A_1220] {strides = array<i32>} : memref<2x64x256xf32, #tpu.memory_space<vmem>>, vector<1x1x16xf32>,
        %get3A_1222 = vector.shape_cast %get3A_1221 : vector<1x1x16xf32> to vector<16xf32>
        %add3A_1223 = arith.addf %scan3A_1087, %get3A_1222 : vector<16xf32>
        %add3A_1224 = arith.constant 0 : i32
        %add3A_1225 = arith.addi %add3A_1224, %scan3A_1072 : i32
        %get3A_1226 = arith.constant 1 : i32
        %get3A_1227 = arith.index_cast %get3A_1226 : i32 to index
        %get3A_1228 = arith.index_cast %add3A_1225 : i32 to index
        %get3A_1229 = arith.constant 240 : index
        %get3A_1230 = tpu.vector_load %arg6[%get3A_1227, %get3A_1228, %get3A_1229] {strides = array<i32>} : memref<2x64x256xf32, #tpu.memory_space<vmem>>, vector<1x1x16xf32>,
        %get3A_1231 = vector.shape_cast %get3A_1230 : vector<1x1x16xf32> to vector<16xf32>
        %add3A_1232 = arith.addf %scan3A_1088, %get3A_1231 : vector<16xf32>
        scf.yield %add3A_1097, %add3A_1106, %add3A_1115, %add3A_1124, %add3A_1133, %add3A_1142, %add3A_1151, %add3A_1160, %add3A_1169, %add3A_1178, %add3A_1187, %add3A_1196, %add3A_1205, %add3A_1214, %add3A_1223, %add3A_1232 : vector<16xf32>, vector<16xf32>, vector<16xf32>, vector<16xf32>, vector<16xf32>, vector<16xf32>, vector<16xf32>, vector<16xf32>, vector<16xf32>, vector<16xf32>, vector<16xf32>, vector<16xf32>, vector<16xf32>, vector<16xf32>, vector<16xf32>, vector<16xf32>
      }
      %scan3A_682 = arith.constant 31 : i32
      %mul3A_683 = arith.constant 2 : i32
      %mul3A_684 = arith.muli %add3A_551, %mul3A_683 : i32
      %add3A_685 = arith.constant 0 : i32
      %add3A_686 = arith.addi %mul3A_684, %add3A_685 : i32
      %mul3A_687 = arith.constant 3.125000e-02 : f32
      %mul3A_688 = vector.broadcast %mul3A_687 : f32 to vector<16xf32>
      %mul3A_689 = arith.mulf %scan3A_681#0, %mul3A_688 : vector<16xf32>
      %swap3A_690 = arith.index_cast %add3A_686 : i32 to index
      %swap3A_691 = arith.constant 0 : index
      %swap3A_692 = tpu.vector_load %arg7[%swap3A_690, %swap3A_691] {strides = array<i32>} : memref<256x256xf32, #tpu.memory_space<vmem>>, vector<1x16xf32>,
      %swap3A_693 = vector.shape_cast %swap3A_692 : vector<1x16xf32> to vector<16xf32>
      %swap3A_694 = vector.shape_cast %mul3A_689 : vector<16xf32> to vector<1x16xf32>
      tpu.vector_store %arg7[%swap3A_690, %swap3A_691], %swap3A_694 {strides = array<i32>} : memref<256x256xf32, #tpu.memory_space<vmem>>, vector<1x16xf32>,
      %mul3A_695 = arith.constant 3.125000e-02 : f32
      %mul3A_696 = vector.broadcast %mul3A_695 : f32 to vector<16xf32>
      %mul3A_697 = arith.mulf %scan3A_681#1, %mul3A_696 : vector<16xf32>
      %swap3A_698 = arith.index_cast %add3A_686 : i32 to index
      %swap3A_699 = arith.constant 16 : index
      %swap3A_700 = tpu.vector_load %arg7[%swap3A_698, %swap3A_699] {strides = array<i32>} : memref<256x256xf32, #tpu.memory_space<vmem>>, vector<1x16xf32>,
      %swap3A_701 = vector.shape_cast %swap3A_700 : vector<1x16xf32> to vector<16xf32>
      %swap3A_702 = vector.shape_cast %mul3A_697 : vector<16xf32> to vector<1x16xf32>
      tpu.vector_store %arg7[%swap3A_698, %swap3A_699], %swap3A_702 {strides = array<i32>} : memref<256x256xf32, #tpu.memory_space<vmem>>, vector<1x16xf32>,
      %mul3A_703 = arith.constant 3.125000e-02 : f32
      %mul3A_704 = vector.broadcast %mul3A_703 : f32 to vector<16xf32>
      %mul3A_705 = arith.mulf %scan3A_681#2, %mul3A_704 : vector<16xf32>
      %swap3A_706 = arith.index_cast %add3A_686 : i32 to index
      %swap3A_707 = arith.constant 32 : index
      %swap3A_708 = tpu.vector_load %arg7[%swap3A_706, %swap3A_707] {strides = array<i32>} : memref<256x256xf32, #tpu.memory_space<vmem>>, vector<1x16xf32>,
      %swap3A_709 = vector.shape_cast %swap3A_708 : vector<1x16xf32> to vector<16xf32>
      %swap3A_710 = vector.shape_cast %mul3A_705 : vector<16xf32> to vector<1x16xf32>
      tpu.vector_store %arg7[%swap3A_706, %swap3A_707], %swap3A_710 {strides = array<i32>} : memref<256x256xf32, #tpu.memory_space<vmem>>, vector<1x16xf32>,
      %mul3A_711 = arith.constant 3.125000e-02 : f32
      %mul3A_712 = vector.broadcast %mul3A_711 : f32 to vector<16xf32>
      %mul3A_713 = arith.mulf %scan3A_681#3, %mul3A_712 : vector<16xf32>
      %swap3A_714 = arith.index_cast %add3A_686 : i32 to index
      %swap3A_715 = arith.constant 48 : index
      %swap3A_716 = tpu.vector_load %arg7[%swap3A_714, %swap3A_715] {strides = array<i32>} : memref<256x256xf32, #tpu.memory_space<vmem>>, vector<1x16xf32>,
      %swap3A_717 = vector.shape_cast %swap3A_716 : vector<1x16xf32> to vector<16xf32>
      %swap3A_718 = vector.shape_cast %mul3A_713 : vector<16xf32> to vector<1x16xf32>
      tpu.vector_store %arg7[%swap3A_714, %swap3A_715], %swap3A_718 {strides = array<i32>} : memref<256x256xf32, #tpu.memory_space<vmem>>, vector<1x16xf32>,
      %mul3A_719 = arith.constant 3.125000e-02 : f32
      %mul3A_720 = vector.broadcast %mul3A_719 : f32 to vector<16xf32>
      %mul3A_721 = arith.mulf %scan3A_681#4, %mul3A_720 : vector<16xf32>
      %swap3A_722 = arith.index_cast %add3A_686 : i32 to index
      %swap3A_723 = arith.constant 64 : index
      %swap3A_724 = tpu.vector_load %arg7[%swap3A_722, %swap3A_723] {strides = array<i32>} : memref<256x256xf32, #tpu.memory_space<vmem>>, vector<1x16xf32>,
      %swap3A_725 = vector.shape_cast %swap3A_724 : vector<1x16xf32> to vector<16xf32>
      %swap3A_726 = vector.shape_cast %mul3A_721 : vector<16xf32> to vector<1x16xf32>
      tpu.vector_store %arg7[%swap3A_722, %swap3A_723], %swap3A_726 {strides = array<i32>} : memref<256x256xf32, #tpu.memory_space<vmem>>, vector<1x16xf32>,
      %mul3A_727 = arith.constant 3.125000e-02 : f32
      %mul3A_728 = vector.broadcast %mul3A_727 : f32 to vector<16xf32>
      %mul3A_729 = arith.mulf %scan3A_681#5, %mul3A_728 : vector<16xf32>
      %swap3A_730 = arith.index_cast %add3A_686 : i32 to index
      %swap3A_731 = arith.constant 80 : index
      %swap3A_732 = tpu.vector_load %arg7[%swap3A_730, %swap3A_731] {strides = array<i32>} : memref<256x256xf32, #tpu.memory_space<vmem>>, vector<1x16xf32>,
      %swap3A_733 = vector.shape_cast %swap3A_732 : vector<1x16xf32> to vector<16xf32>
      %swap3A_734 = vector.shape_cast %mul3A_729 : vector<16xf32> to vector<1x16xf32>
      tpu.vector_store %arg7[%swap3A_730, %swap3A_731], %swap3A_734 {strides = array<i32>} : memref<256x256xf32, #tpu.memory_space<vmem>>, vector<1x16xf32>,
      %mul3A_735 = arith.constant 3.125000e-02 : f32
      %mul3A_736 = vector.broadcast %mul3A_735 : f32 to vector<16xf32>
      %mul3A_737 = arith.mulf %scan3A_681#6, %mul3A_736 : vector<16xf32>
      %swap3A_738 = arith.index_cast %add3A_686 : i32 to index
      %swap3A_739 = arith.constant 96 : index
      %swap3A_740 = tpu.vector_load %arg7[%swap3A_738, %swap3A_739] {strides = array<i32>} : memref<256x256xf32, #tpu.memory_space<vmem>>, vector<1x16xf32>,
      %swap3A_741 = vector.shape_cast %swap3A_740 : vector<1x16xf32> to vector<16xf32>
      %swap3A_742 = vector.shape_cast %mul3A_737 : vector<16xf32> to vector<1x16xf32>
      tpu.vector_store %arg7[%swap3A_738, %swap3A_739], %swap3A_742 {strides = array<i32>} : memref<256x256xf32, #tpu.memory_space<vmem>>, vector<1x16xf32>,
      %mul3A_743 = arith.constant 3.125000e-02 : f32
      %mul3A_744 = vector.broadcast %mul3A_743 : f32 to vector<16xf32>
      %mul3A_745 = arith.mulf %scan3A_681#7, %mul3A_744 : vector<16xf32>
      %swap3A_746 = arith.index_cast %add3A_686 : i32 to index
      %swap3A_747 = arith.constant 112 : index
      %swap3A_748 = tpu.vector_load %arg7[%swap3A_746, %swap3A_747] {strides = array<i32>} : memref<256x256xf32, #tpu.memory_space<vmem>>, vector<1x16xf32>,
      %swap3A_749 = vector.shape_cast %swap3A_748 : vector<1x16xf32> to vector<16xf32>
      %swap3A_750 = vector.shape_cast %mul3A_745 : vector<16xf32> to vector<1x16xf32>
      tpu.vector_store %arg7[%swap3A_746, %swap3A_747], %swap3A_750 {strides = array<i32>} : memref<256x256xf32, #tpu.memory_space<vmem>>, vector<1x16xf32>,
      %mul3A_751 = arith.constant 3.125000e-02 : f32
      %mul3A_752 = vector.broadcast %mul3A_751 : f32 to vector<16xf32>
      %mul3A_753 = arith.mulf %scan3A_681#8, %mul3A_752 : vector<16xf32>
      %swap3A_754 = arith.index_cast %add3A_686 : i32 to index
      %swap3A_755 = arith.constant 128 : index
      %swap3A_756 = tpu.vector_load %arg7[%swap3A_754, %swap3A_755] {strides = array<i32>} : memref<256x256xf32, #tpu.memory_space<vmem>>, vector<1x16xf32>,
      %swap3A_757 = vector.shape_cast %swap3A_756 : vector<1x16xf32> to vector<16xf32>
      %swap3A_758 = vector.shape_cast %mul3A_753 : vector<16xf32> to vector<1x16xf32>
      tpu.vector_store %arg7[%swap3A_754, %swap3A_755], %swap3A_758 {strides = array<i32>} : memref<256x256xf32, #tpu.memory_space<vmem>>, vector<1x16xf32>,
      %mul3A_759 = arith.constant 3.125000e-02 : f32
      %mul3A_760 = vector.broadcast %mul3A_759 : f32 to vector<16xf32>
      %mul3A_761 = arith.mulf %scan3A_681#9, %mul3A_760 : vector<16xf32>
      %swap3A_762 = arith.index_cast %add3A_686 : i32 to index
      %swap3A_763 = arith.constant 144 : index
      %swap3A_764 = tpu.vector_load %arg7[%swap3A_762, %swap3A_763] {strides = array<i32>} : memref<256x256xf32, #tpu.memory_space<vmem>>, vector<1x16xf32>,
      %swap3A_765 = vector.shape_cast %swap3A_764 : vector<1x16xf32> to vector<16xf32>
      %swap3A_766 = vector.shape_cast %mul3A_761 : vector<16xf32> to vector<1x16xf32>
      tpu.vector_store %arg7[%swap3A_762, %swap3A_763], %swap3A_766 {strides = array<i32>} : memref<256x256xf32, #tpu.memory_space<vmem>>, vector<1x16xf32>,
      %mul3A_767 = arith.constant 3.125000e-02 : f32
      %mul3A_768 = vector.broadcast %mul3A_767 : f32 to vector<16xf32>
      %mul3A_769 = arith.mulf %scan3A_681#10, %mul3A_768 : vector<16xf32>
      %swap3A_770 = arith.index_cast %add3A_686 : i32 to index
      %swap3A_771 = arith.constant 160 : index
      %swap3A_772 = tpu.vector_load %arg7[%swap3A_770, %swap3A_771] {strides = array<i32>} : memref<256x256xf32, #tpu.memory_space<vmem>>, vector<1x16xf32>,
      %swap3A_773 = vector.shape_cast %swap3A_772 : vector<1x16xf32> to vector<16xf32>
      %swap3A_774 = vector.shape_cast %mul3A_769 : vector<16xf32> to vector<1x16xf32>
      tpu.vector_store %arg7[%swap3A_770, %swap3A_771], %swap3A_774 {strides = array<i32>} : memref<256x256xf32, #tpu.memory_space<vmem>>, vector<1x16xf32>,
      %mul3A_775 = arith.constant 3.125000e-02 : f32
      %mul3A_776 = vector.broadcast %mul3A_775 : f32 to vector<16xf32>
      %mul3A_777 = arith.mulf %scan3A_681#11, %mul3A_776 : vector<16xf32>
      %swap3A_778 = arith.index_cast %add3A_686 : i32 to index
      %swap3A_779 = arith.constant 176 : index
      %swap3A_780 = tpu.vector_load %arg7[%swap3A_778, %swap3A_779] {strides = array<i32>} : memref<256x256xf32, #tpu.memory_space<vmem>>, vector<1x16xf32>,
      %swap3A_781 = vector.shape_cast %swap3A_780 : vector<1x16xf32> to vector<16xf32>
      %swap3A_782 = vector.shape_cast %mul3A_777 : vector<16xf32> to vector<1x16xf32>
      tpu.vector_store %arg7[%swap3A_778, %swap3A_779], %swap3A_782 {strides = array<i32>} : memref<256x256xf32, #tpu.memory_space<vmem>>, vector<1x16xf32>,
      %mul3A_783 = arith.constant 3.125000e-02 : f32
      %mul3A_784 = vector.broadcast %mul3A_783 : f32 to vector<16xf32>
      %mul3A_785 = arith.mulf %scan3A_681#12, %mul3A_784 : vector<16xf32>
      %swap3A_786 = arith.index_cast %add3A_686 : i32 to index
      %swap3A_787 = arith.constant 192 : index
      %swap3A_788 = tpu.vector_load %arg7[%swap3A_786, %swap3A_787] {strides = array<i32>} : memref<256x256xf32, #tpu.memory_space<vmem>>, vector<1x16xf32>,
      %swap3A_789 = vector.shape_cast %swap3A_788 : vector<1x16xf32> to vector<16xf32>
      %swap3A_790 = vector.shape_cast %mul3A_785 : vector<16xf32> to vector<1x16xf32>
      tpu.vector_store %arg7[%swap3A_786, %swap3A_787], %swap3A_790 {strides = array<i32>} : memref<256x256xf32, #tpu.memory_space<vmem>>, vector<1x16xf32>,
      %mul3A_791 = arith.constant 3.125000e-02 : f32
      %mul3A_792 = vector.broadcast %mul3A_791 : f32 to vector<16xf32>
      %mul3A_793 = arith.mulf %scan3A_681#13, %mul3A_792 : vector<16xf32>
      %swap3A_794 = arith.index_cast %add3A_686 : i32 to index
      %swap3A_795 = arith.constant 208 : index
      %swap3A_796 = tpu.vector_load %arg7[%swap3A_794, %swap3A_795] {strides = array<i32>} : memref<256x256xf32, #tpu.memory_space<vmem>>, vector<1x16xf32>,
      %swap3A_797 = vector.shape_cast %swap3A_796 : vector<1x16xf32> to vector<16xf32>
      %swap3A_798 = vector.shape_cast %mul3A_793 : vector<16xf32> to vector<1x16xf32>
      tpu.vector_store %arg7[%swap3A_794, %swap3A_795], %swap3A_798 {strides = array<i32>} : memref<256x256xf32, #tpu.memory_space<vmem>>, vector<1x16xf32>,
      %mul3A_799 = arith.constant 3.125000e-02 : f32
      %mul3A_800 = vector.broadcast %mul3A_799 : f32 to vector<16xf32>
      %mul3A_801 = arith.mulf %scan3A_681#14, %mul3A_800 : vector<16xf32>
      %swap3A_802 = arith.index_cast %add3A_686 : i32 to index
      %swap3A_803 = arith.constant 224 : index
      %swap3A_804 = tpu.vector_load %arg7[%swap3A_802, %swap3A_803] {strides = array<i32>} : memref<256x256xf32, #tpu.memory_space<vmem>>, vector<1x16xf32>,
      %swap3A_805 = vector.shape_cast %swap3A_804 : vector<1x16xf32> to vector<16xf32>
      %swap3A_806 = vector.shape_cast %mul3A_801 : vector<16xf32> to vector<1x16xf32>
      tpu.vector_store %arg7[%swap3A_802, %swap3A_803], %swap3A_806 {strides = array<i32>} : memref<256x256xf32, #tpu.memory_space<vmem>>, vector<1x16xf32>,
      %mul3A_807 = arith.constant 3.125000e-02 : f32
      %mul3A_808 = vector.broadcast %mul3A_807 : f32 to vector<16xf32>
      %mul3A_809 = arith.mulf %scan3A_681#15, %mul3A_808 : vector<16xf32>
      %swap3A_810 = arith.index_cast %add3A_686 : i32 to index
      %swap3A_811 = arith.constant 240 : index
      %swap3A_812 = tpu.vector_load %arg7[%swap3A_810, %swap3A_811] {strides = array<i32>} : memref<256x256xf32, #tpu.memory_space<vmem>>, vector<1x16xf32>,
      %swap3A_813 = vector.shape_cast %swap3A_812 : vector<1x16xf32> to vector<16xf32>
      %swap3A_814 = vector.shape_cast %mul3A_809 : vector<16xf32> to vector<1x16xf32>
      tpu.vector_store %arg7[%swap3A_810, %swap3A_811], %swap3A_814 {strides = array<i32>} : memref<256x256xf32, #tpu.memory_space<vmem>>, vector<1x16xf32>,
      %get3A_815 = arith.constant 1 : i32
      %get3A_816 = arith.constant 32 : i32
      %get3A_817 = arith.index_cast %get3A_815 : i32 to index
      %get3A_818 = arith.index_cast %get3A_816 : i32 to index
      %get3A_819 = arith.constant 0 : index
      %get3A_820 = tpu.vector_load %arg6[%get3A_817, %get3A_818, %get3A_819] {strides = array<i32>} : memref<2x64x256xf32, #tpu.memory_space<vmem>>, vector<1x1x16xf32>,
      %get3A_821 = vector.shape_cast %get3A_820 : vector<1x1x16xf32> to vector<16xf32>
      %get3A_822 = arith.constant 1 : i32
      %get3A_823 = arith.constant 32 : i32
      %get3A_824 = arith.index_cast %get3A_822 : i32 to index
      %get3A_825 = arith.index_cast %get3A_823 : i32 to index
      %get3A_826 = arith.constant 16 : index
      %get3A_827 = tpu.vector_load %arg6[%get3A_824, %get3A_825, %get3A_826] {strides = array<i32>} : memref<2x64x256xf32, #tpu.memory_space<vmem>>, vector<1x1x16xf32>,
      %get3A_828 = vector.shape_cast %get3A_827 : vector<1x1x16xf32> to vector<16xf32>
      %get3A_829 = arith.constant 1 : i32
      %get3A_830 = arith.constant 32 : i32
      %get3A_831 = arith.index_cast %get3A_829 : i32 to index
      %get3A_832 = arith.index_cast %get3A_830 : i32 to index
      %get3A_833 = arith.constant 32 : index
      %get3A_834 = tpu.vector_load %arg6[%get3A_831, %get3A_832, %get3A_833] {strides = array<i32>} : memref<2x64x256xf32, #tpu.memory_space<vmem>>, vector<1x1x16xf32>,
      %get3A_835 = vector.shape_cast %get3A_834 : vector<1x1x16xf32> to vector<16xf32>
      %get3A_836 = arith.constant 1 : i32
      %get3A_837 = arith.constant 32 : i32
      %get3A_838 = arith.index_cast %get3A_836 : i32 to index
      %get3A_839 = arith.index_cast %get3A_837 : i32 to index
      %get3A_840 = arith.constant 48 : index
      %get3A_841 = tpu.vector_load %arg6[%get3A_838, %get3A_839, %get3A_840] {strides = array<i32>} : memref<2x64x256xf32, #tpu.memory_space<vmem>>, vector<1x1x16xf32>,
      %get3A_842 = vector.shape_cast %get3A_841 : vector<1x1x16xf32> to vector<16xf32>
      %get3A_843 = arith.constant 1 : i32
      %get3A_844 = arith.constant 32 : i32
      %get3A_845 = arith.index_cast %get3A_843 : i32 to index
      %get3A_846 = arith.index_cast %get3A_844 : i32 to index
      %get3A_847 = arith.constant 64 : index
      %get3A_848 = tpu.vector_load %arg6[%get3A_845, %get3A_846, %get3A_847] {strides = array<i32>} : memref<2x64x256xf32, #tpu.memory_space<vmem>>, vector<1x1x16xf32>,
      %get3A_849 = vector.shape_cast %get3A_848 : vector<1x1x16xf32> to vector<16xf32>
      %get3A_850 = arith.constant 1 : i32
      %get3A_851 = arith.constant 32 : i32
      %get3A_852 = arith.index_cast %get3A_850 : i32 to index
      %get3A_853 = arith.index_cast %get3A_851 : i32 to index
      %get3A_854 = arith.constant 80 : index
      %get3A_855 = tpu.vector_load %arg6[%get3A_852, %get3A_853, %get3A_854] {strides = array<i32>} : memref<2x64x256xf32, #tpu.memory_space<vmem>>, vector<1x1x16xf32>,
      %get3A_856 = vector.shape_cast %get3A_855 : vector<1x1x16xf32> to vector<16xf32>
      %get3A_857 = arith.constant 1 : i32
      %get3A_858 = arith.constant 32 : i32
      %get3A_859 = arith.index_cast %get3A_857 : i32 to index
      %get3A_860 = arith.index_cast %get3A_858 : i32 to index
      %get3A_861 = arith.constant 96 : index
      %get3A_862 = tpu.vector_load %arg6[%get3A_859, %get3A_860, %get3A_861] {strides = array<i32>} : memref<2x64x256xf32, #tpu.memory_space<vmem>>, vector<1x1x16xf32>,
      %get3A_863 = vector.shape_cast %get3A_862 : vector<1x1x16xf32> to vector<16xf32>
      %get3A_864 = arith.constant 1 : i32
      %get3A_865 = arith.constant 32 : i32
      %get3A_866 = arith.index_cast %get3A_864 : i32 to index
      %get3A_867 = arith.index_cast %get3A_865 : i32 to index
      %get3A_868 = arith.constant 112 : index
      %get3A_869 = tpu.vector_load %arg6[%get3A_866, %get3A_867, %get3A_868] {strides = array<i32>} : memref<2x64x256xf32, #tpu.memory_space<vmem>>, vector<1x1x16xf32>,
      %get3A_870 = vector.shape_cast %get3A_869 : vector<1x1x16xf32> to vector<16xf32>
      %get3A_871 = arith.constant 1 : i32
      %get3A_872 = arith.constant 32 : i32
      %get3A_873 = arith.index_cast %get3A_871 : i32 to index
      %get3A_874 = arith.index_cast %get3A_872 : i32 to index
      %get3A_875 = arith.constant 128 : index
      %get3A_876 = tpu.vector_load %arg6[%get3A_873, %get3A_874, %get3A_875] {strides = array<i32>} : memref<2x64x256xf32, #tpu.memory_space<vmem>>, vector<1x1x16xf32>,
      %get3A_877 = vector.shape_cast %get3A_876 : vector<1x1x16xf32> to vector<16xf32>
      %get3A_878 = arith.constant 1 : i32
      %get3A_879 = arith.constant 32 : i32
      %get3A_880 = arith.index_cast %get3A_878 : i32 to index
      %get3A_881 = arith.index_cast %get3A_879 : i32 to index
      %get3A_882 = arith.constant 144 : index
      %get3A_883 = tpu.vector_load %arg6[%get3A_880, %get3A_881, %get3A_882] {strides = array<i32>} : memref<2x64x256xf32, #tpu.memory_space<vmem>>, vector<1x1x16xf32>,
      %get3A_884 = vector.shape_cast %get3A_883 : vector<1x1x16xf32> to vector<16xf32>
      %get3A_885 = arith.constant 1 : i32
      %get3A_886 = arith.constant 32 : i32
      %get3A_887 = arith.index_cast %get3A_885 : i32 to index
      %get3A_888 = arith.index_cast %get3A_886 : i32 to index
      %get3A_889 = arith.constant 160 : index
      %get3A_890 = tpu.vector_load %arg6[%get3A_887, %get3A_888, %get3A_889] {strides = array<i32>} : memref<2x64x256xf32, #tpu.memory_space<vmem>>, vector<1x1x16xf32>,
      %get3A_891 = vector.shape_cast %get3A_890 : vector<1x1x16xf32> to vector<16xf32>
      %get3A_892 = arith.constant 1 : i32
      %get3A_893 = arith.constant 32 : i32
      %get3A_894 = arith.index_cast %get3A_892 : i32 to index
      %get3A_895 = arith.index_cast %get3A_893 : i32 to index
      %get3A_896 = arith.constant 176 : index
      %get3A_897 = tpu.vector_load %arg6[%get3A_894, %get3A_895, %get3A_896] {strides = array<i32>} : memref<2x64x256xf32, #tpu.memory_space<vmem>>, vector<1x1x16xf32>,
      %get3A_898 = vector.shape_cast %get3A_897 : vector<1x1x16xf32> to vector<16xf32>
      %get3A_899 = arith.constant 1 : i32
      %get3A_900 = arith.constant 32 : i32
      %get3A_901 = arith.index_cast %get3A_899 : i32 to index
      %get3A_902 = arith.index_cast %get3A_900 : i32 to index
      %get3A_903 = arith.constant 192 : index
      %get3A_904 = tpu.vector_load %arg6[%get3A_901, %get3A_902, %get3A_903] {strides = array<i32>} : memref<2x64x256xf32, #tpu.memory_space<vmem>>, vector<1x1x16xf32>,
      %get3A_905 = vector.shape_cast %get3A_904 : vector<1x1x16xf32> to vector<16xf32>
      %get3A_906 = arith.constant 1 : i32
      %get3A_907 = arith.constant 32 : i32
      %get3A_908 = arith.index_cast %get3A_906 : i32 to index
      %get3A_909 = arith.index_cast %get3A_907 : i32 to index
      %get3A_910 = arith.constant 208 : index
      %get3A_911 = tpu.vector_load %arg6[%get3A_908, %get3A_909, %get3A_910] {strides = array<i32>} : memref<2x64x256xf32, #tpu.memory_space<vmem>>, vector<1x1x16xf32>,
      %get3A_912 = vector.shape_cast %get3A_911 : vector<1x1x16xf32> to vector<16xf32>
      %get3A_913 = arith.constant 1 : i32
      %get3A_914 = arith.constant 32 : i32
      %get3A_915 = arith.index_cast %get3A_913 : i32 to index
      %get3A_916 = arith.index_cast %get3A_914 : i32 to index
      %get3A_917 = arith.constant 224 : index
      %get3A_918 = tpu.vector_load %arg6[%get3A_915, %get3A_916, %get3A_917] {strides = array<i32>} : memref<2x64x256xf32, #tpu.memory_space<vmem>>, vector<1x1x16xf32>,
      %get3A_919 = vector.shape_cast %get3A_918 : vector<1x1x16xf32> to vector<16xf32>
      %get3A_920 = arith.constant 1 : i32
      %get3A_921 = arith.constant 32 : i32
      %get3A_922 = arith.index_cast %get3A_920 : i32 to index
      %get3A_923 = arith.index_cast %get3A_921 : i32 to index
      %get3A_924 = arith.constant 240 : index
      %get3A_925 = tpu.vector_load %arg6[%get3A_922, %get3A_923, %get3A_924] {strides = array<i32>} : memref<2x64x256xf32, #tpu.memory_space<vmem>>, vector<1x1x16xf32>,
      %get3A_926 = vector.shape_cast %get3A_925 : vector<1x1x16xf32> to vector<16xf32>
      %scan3A_927 = arith.constant 1 : i32
      %scan3A_928 = arith.constant 31 : i32
      %scan3A_929 = arith.addi %scan3A_927, %scan3A_928 : i32
      %scan3A_930 = arith.constant 1 : i32
      %scan3A_931:16 = scf.for %scan3A_1072 = %scan3A_927 to %scan3A_929 step %scan3A_930 iter_args(%scan3A_1073 = %get3A_821, %scan3A_1074 = %get3A_828, %scan3A_1075 = %get3A_835, %scan3A_1076 = %get3A_842, %scan3A_1077 = %get3A_849, %scan3A_1078 = %get3A_856, %scan3A_1079 = %get3A_863, %scan3A_1080 = %get3A_870, %scan3A_1081 = %get3A_877, %scan3A_1082 = %get3A_884, %scan3A_1083 = %get3A_891, %scan3A_1084 = %get3A_898, %scan3A_1085 = %get3A_905, %scan3A_1086 = %get3A_912, %scan3A_1087 = %get3A_919, %scan3A_1088 = %get3A_926) -> (vector<16xf32>, vector<16xf32>, vector<16xf32>, vector<16xf32>, vector<16xf32>, vector<16xf32>, vector<16xf32>, vector<16xf32>, vector<16xf32>, vector<16xf32>, vector<16xf32>, vector<16xf32>, vector<16xf32>, vector<16xf32>, vector<16xf32>, vector<16xf32>)  : i32 {
        %add3A_1089 = arith.constant 32 : i32
        %add3A_1090 = arith.addi %add3A_1089, %scan3A_1072 : i32
        %get3A_1091 = arith.constant 1 : i32
        %get3A_1092 = arith.index_cast %get3A_1091 : i32 to index
        %get3A_1093 = arith.index_cast %add3A_1090 : i32 to index
        %get3A_1094 = arith.constant 0 : index
        %get3A_1095 = tpu.vector_load %arg6[%get3A_1092, %get3A_1093, %get3A_1094] {strides = array<i32>} : memref<2x64x256xf32, #tpu.memory_space<vmem>>, vector<1x1x16xf32>,
        %get3A_1096 = vector.shape_cast %get3A_1095 : vector<1x1x16xf32> to vector<16xf32>
        %add3A_1097 = arith.addf %scan3A_1073, %get3A_1096 : vector<16xf32>
        %add3A_1098 = arith.constant 32 : i32
        %add3A_1099 = arith.addi %add3A_1098, %scan3A_1072 : i32
        %get3A_1100 = arith.constant 1 : i32
        %get3A_1101 = arith.index_cast %get3A_1100 : i32 to index
        %get3A_1102 = arith.index_cast %add3A_1099 : i32 to index
        %get3A_1103 = arith.constant 16 : index
        %get3A_1104 = tpu.vector_load %arg6[%get3A_1101, %get3A_1102, %get3A_1103] {strides = array<i32>} : memref<2x64x256xf32, #tpu.memory_space<vmem>>, vector<1x1x16xf32>,
        %get3A_1105 = vector.shape_cast %get3A_1104 : vector<1x1x16xf32> to vector<16xf32>
        %add3A_1106 = arith.addf %scan3A_1074, %get3A_1105 : vector<16xf32>
        %add3A_1107 = arith.constant 32 : i32
        %add3A_1108 = arith.addi %add3A_1107, %scan3A_1072 : i32
        %get3A_1109 = arith.constant 1 : i32
        %get3A_1110 = arith.index_cast %get3A_1109 : i32 to index
        %get3A_1111 = arith.index_cast %add3A_1108 : i32 to index
        %get3A_1112 = arith.constant 32 : index
        %get3A_1113 = tpu.vector_load %arg6[%get3A_1110, %get3A_1111, %get3A_1112] {strides = array<i32>} : memref<2x64x256xf32, #tpu.memory_space<vmem>>, vector<1x1x16xf32>,
        %get3A_1114 = vector.shape_cast %get3A_1113 : vector<1x1x16xf32> to vector<16xf32>
        %add3A_1115 = arith.addf %scan3A_1075, %get3A_1114 : vector<16xf32>
        %add3A_1116 = arith.constant 32 : i32
        %add3A_1117 = arith.addi %add3A_1116, %scan3A_1072 : i32
        %get3A_1118 = arith.constant 1 : i32
        %get3A_1119 = arith.index_cast %get3A_1118 : i32 to index
        %get3A_1120 = arith.index_cast %add3A_1117 : i32 to index
        %get3A_1121 = arith.constant 48 : index
        %get3A_1122 = tpu.vector_load %arg6[%get3A_1119, %get3A_1120, %get3A_1121] {strides = array<i32>} : memref<2x64x256xf32, #tpu.memory_space<vmem>>, vector<1x1x16xf32>,
        %get3A_1123 = vector.shape_cast %get3A_1122 : vector<1x1x16xf32> to vector<16xf32>
        %add3A_1124 = arith.addf %scan3A_1076, %get3A_1123 : vector<16xf32>
        %add3A_1125 = arith.constant 32 : i32
        %add3A_1126 = arith.addi %add3A_1125, %scan3A_1072 : i32
        %get3A_1127 = arith.constant 1 : i32
        %get3A_1128 = arith.index_cast %get3A_1127 : i32 to index
        %get3A_1129 = arith.index_cast %add3A_1126 : i32 to index
        %get3A_1130 = arith.constant 64 : index
        %get3A_1131 = tpu.vector_load %arg6[%get3A_1128, %get3A_1129, %get3A_1130] {strides = array<i32>} : memref<2x64x256xf32, #tpu.memory_space<vmem>>, vector<1x1x16xf32>,
        %get3A_1132 = vector.shape_cast %get3A_1131 : vector<1x1x16xf32> to vector<16xf32>
        %add3A_1133 = arith.addf %scan3A_1077, %get3A_1132 : vector<16xf32>
        %add3A_1134 = arith.constant 32 : i32
        %add3A_1135 = arith.addi %add3A_1134, %scan3A_1072 : i32
        %get3A_1136 = arith.constant 1 : i32
        %get3A_1137 = arith.index_cast %get3A_1136 : i32 to index
        %get3A_1138 = arith.index_cast %add3A_1135 : i32 to index
        %get3A_1139 = arith.constant 80 : index
        %get3A_1140 = tpu.vector_load %arg6[%get3A_1137, %get3A_1138, %get3A_1139] {strides = array<i32>} : memref<2x64x256xf32, #tpu.memory_space<vmem>>, vector<1x1x16xf32>,
        %get3A_1141 = vector.shape_cast %get3A_1140 : vector<1x1x16xf32> to vector<16xf32>
        %add3A_1142 = arith.addf %scan3A_1078, %get3A_1141 : vector<16xf32>
        %add3A_1143 = arith.constant 32 : i32
        %add3A_1144 = arith.addi %add3A_1143, %scan3A_1072 : i32
        %get3A_1145 = arith.constant 1 : i32
        %get3A_1146 = arith.index_cast %get3A_1145 : i32 to index
        %get3A_1147 = arith.index_cast %add3A_1144 : i32 to index
        %get3A_1148 = arith.constant 96 : index
        %get3A_1149 = tpu.vector_load %arg6[%get3A_1146, %get3A_1147, %get3A_1148] {strides = array<i32>} : memref<2x64x256xf32, #tpu.memory_space<vmem>>, vector<1x1x16xf32>,
        %get3A_1150 = vector.shape_cast %get3A_1149 : vector<1x1x16xf32> to vector<16xf32>
        %add3A_1151 = arith.addf %scan3A_1079, %get3A_1150 : vector<16xf32>
        %add3A_1152 = arith.constant 32 : i32
        %add3A_1153 = arith.addi %add3A_1152, %scan3A_1072 : i32
        %get3A_1154 = arith.constant 1 : i32
        %get3A_1155 = arith.index_cast %get3A_1154 : i32 to index
        %get3A_1156 = arith.index_cast %add3A_1153 : i32 to index
        %get3A_1157 = arith.constant 112 : index
        %get3A_1158 = tpu.vector_load %arg6[%get3A_1155, %get3A_1156, %get3A_1157] {strides = array<i32>} : memref<2x64x256xf32, #tpu.memory_space<vmem>>, vector<1x1x16xf32>,
        %get3A_1159 = vector.shape_cast %get3A_1158 : vector<1x1x16xf32> to vector<16xf32>
        %add3A_1160 = arith.addf %scan3A_1080, %get3A_1159 : vector<16xf32>
        %add3A_1161 = arith.constant 32 : i32
        %add3A_1162 = arith.addi %add3A_1161, %scan3A_1072 : i32
        %get3A_1163 = arith.constant 1 : i32
        %get3A_1164 = arith.index_cast %get3A_1163 : i32 to index
        %get3A_1165 = arith.index_cast %add3A_1162 : i32 to index
        %get3A_1166 = arith.constant 128 : index
        %get3A_1167 = tpu.vector_load %arg6[%get3A_1164, %get3A_1165, %get3A_1166] {strides = array<i32>} : memref<2x64x256xf32, #tpu.memory_space<vmem>>, vector<1x1x16xf32>,
        %get3A_1168 = vector.shape_cast %get3A_1167 : vector<1x1x16xf32> to vector<16xf32>
        %add3A_1169 = arith.addf %scan3A_1081, %get3A_1168 : vector<16xf32>
        %add3A_1170 = arith.constant 32 : i32
        %add3A_1171 = arith.addi %add3A_1170, %scan3A_1072 : i32
        %get3A_1172 = arith.constant 1 : i32
        %get3A_1173 = arith.index_cast %get3A_1172 : i32 to index
        %get3A_1174 = arith.index_cast %add3A_1171 : i32 to index
        %get3A_1175 = arith.constant 144 : index
        %get3A_1176 = tpu.vector_load %arg6[%get3A_1173, %get3A_1174, %get3A_1175] {strides = array<i32>} : memref<2x64x256xf32, #tpu.memory_space<vmem>>, vector<1x1x16xf32>,
        %get3A_1177 = vector.shape_cast %get3A_1176 : vector<1x1x16xf32> to vector<16xf32>
        %add3A_1178 = arith.addf %scan3A_1082, %get3A_1177 : vector<16xf32>
        %add3A_1179 = arith.constant 32 : i32
        %add3A_1180 = arith.addi %add3A_1179, %scan3A_1072 : i32
        %get3A_1181 = arith.constant 1 : i32
        %get3A_1182 = arith.index_cast %get3A_1181 : i32 to index
        %get3A_1183 = arith.index_cast %add3A_1180 : i32 to index
        %get3A_1184 = arith.constant 160 : index
        %get3A_1185 = tpu.vector_load %arg6[%get3A_1182, %get3A_1183, %get3A_1184] {strides = array<i32>} : memref<2x64x256xf32, #tpu.memory_space<vmem>>, vector<1x1x16xf32>,
        %get3A_1186 = vector.shape_cast %get3A_1185 : vector<1x1x16xf32> to vector<16xf32>
        %add3A_1187 = arith.addf %scan3A_1083, %get3A_1186 : vector<16xf32>
        %add3A_1188 = arith.constant 32 : i32
        %add3A_1189 = arith.addi %add3A_1188, %scan3A_1072 : i32
        %get3A_1190 = arith.constant 1 : i32
        %get3A_1191 = arith.index_cast %get3A_1190 : i32 to index
        %get3A_1192 = arith.index_cast %add3A_1189 : i32 to index
        %get3A_1193 = arith.constant 176 : index
        %get3A_1194 = tpu.vector_load %arg6[%get3A_1191, %get3A_1192, %get3A_1193] {strides = array<i32>} : memref<2x64x256xf32, #tpu.memory_space<vmem>>, vector<1x1x16xf32>,
        %get3A_1195 = vector.shape_cast %get3A_1194 : vector<1x1x16xf32> to vector<16xf32>
        %add3A_1196 = arith.addf %scan3A_1084, %get3A_1195 : vector<16xf32>
        %add3A_1197 = arith.constant 32 : i32
        %add3A_1198 = arith.addi %add3A_1197, %scan3A_1072 : i32
        %get3A_1199 = arith.constant 1 : i32
        %get3A_1200 = arith.index_cast %get3A_1199 : i32 to index
        %get3A_1201 = arith.index_cast %add3A_1198 : i32 to index
        %get3A_1202 = arith.constant 192 : index
        %get3A_1203 = tpu.vector_load %arg6[%get3A_1200, %get3A_1201, %get3A_1202] {strides = array<i32>} : memref<2x64x256xf32, #tpu.memory_space<vmem>>, vector<1x1x16xf32>,
        %get3A_1204 = vector.shape_cast %get3A_1203 : vector<1x1x16xf32> to vector<16xf32>
        %add3A_1205 = arith.addf %scan3A_1085, %get3A_1204 : vector<16xf32>
        %add3A_1206 = arith.constant 32 : i32
        %add3A_1207 = arith.addi %add3A_1206, %scan3A_1072 : i32
        %get3A_1208 = arith.constant 1 : i32
        %get3A_1209 = arith.index_cast %get3A_1208 : i32 to index
        %get3A_1210 = arith.index_cast %add3A_1207 : i32 to index
        %get3A_1211 = arith.constant 208 : index
        %get3A_1212 = tpu.vector_load %arg6[%get3A_1209, %get3A_1210, %get3A_1211] {strides = array<i32>} : memref<2x64x256xf32, #tpu.memory_space<vmem>>, vector<1x1x16xf32>,
        %get3A_1213 = vector.shape_cast %get3A_1212 : vector<1x1x16xf32> to vector<16xf32>
        %add3A_1214 = arith.addf %scan3A_1086, %get3A_1213 : vector<16xf32>
        %add3A_1215 = arith.constant 32 : i32
        %add3A_1216 = arith.addi %add3A_1215, %scan3A_1072 : i32
        %get3A_1217 = arith.constant 1 : i32
        %get3A_1218 = arith.index_cast %get3A_1217 : i32 to index
        %get3A_1219 = arith.index_cast %add3A_1216 : i32 to index
        %get3A_1220 = arith.constant 224 : index
        %get3A_1221 = tpu.vector_load %arg6[%get3A_1218, %get3A_1219, %get3A_1220] {strides = array<i32>} : memref<2x64x256xf32, #tpu.memory_space<vmem>>, vector<1x1x16xf32>,
        %get3A_1222 = vector.shape_cast %get3A_1221 : vector<1x1x16xf32> to vector<16xf32>
        %add3A_1223 = arith.addf %scan3A_1087, %get3A_1222 : vector<16xf32>
        %add3A_1224 = arith.constant 32 : i32
        %add3A_1225 = arith.addi %add3A_1224, %scan3A_1072 : i32
        %get3A_1226 = arith.constant 1 : i32
        %get3A_1227 = arith.index_cast %get3A_1226 : i32 to index
        %get3A_1228 = arith.index_cast %add3A_1225 : i32 to index
        %get3A_1229 = arith.constant 240 : index
        %get3A_1230 = tpu.vector_load %arg6[%get3A_1227, %get3A_1228, %get3A_1229] {strides = array<i32>} : memref<2x64x256xf32, #tpu.memory_space<vmem>>, vector<1x1x16xf32>,
        %get3A_1231 = vector.shape_cast %get3A_1230 : vector<1x1x16xf32> to vector<16xf32>
        %add3A_1232 = arith.addf %scan3A_1088, %get3A_1231 : vector<16xf32>
        scf.yield %add3A_1097, %add3A_1106, %add3A_1115, %add3A_1124, %add3A_1133, %add3A_1142, %add3A_1151, %add3A_1160, %add3A_1169, %add3A_1178, %add3A_1187, %add3A_1196, %add3A_1205, %add3A_1214, %add3A_1223, %add3A_1232 : vector<16xf32>, vector<16xf32>, vector<16xf32>, vector<16xf32>, vector<16xf32>, vector<16xf32>, vector<16xf32>, vector<16xf32>, vector<16xf32>, vector<16xf32>, vector<16xf32>, vector<16xf32>, vector<16xf32>, vector<16xf32>, vector<16xf32>, vector<16xf32>
      }
      %scan3A_932 = arith.constant 31 : i32
      %mul3A_933 = arith.constant 2 : i32
      %mul3A_934 = arith.muli %add3A_551, %mul3A_933 : i32
      %add3A_935 = arith.constant 1 : i32
      %add3A_936 = arith.addi %mul3A_934, %add3A_935 : i32
      %mul3A_937 = arith.constant 3.125000e-02 : f32
      %mul3A_938 = vector.broadcast %mul3A_937 : f32 to vector<16xf32>
      %mul3A_939 = arith.mulf %scan3A_931#0, %mul3A_938 : vector<16xf32>
      %swap3A_940 = arith.index_cast %add3A_936 : i32 to index
      %swap3A_941 = arith.constant 0 : index
      %swap3A_942 = tpu.vector_load %arg7[%swap3A_940, %swap3A_941] {strides = array<i32>} : memref<256x256xf32, #tpu.memory_space<vmem>>, vector<1x16xf32>,
      %swap3A_943 = vector.shape_cast %swap3A_942 : vector<1x16xf32> to vector<16xf32>
      %swap3A_944 = vector.shape_cast %mul3A_939 : vector<16xf32> to vector<1x16xf32>
      tpu.vector_store %arg7[%swap3A_940, %swap3A_941], %swap3A_944 {strides = array<i32>} : memref<256x256xf32, #tpu.memory_space<vmem>>, vector<1x16xf32>,
      %mul3A_945 = arith.constant 3.125000e-02 : f32
      %mul3A_946 = vector.broadcast %mul3A_945 : f32 to vector<16xf32>
      %mul3A_947 = arith.mulf %scan3A_931#1, %mul3A_946 : vector<16xf32>
      %swap3A_948 = arith.index_cast %add3A_936 : i32 to index
      %swap3A_949 = arith.constant 16 : index
      %swap3A_950 = tpu.vector_load %arg7[%swap3A_948, %swap3A_949] {strides = array<i32>} : memref<256x256xf32, #tpu.memory_space<vmem>>, vector<1x16xf32>,
      %swap3A_951 = vector.shape_cast %swap3A_950 : vector<1x16xf32> to vector<16xf32>
      %swap3A_952 = vector.shape_cast %mul3A_947 : vector<16xf32> to vector<1x16xf32>
      tpu.vector_store %arg7[%swap3A_948, %swap3A_949], %swap3A_952 {strides = array<i32>} : memref<256x256xf32, #tpu.memory_space<vmem>>, vector<1x16xf32>,
      %mul3A_953 = arith.constant 3.125000e-02 : f32
      %mul3A_954 = vector.broadcast %mul3A_953 : f32 to vector<16xf32>
      %mul3A_955 = arith.mulf %scan3A_931#2, %mul3A_954 : vector<16xf32>
      %swap3A_956 = arith.index_cast %add3A_936 : i32 to index
      %swap3A_957 = arith.constant 32 : index
      %swap3A_958 = tpu.vector_load %arg7[%swap3A_956, %swap3A_957] {strides = array<i32>} : memref<256x256xf32, #tpu.memory_space<vmem>>, vector<1x16xf32>,
      %swap3A_959 = vector.shape_cast %swap3A_958 : vector<1x16xf32> to vector<16xf32>
      %swap3A_960 = vector.shape_cast %mul3A_955 : vector<16xf32> to vector<1x16xf32>
      tpu.vector_store %arg7[%swap3A_956, %swap3A_957], %swap3A_960 {strides = array<i32>} : memref<256x256xf32, #tpu.memory_space<vmem>>, vector<1x16xf32>,
      %mul3A_961 = arith.constant 3.125000e-02 : f32
      %mul3A_962 = vector.broadcast %mul3A_961 : f32 to vector<16xf32>
      %mul3A_963 = arith.mulf %scan3A_931#3, %mul3A_962 : vector<16xf32>
      %swap3A_964 = arith.index_cast %add3A_936 : i32 to index
      %swap3A_965 = arith.constant 48 : index
      %swap3A_966 = tpu.vector_load %arg7[%swap3A_964, %swap3A_965] {strides = array<i32>} : memref<256x256xf32, #tpu.memory_space<vmem>>, vector<1x16xf32>,
      %swap3A_967 = vector.shape_cast %swap3A_966 : vector<1x16xf32> to vector<16xf32>
      %swap3A_968 = vector.shape_cast %mul3A_963 : vector<16xf32> to vector<1x16xf32>
      tpu.vector_store %arg7[%swap3A_964, %swap3A_965], %swap3A_968 {strides = array<i32>} : memref<256x256xf32, #tpu.memory_space<vmem>>, vector<1x16xf32>,
      %mul3A_969 = arith.constant 3.125000e-02 : f32
      %mul3A_970 = vector.broadcast %mul3A_969 : f32 to vector<16xf32>
      %mul3A_971 = arith.mulf %scan3A_931#4, %mul3A_970 : vector<16xf32>
      %swap3A_972 = arith.index_cast %add3A_936 : i32 to index
      %swap3A_973 = arith.constant 64 : index
      %swap3A_974 = tpu.vector_load %arg7[%swap3A_972, %swap3A_973] {strides = array<i32>} : memref<256x256xf32, #tpu.memory_space<vmem>>, vector<1x16xf32>,
      %swap3A_975 = vector.shape_cast %swap3A_974 : vector<1x16xf32> to vector<16xf32>
      %swap3A_976 = vector.shape_cast %mul3A_971 : vector<16xf32> to vector<1x16xf32>
      tpu.vector_store %arg7[%swap3A_972, %swap3A_973], %swap3A_976 {strides = array<i32>} : memref<256x256xf32, #tpu.memory_space<vmem>>, vector<1x16xf32>,
      %mul3A_977 = arith.constant 3.125000e-02 : f32
      %mul3A_978 = vector.broadcast %mul3A_977 : f32 to vector<16xf32>
      %mul3A_979 = arith.mulf %scan3A_931#5, %mul3A_978 : vector<16xf32>
      %swap3A_980 = arith.index_cast %add3A_936 : i32 to index
      %swap3A_981 = arith.constant 80 : index
      %swap3A_982 = tpu.vector_load %arg7[%swap3A_980, %swap3A_981] {strides = array<i32>} : memref<256x256xf32, #tpu.memory_space<vmem>>, vector<1x16xf32>,
      %swap3A_983 = vector.shape_cast %swap3A_982 : vector<1x16xf32> to vector<16xf32>
      %swap3A_984 = vector.shape_cast %mul3A_979 : vector<16xf32> to vector<1x16xf32>
      tpu.vector_store %arg7[%swap3A_980, %swap3A_981], %swap3A_984 {strides = array<i32>} : memref<256x256xf32, #tpu.memory_space<vmem>>, vector<1x16xf32>,
      %mul3A_985 = arith.constant 3.125000e-02 : f32
      %mul3A_986 = vector.broadcast %mul3A_985 : f32 to vector<16xf32>
      %mul3A_987 = arith.mulf %scan3A_931#6, %mul3A_986 : vector<16xf32>
      %swap3A_988 = arith.index_cast %add3A_936 : i32 to index
      %swap3A_989 = arith.constant 96 : index
      %swap3A_990 = tpu.vector_load %arg7[%swap3A_988, %swap3A_989] {strides = array<i32>} : memref<256x256xf32, #tpu.memory_space<vmem>>, vector<1x16xf32>,
      %swap3A_991 = vector.shape_cast %swap3A_990 : vector<1x16xf32> to vector<16xf32>
      %swap3A_992 = vector.shape_cast %mul3A_987 : vector<16xf32> to vector<1x16xf32>
      tpu.vector_store %arg7[%swap3A_988, %swap3A_989], %swap3A_992 {strides = array<i32>} : memref<256x256xf32, #tpu.memory_space<vmem>>, vector<1x16xf32>,
      %mul3A_993 = arith.constant 3.125000e-02 : f32
      %mul3A_994 = vector.broadcast %mul3A_993 : f32 to vector<16xf32>
      %mul3A_995 = arith.mulf %scan3A_931#7, %mul3A_994 : vector<16xf32>
      %swap3A_996 = arith.index_cast %add3A_936 : i32 to index
      %swap3A_997 = arith.constant 112 : index
      %swap3A_998 = tpu.vector_load %arg7[%swap3A_996, %swap3A_997] {strides = array<i32>} : memref<256x256xf32, #tpu.memory_space<vmem>>, vector<1x16xf32>,
      %swap3A_999 = vector.shape_cast %swap3A_998 : vector<1x16xf32> to vector<16xf32>
      %swap3A_1000 = vector.shape_cast %mul3A_995 : vector<16xf32> to vector<1x16xf32>
      tpu.vector_store %arg7[%swap3A_996, %swap3A_997], %swap3A_1000 {strides = array<i32>} : memref<256x256xf32, #tpu.memory_space<vmem>>, vector<1x16xf32>,
      %mul3A_1001 = arith.constant 3.125000e-02 : f32
      %mul3A_1002 = vector.broadcast %mul3A_1001 : f32 to vector<16xf32>
      %mul3A_1003 = arith.mulf %scan3A_931#8, %mul3A_1002 : vector<16xf32>
      %swap3A_1004 = arith.index_cast %add3A_936 : i32 to index
      %swap3A_1005 = arith.constant 128 : index
      %swap3A_1006 = tpu.vector_load %arg7[%swap3A_1004, %swap3A_1005] {strides = array<i32>} : memref<256x256xf32, #tpu.memory_space<vmem>>, vector<1x16xf32>,
      %swap3A_1007 = vector.shape_cast %swap3A_1006 : vector<1x16xf32> to vector<16xf32>
      %swap3A_1008 = vector.shape_cast %mul3A_1003 : vector<16xf32> to vector<1x16xf32>
      tpu.vector_store %arg7[%swap3A_1004, %swap3A_1005], %swap3A_1008 {strides = array<i32>} : memref<256x256xf32, #tpu.memory_space<vmem>>, vector<1x16xf32>,
      %mul3A_1009 = arith.constant 3.125000e-02 : f32
      %mul3A_1010 = vector.broadcast %mul3A_1009 : f32 to vector<16xf32>
      %mul3A_1011 = arith.mulf %scan3A_931#9, %mul3A_1010 : vector<16xf32>
      %swap3A_1012 = arith.index_cast %add3A_936 : i32 to index
      %swap3A_1013 = arith.constant 144 : index
      %swap3A_1014 = tpu.vector_load %arg7[%swap3A_1012, %swap3A_1013] {strides = array<i32>} : memref<256x256xf32, #tpu.memory_space<vmem>>, vector<1x16xf32>,
      %swap3A_1015 = vector.shape_cast %swap3A_1014 : vector<1x16xf32> to vector<16xf32>
      %swap3A_1016 = vector.shape_cast %mul3A_1011 : vector<16xf32> to vector<1x16xf32>
      tpu.vector_store %arg7[%swap3A_1012, %swap3A_1013], %swap3A_1016 {strides = array<i32>} : memref<256x256xf32, #tpu.memory_space<vmem>>, vector<1x16xf32>,
      %mul3A_1017 = arith.constant 3.125000e-02 : f32
      %mul3A_1018 = vector.broadcast %mul3A_1017 : f32 to vector<16xf32>
      %mul3A_1019 = arith.mulf %scan3A_931#10, %mul3A_1018 : vector<16xf32>
      %swap3A_1020 = arith.index_cast %add3A_936 : i32 to index
      %swap3A_1021 = arith.constant 160 : index
      %swap3A_1022 = tpu.vector_load %arg7[%swap3A_1020, %swap3A_1021] {strides = array<i32>} : memref<256x256xf32, #tpu.memory_space<vmem>>, vector<1x16xf32>,
      %swap3A_1023 = vector.shape_cast %swap3A_1022 : vector<1x16xf32> to vector<16xf32>
      %swap3A_1024 = vector.shape_cast %mul3A_1019 : vector<16xf32> to vector<1x16xf32>
      tpu.vector_store %arg7[%swap3A_1020, %swap3A_1021], %swap3A_1024 {strides = array<i32>} : memref<256x256xf32, #tpu.memory_space<vmem>>, vector<1x16xf32>,
      %mul3A_1025 = arith.constant 3.125000e-02 : f32
      %mul3A_1026 = vector.broadcast %mul3A_1025 : f32 to vector<16xf32>
      %mul3A_1027 = arith.mulf %scan3A_931#11, %mul3A_1026 : vector<16xf32>
      %swap3A_1028 = arith.index_cast %add3A_936 : i32 to index
      %swap3A_1029 = arith.constant 176 : index
      %swap3A_1030 = tpu.vector_load %arg7[%swap3A_1028, %swap3A_1029] {strides = array<i32>} : memref<256x256xf32, #tpu.memory_space<vmem>>, vector<1x16xf32>,
      %swap3A_1031 = vector.shape_cast %swap3A_1030 : vector<1x16xf32> to vector<16xf32>
      %swap3A_1032 = vector.shape_cast %mul3A_1027 : vector<16xf32> to vector<1x16xf32>
      tpu.vector_store %arg7[%swap3A_1028, %swap3A_1029], %swap3A_1032 {strides = array<i32>} : memref<256x256xf32, #tpu.memory_space<vmem>>, vector<1x16xf32>,
      %mul3A_1033 = arith.constant 3.125000e-02 : f32
      %mul3A_1034 = vector.broadcast %mul3A_1033 : f32 to vector<16xf32>
      %mul3A_1035 = arith.mulf %scan3A_931#12, %mul3A_1034 : vector<16xf32>
      %swap3A_1036 = arith.index_cast %add3A_936 : i32 to index
      %swap3A_1037 = arith.constant 192 : index
      %swap3A_1038 = tpu.vector_load %arg7[%swap3A_1036, %swap3A_1037] {strides = array<i32>} : memref<256x256xf32, #tpu.memory_space<vmem>>, vector<1x16xf32>,
      %swap3A_1039 = vector.shape_cast %swap3A_1038 : vector<1x16xf32> to vector<16xf32>
      %swap3A_1040 = vector.shape_cast %mul3A_1035 : vector<16xf32> to vector<1x16xf32>
      tpu.vector_store %arg7[%swap3A_1036, %swap3A_1037], %swap3A_1040 {strides = array<i32>} : memref<256x256xf32, #tpu.memory_space<vmem>>, vector<1x16xf32>,
      %mul3A_1041 = arith.constant 3.125000e-02 : f32
      %mul3A_1042 = vector.broadcast %mul3A_1041 : f32 to vector<16xf32>
      %mul3A_1043 = arith.mulf %scan3A_931#13, %mul3A_1042 : vector<16xf32>
      %swap3A_1044 = arith.index_cast %add3A_936 : i32 to index
      %swap3A_1045 = arith.constant 208 : index
      %swap3A_1046 = tpu.vector_load %arg7[%swap3A_1044, %swap3A_1045] {strides = array<i32>} : memref<256x256xf32, #tpu.memory_space<vmem>>, vector<1x16xf32>,
      %swap3A_1047 = vector.shape_cast %swap3A_1046 : vector<1x16xf32> to vector<16xf32>
      %swap3A_1048 = vector.shape_cast %mul3A_1043 : vector<16xf32> to vector<1x16xf32>
      tpu.vector_store %arg7[%swap3A_1044, %swap3A_1045], %swap3A_1048 {strides = array<i32>} : memref<256x256xf32, #tpu.memory_space<vmem>>, vector<1x16xf32>,
      %mul3A_1049 = arith.constant 3.125000e-02 : f32
      %mul3A_1050 = vector.broadcast %mul3A_1049 : f32 to vector<16xf32>
      %mul3A_1051 = arith.mulf %scan3A_931#14, %mul3A_1050 : vector<16xf32>
      %swap3A_1052 = arith.index_cast %add3A_936 : i32 to index
      %swap3A_1053 = arith.constant 224 : index
      %swap3A_1054 = tpu.vector_load %arg7[%swap3A_1052, %swap3A_1053] {strides = array<i32>} : memref<256x256xf32, #tpu.memory_space<vmem>>, vector<1x16xf32>,
      %swap3A_1055 = vector.shape_cast %swap3A_1054 : vector<1x16xf32> to vector<16xf32>
      %swap3A_1056 = vector.shape_cast %mul3A_1051 : vector<16xf32> to vector<1x16xf32>
      tpu.vector_store %arg7[%swap3A_1052, %swap3A_1053], %swap3A_1056 {strides = array<i32>} : memref<256x256xf32, #tpu.memory_space<vmem>>, vector<1x16xf32>,
      %mul3A_1057 = arith.constant 3.125000e-02 : f32
      %mul3A_1058 = vector.broadcast %mul3A_1057 : f32 to vector<16xf32>
      %mul3A_1059 = arith.mulf %scan3A_931#15, %mul3A_1058 : vector<16xf32>
      %swap3A_1060 = arith.index_cast %add3A_936 : i32 to index
      %swap3A_1061 = arith.constant 240 : index
      %swap3A_1062 = tpu.vector_load %arg7[%swap3A_1060, %swap3A_1061] {strides = array<i32>} : memref<256x256xf32, #tpu.memory_space<vmem>>, vector<1x16xf32>,
      %swap3A_1063 = vector.shape_cast %swap3A_1062 : vector<1x16xf32> to vector<16xf32>
      %swap3A_1064 = vector.shape_cast %mul3A_1059 : vector<16xf32> to vector<1x16xf32>
      tpu.vector_store %arg7[%swap3A_1060, %swap3A_1061], %swap3A_1064 {strides = array<i32>} : memref<256x256xf32, #tpu.memory_space<vmem>>, vector<1x16xf32>,
      %add3A_1065 = arith.constant 2 : i32
      %add3A_1066 = arith.addi %add3A_551, %add3A_1065 : i32
      %lt3A_1067 = arith.constant 128 : i32
      %lt3A_1068 = arith.cmpi slt, %add3A_1066, %lt3A_1067 : i32
      %convert_element_type3A_1069 = arith.extui %lt3A_1068 : i1 to i32
      %cond3A_1070 = arith.constant 0 : i32
      %cond3A_1071 = arith.cmpi ne, %convert_element_type3A_1069, %cond3A_1070 : i32
      scf.if %cond3A_1071 {
        %add3A_1072 = arith.constant 2 : i32
        %add3A_1073 = arith.addi %add3A_551, %add3A_1072 : i32
        %mul3A_1074 = arith.constant 2 : i32
        %mul3A_1075 = arith.muli %add3A_1073, %mul3A_1074 : i32
        %mul3A_1076 = arith.constant 32 : i32
        %mul3A_1077 = arith.muli %mul3A_1075, %mul3A_1076 : i32
        %dma_start3A_1078 = arith.constant 1 : i32
        %dma_start3A_1079 = arith.constant 0 : i32
        %dma_start3A_1080 = arith.constant 0 : i32
        %dma_start3A_1081 = tpu.memref_slice %arg6[%dma_start3A_1078, %dma_start3A_1079, %dma_start3A_1080] : memref<2x64x256xf32, #tpu.memory_space<vmem>> -> memref<1x64x256xf32, #tpu.memory_space<vmem>>
        %dma_start3A_1082 = tpu.memref_squeeze %dma_start3A_1081 : memref<1x64x256xf32, #tpu.memory_space<vmem>> -> memref<64x256xf32, #tpu.memory_space<vmem>>
        %dma_start3A_1083 = tpu.memref_slice %arg5[%mul3A_1077] : memref<8192xi32, #tpu.memory_space<vmem>> -> memref<64xi32, #tpu.memory_space<vmem>>
        %dma_start3A_1084 = arith.constant 0 : i32
        %dma_start3A_1085 = arith.constant 0 : i32
        %dma_start3A_1086 = tpu.memref_slice %arg2[%dma_start3A_1084, %dma_start3A_1085] : memref<8192x256xf32, #tpu.memory_space<hbm>> -> memref<8192x256xf32, #tpu.memory_space<hbm>>
        tpu.enqueue_indirect_dma source(%dma_start3A_1086 : memref<8192x256xf32, #tpu.memory_space<hbm>>) target(%dma_start3A_1082 : memref<64x256xf32, #tpu.memory_space<vmem>>) offsets(%dma_start3A_1083 : memref<64xi32, #tpu.memory_space<vmem>>) semaphore(%arg9 : memref<!tpu.dma_semaphore, #tpu.memory_space<semaphore_mem>>)
      } else {
      }
    }
    %scan3A_28 = arith.constant 64 : i32
    "tpu.region"() ({
      %run_scoped3A = tpu.sem_alloc : memref<!tpu.dma_semaphore, #tpu.memory_space<semaphore_mem>>
      %dma_start3A_29 = arith.constant 0 : i32
      %dma_start3A_30 = tpu.memref_slice %arg4[%mul3A_2, %dma_start3A_29] : memref<8192x256xf32, #tpu.memory_space<hbm>> -> memref<256x256xf32, #tpu.memory_space<hbm>>
      %dma_start3A_31 = arith.constant 0 : i32
      %dma_start3A_32 = tpu.memref_slice %arg4[%mul3A_2, %dma_start3A_31] : memref<8192x256xf32, #tpu.memory_space<hbm>> -> memref<256x256xf32, #tpu.memory_space<hbm>>
      tpu.enqueue_dma source(%arg7 : memref<256x256xf32, #tpu.memory_space<vmem>>) target(%dma_start3A_32 : memref<256x256xf32, #tpu.memory_space<hbm>>) target_semaphore(%run_scoped3A : memref<!tpu.dma_semaphore, #tpu.memory_space<semaphore_mem>>)
      %dma_wait3A = arith.constant 0 : i32
      %dma_wait3A_33 = tpu.memref_slice %arg4[%mul3A_2, %dma_wait3A] : memref<8192x256xf32, #tpu.memory_space<hbm>> -> memref<256x256xf32, #tpu.memory_space<hbm>>
      %dma_wait3A_34 = arith.constant 0 : i32
      %dma_wait3A_35 = tpu.memref_slice %arg4[%mul3A_2, %dma_wait3A_34] : memref<8192x256xf32, #tpu.memory_space<hbm>> -> memref<256x256xf32, #tpu.memory_space<hbm>>
      tpu.wait_dma2 semaphore(%run_scoped3A : memref<!tpu.dma_semaphore, #tpu.memory_space<semaphore_mem>>) src(%arg7 : memref<256x256xf32, #tpu.memory_space<vmem>>) dst(%dma_wait3A_35 : memref<256x256xf32, #tpu.memory_space<hbm>>)
      tpu.yield
    }) : () -> ()
    return
  }
}

module attributes {stable_mosaic.version = 14 : i64} {
  func.func @body(%arg0: i32, %arg1: memref<1024x256xf32, #tpu.memory_space<vmem>>, %arg2: memref<1024x256xf32, #tpu.memory_space<vmem>>, %arg3: memref<256x256xf32, #tpu.memory_space<vmem>>, %arg4: memref<256x256xf32, #tpu.memory_space<vmem>>, %arg5: memref<1x256xf32, #tpu.memory_space<vmem>>, %arg6: memref<1x256xf32, #tpu.memory_space<vmem>>, %arg7: memref<1x256xf32, #tpu.memory_space<vmem>>, %arg8: memref<1024x256xf32, #tpu.memory_space<vmem>>) attributes {dimension_semantics = [#tpu.dimension_semantics<arbitrary>], iteration_bounds = array<i64: 8>, scalar_prefetch = 0 : i64, scratch_operands = 0 : i64, tpu.core_type = #tpu.core_type<tc>, window_params = [{transform_indices = @transform_0, window_bounds = array<i64: 1024, 256>}, {transform_indices = @transform_1, window_bounds = array<i64: 1024, 256>}, {pipeline_mode = #tpu.pipeline_mode<synchronous>, transform_indices = @transform_2, window_bounds = array<i64: 256, 256>}, {pipeline_mode = #tpu.pipeline_mode<synchronous>, transform_indices = @transform_3, window_bounds = array<i64: 256, 256>}, {pipeline_mode = #tpu.pipeline_mode<synchronous>, transform_indices = @transform_4, window_bounds = array<i64: 1, 256>}, {pipeline_mode = #tpu.pipeline_mode<synchronous>, transform_indices = @transform_5, window_bounds = array<i64: 1, 256>}, {pipeline_mode = #tpu.pipeline_mode<synchronous>, transform_indices = @transform_6, window_bounds = array<i64: 1, 256>}, {transform_indices = @transform_7, window_bounds = array<i64: 1024, 256>}]} {
    %get3A = arith.constant 0 : index
    %get3A_0 = arith.constant 0 : index
    %get3A_1 = vector.load %arg1[%get3A, %get3A_0] : memref<1024x256xf32, #tpu.memory_space<vmem>>, vector<1024x256xf32>
    %get3A_2 = arith.constant 0 : index
    %get3A_3 = arith.constant 0 : index
    %get3A_4 = vector.load %arg3[%get3A_2, %get3A_3] : memref<256x256xf32, #tpu.memory_space<vmem>>, vector<256x256xf32>
    %dot_general3A = arith.constant dense<0.000000e+00> : vector<1024x256xf32>
    %dot_general3A_5 = tpu.matmul %get3A_1, %get3A_4, %dot_general3A {dimension_numbers = #tpu.dot_dimension_numbers<[1], [0], [0], [1], [0, 0, 1, 1], [], []>, transpose_lhs_hint = false} : vector<1024x256xf32>, vector<256x256xf32>, vector<1024x256xf32> -> vector<1024x256xf32>
    %get3A_6 = arith.constant 0 : index
    %get3A_7 = arith.constant 0 : index
    %get3A_8 = vector.load %arg2[%get3A_6, %get3A_7] : memref<1024x256xf32, #tpu.memory_space<vmem>>, vector<1024x256xf32>
    %get3A_9 = arith.constant 0 : index
    %get3A_10 = arith.constant 0 : index
    %get3A_11 = vector.load %arg4[%get3A_9, %get3A_10] : memref<256x256xf32, #tpu.memory_space<vmem>>, vector<256x256xf32>
    %dot_general3A_12 = arith.constant dense<0.000000e+00> : vector<1024x256xf32>
    %dot_general3A_13 = tpu.matmul %get3A_8, %get3A_11, %dot_general3A_12 {dimension_numbers = #tpu.dot_dimension_numbers<[1], [0], [0], [1], [0, 0, 1, 1], [], []>, transpose_lhs_hint = false} : vector<1024x256xf32>, vector<256x256xf32>, vector<1024x256xf32> -> vector<1024x256xf32>
    %add3A = arith.addf %dot_general3A_5, %dot_general3A_13 : vector<1024x256xf32>
    %get3A_14 = arith.constant 0 : index
    %get3A_15 = arith.constant 0 : index
    %get3A_16 = vector.load %arg5[%get3A_14, %get3A_15] : memref<1x256xf32, #tpu.memory_space<vmem>>, vector<1x256xf32>
    %add3A_17 = vector.broadcast %get3A_16 : vector<1x256xf32> to vector<1024x256xf32>
    %add3A_18 = arith.addf %add3A, %add3A_17 : vector<1024x256xf32>
    %mul3A = arith.constant 5.000000e-01 : f32
    %mul3A_19 = vector.broadcast %mul3A : f32 to vector<1024x256xf32>
    %mul3A_20 = arith.mulf %mul3A_19, %add3A_18 : vector<1024x256xf32>
    %mul3A_21 = arith.constant 0.707106769 : f32
    %mul3A_22 = vector.broadcast %mul3A_21 : f32 to vector<1024x256xf32>
    %mul3A_23 = arith.mulf %add3A_18, %mul3A_22 : vector<1024x256xf32>
    %erf3A = math.erf %mul3A_23 : vector<1024x256xf32>
    %add3A_24 = arith.constant 1.000000e+00 : f32
    %add3A_25 = vector.broadcast %add3A_24 : f32 to vector<1024x256xf32>
    %add3A_26 = arith.addf %add3A_25, %erf3A : vector<1024x256xf32>
    %mul3A_27 = arith.mulf %mul3A_20, %add3A_26 : vector<1024x256xf32>
    %add3A_28 = arith.addf %mul3A_27, %get3A_1 : vector<1024x256xf32>
    %reduce_sum3A = arith.constant dense<0.000000e+00> : vector<1024xf32>
    %reduce_sum3A_29 = vector.multi_reduction <add>, %add3A_28, %reduce_sum3A [1] : vector<1024x256xf32> to vector<1024xf32>
    %broadcast_in_dim3A = vector.shape_cast %reduce_sum3A_29 : vector<1024xf32> to vector<1024x1xf32>
    %div3A = arith.constant 2.560000e+02 : f32
    %div3A_30 = vector.broadcast %div3A : f32 to vector<1024x1xf32>
    %div3A_31 = arith.divf %broadcast_in_dim3A, %div3A_30 : vector<1024x1xf32>
    %sub3A = vector.broadcast %div3A_31 : vector<1024x1xf32> to vector<1024x256xf32>
    %sub3A_32 = arith.subf %add3A_28, %sub3A : vector<1024x256xf32>
    %mul3A_33 = arith.mulf %sub3A_32, %sub3A_32 : vector<1024x256xf32>
    %reduce_sum3A_34 = arith.constant dense<0.000000e+00> : vector<1024xf32>
    %reduce_sum3A_35 = vector.multi_reduction <add>, %mul3A_33, %reduce_sum3A_34 [1] : vector<1024x256xf32> to vector<1024xf32>
    %broadcast_in_dim3A_36 = vector.shape_cast %reduce_sum3A_35 : vector<1024xf32> to vector<1024x1xf32>
    %div3A_37 = arith.constant 2.560000e+02 : f32
    %div3A_38 = vector.broadcast %div3A_37 : f32 to vector<1024x1xf32>
    %div3A_39 = arith.divf %broadcast_in_dim3A_36, %div3A_38 : vector<1024x1xf32>
    %add3A_40 = arith.constant 9.99999974E-6 : f32
    %add3A_41 = vector.broadcast %add3A_40 : f32 to vector<1024x1xf32>
    %add3A_42 = arith.addf %div3A_39, %add3A_41 : vector<1024x1xf32>
    %rsqrt3A = math.rsqrt %add3A_42 : vector<1024x1xf32>
    %mul3A_43 = vector.broadcast %rsqrt3A : vector<1024x1xf32> to vector<1024x256xf32>
    %mul3A_44 = arith.mulf %sub3A_32, %mul3A_43 : vector<1024x256xf32>
    %get3A_45 = arith.constant 0 : index
    %get3A_46 = arith.constant 0 : index
    %get3A_47 = vector.load %arg6[%get3A_45, %get3A_46] : memref<1x256xf32, #tpu.memory_space<vmem>>, vector<1x256xf32>
    %mul3A_48 = vector.broadcast %get3A_47 : vector<1x256xf32> to vector<1024x256xf32>
    %mul3A_49 = arith.mulf %mul3A_44, %mul3A_48 : vector<1024x256xf32>
    %get3A_50 = arith.constant 0 : index
    %get3A_51 = arith.constant 0 : index
    %get3A_52 = vector.load %arg7[%get3A_50, %get3A_51] : memref<1x256xf32, #tpu.memory_space<vmem>>, vector<1x256xf32>
    %add3A_53 = vector.broadcast %get3A_52 : vector<1x256xf32> to vector<1024x256xf32>
    %add3A_54 = arith.addf %mul3A_49, %add3A_53 : vector<1024x256xf32>
    %swap3A = arith.constant 0 : index
    %swap3A_55 = arith.constant 0 : index
    %swap3A_56 = vector.load %arg8[%swap3A, %swap3A_55] : memref<1024x256xf32, #tpu.memory_space<vmem>>, vector<1024x256xf32>
    tpu.vector_store %arg8[%swap3A, %swap3A_55], %add3A_54 {strides = array<i32>} : memref<1024x256xf32, #tpu.memory_space<vmem>>, vector<1024x256xf32>,
    return
  }
  func.func @transform_0(%arg0: i32) -> (i32, i32) {
    %c0_i32 = arith.constant 0 : i32
    %c0_i32_0 = arith.constant 0 : i32
    return %arg0, %c0_i32 : i32, i32
  }
  func.func @transform_1(%arg0: i32) -> (i32, i32) {
    %c0_i32 = arith.constant 0 : i32
    %c0_i32_0 = arith.constant 0 : i32
    return %arg0, %c0_i32 : i32, i32
  }
  func.func @transform_2(%arg0: i32) -> (i32, i32) {
    %c0_i32 = arith.constant 0 : i32
    %c0_i32_0 = arith.constant 0 : i32
    %c0_i32_1 = arith.constant 0 : i32
    return %c0_i32, %c0_i32_0 : i32, i32
  }
  func.func @transform_3(%arg0: i32) -> (i32, i32) {
    %c0_i32 = arith.constant 0 : i32
    %c0_i32_0 = arith.constant 0 : i32
    %c0_i32_1 = arith.constant 0 : i32
    return %c0_i32, %c0_i32_0 : i32, i32
  }
  func.func @transform_4(%arg0: i32) -> (i32, i32) {
    %c0_i32 = arith.constant 0 : i32
    %c0_i32_0 = arith.constant 0 : i32
    %c0_i32_1 = arith.constant 0 : i32
    return %c0_i32, %c0_i32_0 : i32, i32
  }
  func.func @transform_5(%arg0: i32) -> (i32, i32) {
    %c0_i32 = arith.constant 0 : i32
    %c0_i32_0 = arith.constant 0 : i32
    %c0_i32_1 = arith.constant 0 : i32
    return %c0_i32, %c0_i32_0 : i32, i32
  }
  func.func @transform_6(%arg0: i32) -> (i32, i32) {
    %c0_i32 = arith.constant 0 : i32
    %c0_i32_0 = arith.constant 0 : i32
    %c0_i32_1 = arith.constant 0 : i32
    return %c0_i32, %c0_i32_0 : i32, i32
  }
  func.func @transform_7(%arg0: i32) -> (i32, i32) {
    %c0_i32 = arith.constant 0 : i32
    %c0_i32_0 = arith.constant 0 : i32
    return %arg0, %c0_i32 : i32, i32
  }
}

</mosaic_0001>

<sc_bundles>
// kernel: kernel.4.cloned.1.call-start
scs
__scs_entry_jumppad:
0x0: {  	(pc) =	sbr.rel $0x88, $3  }
0x1: {  	(tag) =	ssettag $0x0;
	lr =	simm.s32 $0x1  }
0x2: {  	[smem:$0x3F9B] =	sst lr;
	_ =	strace $0xD0000000  }
0x3: {  	_ = 	snop  }
0x4: {  	_ = 	snop  }
0x5: {  	_ = 	snop  }
0x6: {  	_ = 	snop  }
0x7: {  	_ = 	snop  }
__scs_overlays_trampoline_lowered:
0x8: {  	[smem:$0x3FAA] =	sst s0  }
0x9: {  	[smem:$0x3FAB] =	sst s1  }
0xa: {  	[smem:$0x3FAC] =	sst s2  }
0xb: {  	[smem:$0x3FAD] =	sst s3  }
0xc: {  	[smem:$0x3FAE] =	sst s4  }
0xd: {  	[smem:$0x3FAF] =	sst s5  }
0xe: {  	[smem:$0x3FB0] =	sst s6  }
0xf: {  	[smem:$0x3FB1] =	sst s7  }
0x10: {  	[smem:$0x3FB2] =	sst s8  }
0x11: {  	[smem:$0x3FB3] =	sst s9;
	s0 =	simm.s32 @!p0 $0x0  }
0x12: {  	s1 =	sld [smem:$0x3F99];
	s0 =	simm.s32 @p0 $0x1  }
0x13: {  	[smem:$0x3FB4] =	sst s0;
	s0 =	simm.s32 @!p1 $0x0  }
0x14: {  	s2 =	sld [smem:$0x3F98];
	s0 =	simm.s32 @p1 $0x1  }
0x15: {  	[smem:$0x3FB5] =	sst s0;
	s0 =	simm.s32 @!p2 $0x0  }
0x16: {  	s3 =	sld [smem:$0x3FDB];
	s0 =	simm.s32 @p2 $0x1  }
0x17: {  	s4 =	simm.s32 $0x1BF5;
	[smem:$0x3FB7] =	sst s0  }
0x18: {  	s0 =	sld [smem:$0x3F9A];
	_ =	swait.ge [sflag:s4], $0x0  }
0x19: {  	s7 =	sld [smem:$0x3F9B]  }
0x1a: {  	s8 =	sadd.s32 $0xFFFFE003, lr  }
0x1b: {  	s9 =	sadd.s32 $0xFFFFFEF7, lr;
	s5 =	simm.s32 $0xFFFFFFFF;
	p2 =	slt.u32 s8, $0xFFFFF086  }
0x1c: {  	p1 =	slt.u32 s9, $0xF7A;
	s5 =	simm.s32 @!p2 $0x0  }
0x1d: {  	s5 =	simm.s32 @p1 $0x1;
	p0 =	seq.s32 s7, s2  }
0x1e: {  	s7 =	smul.u32 @!p0 $0xF7A, s2;
	p2 =	seq.s32 @!p0 s5, $0x0  }
0x1f: {  	s9 =	smul.u32 $0xF7A, s1;
	s8 =	simm.s32 @!p0 $0x1BF5;
	p2 =	por !p2, p0  }
0x20: {  	[sflag:s8] =	ssyncset.s32 @!p0 $0xFFFFF086;
	s6 =	sadd.s32 @!p0 s3, s7;
	s7 =	simm.s32 @!p0 $0x108  }
0x21: {  	s3 =	sadd.s32 s3, s9;
	s6 =	sadd.s32 @!p0 $0x88, s6;
	s7 =	simm.s32 @p2 $0x1082  }
0x22: {  	[simem:s7], [sflag:s8] =	dma.local @!p0 [hbm:s6], $0xF7A  }
0x23: {  	s9 =	sor.u32 $0xD0000000, s2;
	s6 =	simm.s32 $0x108;
	_ =	swait.ge @!p0 [sflag:s8], $0x0  }
0x24: {  	s3 =	sadd.s32 $0x88, s3;
	s6 =	simm.s32 @!p1 $0x1082;
	[sflag:s4] =	ssyncset.s32 $0xFFFFF086  }
0x25: {  	[simem:s6], [sflag:s4] =	dma.local [hbm:s3], $0xF7A  }
0x26: {  	[smem:$0x3F9B] =	sst s1;
	(tag) =	ssettag s2;
	_ =	strace s9  }
0x27: {  	s1 =	sld [smem:$0x3FAB]  }
0x28: {  	s2 =	sld [smem:$0x3FAC]  }
0x29: {  	s4 =	sld [smem:$0x3FAE]  }
0x2a: {  	p0 =	seq.s32 s5, $0x0;
	s5 =	sld [smem:$0x3FAF]  }
0x2b: {  	s6 =	sld [smem:$0x3FB0]  }
0x2c: {  	s7 =	sld [smem:$0x3FB1]  }
0x2d: {  	s3 =	simm.s32 $0x108;
	s8 =	sld [smem:$0x3FB2]  }
0x2e: {  	s3 =	simm.s32 @!p0 $0x1082;
	s9 =	sld [smem:$0x3FB3]  }
0x2f: {  	lr =	sadd.s32 s0, s3;
	s0 =	sld [smem:$0x3FAA]  }
0x30: {  	s3 =	sld [smem:$0x3FAD]  }
0x31: {  	[smem:$0x3FB6] =	sst s10  }
0x32: {  	s10 =	sld [smem:$0x3FB4];
	_ =	sdelay $0x3  }
0x33: {  	p0 =	seq.s32 s10, $0x1;
	s10 =	sld [smem:$0x3FB6];
	_ =	sdelay $0x3  }
0x34: {  	[smem:$0x3FB6] =	sst s10  }
0x35: {  	s10 =	sld [smem:$0x3FB5];
	_ =	sdelay $0x3  }
0x36: {  	p1 =	seq.s32 s10, $0x1;
	s10 =	sld [smem:$0x3FB6];
	_ =	sdelay $0x3  }
0x37: {  	[smem:$0x3FB6] =	sst s10  }
0x38: {  	s10 =	sld [smem:$0x3FB7]  }
0x39: {  	_ = 	snop;
	(pc) =	sbr.ind lr, $3  }
0x3a: {  	_ = 	snop  }
0x3b: {  	_ = 	snop  }
0x3c: {  	p2 =	seq.s32 s10, $0x1;
	s10 =	sld [smem:$0x3FB6]  }
0x3d: {  	_ =	shalt  }
0x3e: {  	_ =	shalt  }
0x3f: {  	_ =	shalt  }
0x40: {  	_ =	shalt  }
0x41: {  	_ =	shalt  }
0x42: {  	_ =	shalt  }
0x43: {  	_ =	shalt  }
0x44: {  	_ =	shalt  }
0x45: {  	_ =	shalt  }
0x46: {  	_ =	shalt  }
0x47: {  	_ =	shalt  }
0x48: {  	_ =	shalt  }
0x49: {  	_ =	shalt  }
0x4a: {  	_ =	shalt  }
0x4b: {  	_ =	shalt  }
0x4c: {  	_ =	shalt  }
0x4d: {  	_ =	shalt  }
0x4e: {  	_ =	shalt  }
0x4f: {  	_ =	shalt  }
0x50: {  	_ =	shalt  }
0x51: {  	_ =	shalt  }
0x52: {  	_ =	shalt  }
0x53: {  	_ =	shalt  }
0x54: {  	_ =	shalt  }
0x55: {  	_ =	shalt  }
0x56: {  	_ =	shalt  }
0x57: {  	_ =	shalt  }
0x58: {  	_ =	shalt  }
0x59: {  	_ =	shalt  }
0x5a: {  	_ =	shalt  }
0x5b: {  	_ =	shalt  }
0x5c: {  	_ =	shalt  }
0x5d: {  	_ =	shalt  }
0x5e: {  	_ =	shalt  }
0x5f: {  	_ =	shalt  }
0x60: {  	_ =	shalt  }
0x61: {  	_ =	shalt  }
0x62: {  	_ =	shalt  }
0x63: {  	_ =	shalt  }
0x64: {  	_ =	shalt  }
0x65: {  	_ =	shalt  }
0x66: {  	_ =	shalt  }
0x67: {  	_ =	shalt  }
0x68: {  	_ =	shalt  }
0x69: {  	_ =	shalt  }
0x6a: {  	_ =	shalt  }
0x6b: {  	_ =	shalt  }
0x6c: {  	_ =	shalt  }
0x6d: {  	_ =	shalt  }
0x6e: {  	_ =	shalt  }
0x6f: {  	_ =	shalt  }
0x70: {  	_ =	shalt  }
0x71: {  	_ =	shalt  }
0x72: {  	_ =	shalt  }
0x73: {  	_ =	shalt  }
0x74: {  	_ =	shalt  }
0x75: {  	_ =	shalt  }
0x76: {  	_ =	shalt  }
0x77: {  	_ =	shalt  }
0x78: {  	_ =	shalt  }
0x79: {  	_ =	shalt  }
0x7a: {  	_ =	shalt  }
0x7b: {  	_ =	shalt  }
0x7c: {  	_ =	shalt  }
0x7d: {  	_ =	shalt  }
0x7e: {  	_ =	shalt  }
0x7f: {  	_ =	shalt  }
0x80: {  	_ =	shalt  }
0x81: {  	_ =	shalt  }
0x82: {  	_ =	shalt  }
0x83: {  	_ =	shalt  }
0x84: {  	_ =	shalt  }
0x85: {  	_ =	shalt  }
0x86: {  	_ =	shalt  }
0x87: {  	_ =	shalt  }
.Lfunc_end0:
.L_simem_size_0:
called_computation_lowered:
.L_overlay_start_0:
0x88: {  	s2 =	sld [smem:$0x3FD9]  }
0x89: {  	s3 =	sld [smem:$0x3FFE];
	_ =	sdelay $0x1  }
0x8a: {  	s1 =	srdreg.scid  }
0x8b: {  	s0 =	sand.u32 $0x1, s1  }
0x8c: {  	s17 =	sshll.u32 s0, $0xA;
	s2 =	sadd.s32 s3, s2  }
0x8d: {  	s2 =	sadd.s32 s2, s17  }
0x8e: {  	[smem:$0x3FC2] =	sst s2  }
0x8f: {  	_ = 	snop  }
0x90: {  	s2 =	sld [smem:$0x3FC9]  }
0x91: {  	s18 =	sld [smem:$0x3FD0];
	(tm) =	ssettm $0x1  }
0x92: {  	s4 =	sld [smem:$0x3FFB];
	_ =	sdelay $0x3  }
0x93: {  	_ =	strace s4  }
0x94: {  	s4 =	sld [smem:$0x3FFC];
	_ =	sdelay $0x3  }
0x95: {  	_ =	strace s4  }
0x96: {  	s4 =	sld [smem:$0x3FFD];
	_ =	sdelay $0x3  }
0x97: {  	_ =	strace s4  }
0x98: {  	_ =	strace $0x8FFFFFFF  }
0x99: {  	s19 =	sld [smem:$0x3FDB];
	_ =	sdelay $0x1  }
0x9a: {  	s5 =	simm.s32 $_scs_section_size  }
0x9b: {  	s6 =	simm.s32 $_size__tile_overlayer_lowered;
	s7 =	simm.s32 $_tile_overlayer_lowered  }
0x9c: {  	s22 =	simm.s32 $0x1BFF;
	s21 =	sshll.u32 s7, $0x1;
	s4 =	sadd.s32 s5, s19  }
0x9d: {  	s8 =	simm.s32 $0x0;
	s20 =	sshll.u32 s6, $0x1;
	s6 =	sadd.s32 s21, s4  }
0x9e: {  	[timem:s8], [sflag:s22] =	dma.local [hbm:s6], s20  }
0x9f: {  	_ =	swait.ge [sflag:s22], s20  }
0xa0: {  	s5 =	ssub.s32 $0x0, s20;
	[sflag:s22] =	ssyncset.done $0x0  }
0xa1: {  	[sflag:s22] =	ssyncadd.s32 s5;
	_ =	sdelay $0x1  }
0xa2: {  	s23 =	simm.s32 $0x1B8B  }
0xa3: {  	_ =	swait.ge [sflag:s23], $0x1  }
0xa4: {  	[sflag:s23] =	ssyncset.done $0x0  }
0xa5: {  	s25 =	simm.s32 $0x1B8E;
	s24 =	sld [smem:$0x3FFE];
	[sflag:s23] =	ssyncadd.s32 $0xFFFFFFFF  }
0xa6: {  	s26 =	simm.s32 $execute0_lowered;
	[smem:$0x3FD2] =	sst s25  }
0xa7: {  	s6 =	sshll.u32 s26, $0x1;
	_ =	strace $0x80000046;
	[dreg:$0x1] =	wrdreg $0xFFFFFFFF  }
0xa8: {  	s28 =	simm.s32 $_size_execute0_lowered;
	s4 =	sadd.s32 s4, s6;
	[dreg:$0x0] =	wrdreg $0x0  }
0xa9: {  	s6 =	sshll.u32 s28, $0x1;
	[dreg:$0x2] =	wrdreg s4  }
0xaa: {  	[dreg:$0x3] =	wrdreg s6  }
0xab: {  	[dreg:$0x4] =	wrdreg $0xC0  }
0xac: {  	_ =	task [dreg:s8], $0x5FFFF  }
0xad: {  	[dreg:$0x1] =	wrdreg $0xFFFFFFFF  }
0xae: {  	[dreg:$0x0] =	wrdreg $0x60  }
0xaf: {  	[dreg:$0x2] =	wrdreg s2  }
0xb0: {  	[dreg:$0x3] =	wrdreg s24  }
0xb1: {  	[dreg:$0x4] =	wrdreg s18  }
0xb2: {  	[dreg:$0x5] =	wrdreg $0x9  }
0xb3: {  	_ =	task.clear_ibuf [dreg:s8], $0x6FFFF;
	_ =	strace $0x90000046  }
0xb4: {  	s29 =	simm.s32 $0x9;
	_ =	strace $0x80000048  }
0xb5: {  	_ =	swait.ge [sflag:s29], $0x1  }
0xb6: {  	[sflag:s29] =	ssyncadd.s32 $0xFFFFFFFF  }
0xb7: {  	_ =	strace $0x90000048  }
0xb8: {  	_ =	sfence  }
0xb9: {  	s30 =	sld [smem:$0x0];
	_ =	sdelay $0x2  }
0xba: {  	s31 =	sshll.u32 s1, $0xD;
	s1 =	sshrl.u32 s1, $0x2  }
0xbb: {  	s3 =	sand.u32 $0x4000, s31;
	s1 =	sadd.s32 s1, s30  }
0xbc: {  	s0 =	sor.u32 s3, s0;
	s1 =	sshll.u32 s1, $0x11  }
0xbd: {  	s0 =	sor.u32 s1, s0  }
0xbe: {  	s0 =	sadd.s32 $0x8F2B, s0  }
0xbf: {  	[sflag:s0] =	ssyncadd.remote.s32 $0x1  }
0xc0: {  	_ =	sfence.sel $0xFFFF  }
0xc1: {  	[dreg:$0x0] =	wrdreg $0xFFFFFFFF;
	(pc) =	sbr.abs _section_cstart, $3  }
0xc2: {  	[dreg:$0x1] =	wrdreg $0xFFFFFFFF  }
0xc3: {  	_ =	task.clear_ibuf [dreg:s8], $0x2FFFF;
	_ =	strace $0x9FFFFFFF  }
0xc4: {  	(tm) =	ssettm $0x7FFFFFFF  }
0xc5: {  	_ =	shalt  }
tec
execute0_lowered:
.L_overlay_start_1:
0x0: {  	(tag) =	ssettag $0x1  }
0x1: {  	s1 =	rddreg [dreg:$0x0]  }
0x2: {  	s0 =	rddreg [dreg:$0x1]  }
0x3: {  	s2 =	rddreg [dreg:$0x2];
	s4 =	srdreg.scid  }
0x4: {  	s5 =	stileid.u32;
	s3 =	simm.s32 $0x0;
	s13 =	simm.s32 $0x4800  }
0x5: {  	s14 =	simm.s32 $0x5000;
	s15 =	simm.s32 $0x5800;
	s16 =	simm.s32 $0x6000  }
0x6: {  	s17 =	simm.s32 $0x6800;
	s18 =	simm.s32 $0x7000;
	s19 =	simm.s32 $0x7800  }
0x7: {  	s20 =	simm.s32 $0x8000;
	s21 =	simm.s32 $0x8800;
	s22 =	simm.s32 $0x9000  }
0x8: {  	s23 =	simm.s32 $0x9800;
	s24 =	simm.s32 $0x1;
	s25 =	simm.s32 $0x2  }
0x9: {  	s26 =	simm.s32 $0xA000;
	s28 =	simm.s32 $0x0;
	s4 =	sand.u32 $0x1, s4  }
.Ltmp0:
0xa: {  	s5 =	sshll.u32 s5, $0x1;
	[smem:$0x7FF] =	sst s3;
	(pc) =	sbr.rel .LBB2_1-.Ltmp0, $4  }
0xb: {  	s5 =	sor.u32 s4, s5;
	s4 =	ssub.s32 $0x2, s4;
	_ =	strace $0x80000047  }
0xc: {  	v2 =	vlaneseq.u32;
	s6 =	sshll.u32 s5, $0xA;
	s7 =	sshrl.u32 s4, $0x1;
	s5 =	sshll.u32 s5, $0xD  }
0xd: {  	vm0 =	vmmov $0xffff;
	v1 =	vshrl.u32 v2, $0x3;
	s0 =	sadd.s32 s6, s0;
	s31 =	ssub.s32 s4, s7;
	s5 =	sadd.s32 s2, s5  }
0xe: {  	v0 =	vand.u32 $0x7, v2;
	v2 =	vor.u32 $0x8, v2;
	v1 =	vmul.u32 $0x8, v1;
	s7 =	simm.s32 $0x3;
	s4 =	sadd.s32 $0x1800, s0;
	s6 =	smax.u32 s31, $0x1  }
.LBB2_12:
0xf: {  	s28 =	sadd.s32 $0x1, s28  }
0x10: {  	p0 =	sne.s32 s28, s6  }
.Ltmp1:
0x11: {  	_ = 	snop;
	(pc) =	sbr.rel @!p0 .LBB2_13-.Ltmp1, $4  }
0x12: {  	[hbm4b:s5+s3] =	stream.linear.scatter [tilespmem:s26], [sflag:$0x3], $0x10000, $0x38;
	[tilespmem:$0x1A000] =	vst v63  }
0x13: {  	_ =	swait.ge [sflag:s7], $0x10000  }
0x14: {  	[sflag:s7] =	ssyncset.done $0x0  }
0x15: {  	[sflag:s7] =	ssyncadd.s32 $0xFFFF0000  }
.LBB2_1:
0x16: {  	[tilespmem:s3], [sflag:$0x3] =	stream.linear.gather [hbm4b:s4+s3], $0x2000, $0x38;
	[tilespmem:$0x1A000] =	vst v63  }
0x17: {  	_ =	swait.ge [sflag:s7], $0x2000  }
0x18: {  	[sflag:s7] =	ssyncset.done $0x0  }
0x19: {  	[sflag:s7] =	ssyncadd.s32 $0xFFFFE000  }
0x1a: {  	v3 =	vld [tilespmem:$0x0];
	_ =	sdelay $0x4  }
0x1b: {  	v4 =	vshll.u32 v3, $0x1  }
0x1c: {  	v3 =	vand.u32 $0x7, v3;
	v4 =	vand.u32 $0xFFFFFFF0, v4  }
0x1d: {  	v3 =	vor.u32 v3, v4  }
0x1e: {  	v4 =	vperm.xlane v3, v0;
	_ =	sdelay $0x1  }
0x1f: {  	v3 =	vperm.xlane v3, v2;
	v4 =	vadd.s32 v1, v4;
	_ =	sdelay $0x1  }
0x20: {  	v3 =	vadd.s32 v1, v3;
	_ =	sdelay $0x1  }
0x21: {  	s0 =	simm.s32 $0x2000  }
0x22: {  	[tilespmem:s0], [sflag:$0x1] =	stream.indirect_vreg.gather [hbm4b:s1+s3], $0x80, v4, vm0, $0xb8;
	[tilespmem:$0x1A000] =	vst v63  }
0x23: {  	s11 =	simm.s32 $0x2800  }
0x24: {  	[tilespmem:s11], [sflag:$0x1] =	stream.indirect_vreg.gather [hbm4b:s1+s3], $0x80, v3, vm0, $0xb8;
	[tilespmem:$0x1A000] =	vst v63  }
0x25: {  	v3 =	vld [tilespmem:$0x10];
	_ =	sdelay $0x4  }
0x26: {  	v57 =	vshll.u32 v3, $0x1  }
0x27: {  	v3 =	vand.u32 $0x7, v3;
	v4 =	vand.u32 $0xFFFFFFF0, v57  }
0x28: {  	v3 =	vor.u32 v3, v4  }
0x29: {  	v4 =	vperm.xlane v3, v0;
	_ =	sdelay $0x1  }
0x2a: {  	v3 =	vperm.xlane v3, v2;
	v4 =	vadd.s32 v1, v4;
	_ =	sdelay $0x1  }
0x2b: {  	v3 =	vadd.s32 v1, v3;
	_ =	sdelay $0x1  }
0x2c: {  	s12 =	simm.s32 $0x3000  }
0x2d: {  	[tilespmem:s12], [sflag:$0x1] =	stream.indirect_vreg.gather [hbm4b:s1+s3], $0x80, v4, vm0, $0xb8;
	[tilespmem:$0x1A000] =	vst v63  }
0x2e: {  	s30 =	simm.s32 $0x3800  }
0x2f: {  	[tilespmem:s30], [sflag:$0x1] =	stream.indirect_vreg.gather [hbm4b:s1+s3], $0x80, v3, vm0, $0xb8;
	[tilespmem:$0x1A000] =	vst v63  }
0x30: {  	v3 =	vld [tilespmem:$0x20];
	_ =	sdelay $0x4  }
0x31: {  	v58 =	vshll.u32 v3, $0x1  }
0x32: {  	v3 =	vand.u32 $0x7, v3;
	v4 =	vand.u32 $0xFFFFFFF0, v58  }
0x33: {  	v3 =	vor.u32 v3, v4  }
0x34: {  	v4 =	vperm.xlane v3, v0;
	_ =	sdelay $0x1  }
0x35: {  	v3 =	vperm.xlane v3, v2;
	v4 =	vadd.s32 v1, v4;
	_ =	sdelay $0x1  }
0x36: {  	v3 =	vadd.s32 v1, v3;
	_ =	sdelay $0x1  }
0x37: {  	s31 =	simm.s32 $0x4000  }
0x38: {  	[tilespmem:s31], [sflag:$0x1] =	stream.indirect_vreg.gather [hbm4b:s1+s3], $0x80, v4, vm0, $0xb8;
	[tilespmem:$0x1A000] =	vst v63  }
0x39: {  	_ = 	snop  }
0x3a: {  	[tilespmem:s13], [sflag:$0x1] =	stream.indirect_vreg.gather [hbm4b:s1+s3], $0x80, v3, vm0, $0xb8;
	[tilespmem:$0x1A000] =	vst v63  }
0x3b: {  	v3 =	vld [tilespmem:$0x30];
	_ =	sdelay $0x4  }
0x3c: {  	v59 =	vshll.u32 v3, $0x1  }
0x3d: {  	v3 =	vand.u32 $0x7, v3;
	v4 =	vand.u32 $0xFFFFFFF0, v59  }
0x3e: {  	v3 =	vor.u32 v3, v4  }
0x3f: {  	v4 =	vperm.xlane v3, v0;
	_ =	sdelay $0x1  }
0x40: {  	v3 =	vperm.xlane v3, v2;
	v4 =	vadd.s32 v1, v4;
	_ =	sdelay $0x1  }
0x41: {  	v3 =	vadd.s32 v1, v3;
	_ =	sdelay $0x2  }
0x42: {  	[tilespmem:s14], [sflag:$0x1] =	stream.indirect_vreg.gather [hbm4b:s1+s3], $0x80, v4, vm0, $0xb8;
	[tilespmem:$0x1A000] =	vst v63  }
0x43: {  	_ = 	snop  }
0x44: {  	[tilespmem:s15], [sflag:$0x1] =	stream.indirect_vreg.gather [hbm4b:s1+s3], $0x80, v3, vm0, $0xb8;
	[tilespmem:$0x1A000] =	vst v63  }
0x45: {  	v3 =	vld [tilespmem:$0x40];
	_ =	sdelay $0x4  }
0x46: {  	v60 =	vshll.u32 v3, $0x1  }
0x47: {  	v3 =	vand.u32 $0x7, v3;
	v4 =	vand.u32 $0xFFFFFFF0, v60  }
0x48: {  	v3 =	vor.u32 v3, v4  }
0x49: {  	v4 =	vperm.xlane v3, v0;
	_ =	sdelay $0x1  }
0x4a: {  	v3 =	vperm.xlane v3, v2;
	v4 =	vadd.s32 v1, v4;
	_ =	sdelay $0x1  }
0x4b: {  	v3 =	vadd.s32 v1, v3;
	_ =	sdelay $0x2  }
0x4c: {  	[tilespmem:s16], [sflag:$0x2] =	stream.indirect_vreg.gather [hbm4b:s1+s3], $0x80, v4, vm0, $0xb8;
	[tilespmem:$0x1A000] =	vst v63  }
0x4d: {  	_ = 	snop  }
0x4e: {  	[tilespmem:s17], [sflag:$0x2] =	stream.indirect_vreg.gather [hbm4b:s1+s3], $0x80, v3, vm0, $0xb8;
	[tilespmem:$0x1A000] =	vst v63  }
0x4f: {  	v3 =	vld [tilespmem:$0x50];
	_ =	sdelay $0x4  }
0x50: {  	v61 =	vshll.u32 v3, $0x1  }
0x51: {  	v3 =	vand.u32 $0x7, v3;
	v4 =	vand.u32 $0xFFFFFFF0, v61  }
0x52: {  	v3 =	vor.u32 v3, v4  }
0x53: {  	v4 =	vperm.xlane v3, v0;
	_ =	sdelay $0x1  }
0x54: {  	v3 =	vperm.xlane v3, v2;
	v4 =	vadd.s32 v1, v4;
	_ =	sdelay $0x1  }
0x55: {  	v3 =	vadd.s32 v1, v3;
	_ =	sdelay $0x2  }
0x56: {  	[tilespmem:s18], [sflag:$0x2] =	stream.indirect_vreg.gather [hbm4b:s1+s3], $0x80, v4, vm0, $0xb8;
	[tilespmem:$0x1A000] =	vst v63  }
0x57: {  	_ = 	snop  }
0x58: {  	[tilespmem:s19], [sflag:$0x2] =	stream.indirect_vreg.gather [hbm4b:s1+s3], $0x80, v3, vm0, $0xb8;
	[tilespmem:$0x1A000] =	vst v63  }
0x59: {  	v3 =	vld [tilespmem:$0x60];
	_ =	sdelay $0x4  }
0x5a: {  	v62 =	vshll.u32 v3, $0x1  }
0x5b: {  	v3 =	vand.u32 $0x7, v3;
	v4 =	vand.u32 $0xFFFFFFF0, v62  }
0x5c: {  	v3 =	vor.u32 v3, v4  }
0x5d: {  	v4 =	vperm.xlane v3, v0;
	_ =	sdelay $0x1  }
0x5e: {  	v3 =	vperm.xlane v3, v2;
	v4 =	vadd.s32 v1, v4;
	_ =	sdelay $0x1  }
0x5f: {  	v3 =	vadd.s32 v1, v3;
	_ =	sdelay $0x2  }
0x60: {  	[tilespmem:s20], [sflag:$0x2] =	stream.indirect_vreg.gather [hbm4b:s1+s3], $0x80, v4, vm0, $0xb8;
	[tilespmem:$0x1A000] =	vst v63  }
0x61: {  	_ = 	snop  }
0x62: {  	[tilespmem:s21], [sflag:$0x2] =	stream.indirect_vreg.gather [hbm4b:s1+s3], $0x80, v3, vm0, $0xb8;
	[tilespmem:$0x1A000] =	vst v63  }
0x63: {  	v3 =	vld [tilespmem:$0x70];
	_ =	sdelay $0x4  }
0x64: {  	v63 =	vshll.u32 v3, $0x1  }
0x65: {  	v3 =	vand.u32 $0x7, v3;
	v4 =	vand.u32 $0xFFFFFFF0, v63  }
0x66: {  	v3 =	vor.u32 v3, v4  }
0x67: {  	v4 =	vperm.xlane v3, v0;
	_ =	sdelay $0x1  }
0x68: {  	v3 =	vperm.xlane v3, v2;
	v4 =	vadd.s32 v1, v4;
	_ =	sdelay $0x1  }
0x69: {  	v3 =	vadd.s32 v1, v3;
	_ =	sdelay $0x2  }
0x6a: {  	[tilespmem:s22], [sflag:$0x2] =	stream.indirect_vreg.gather [hbm4b:s1+s3], $0x80, v4, vm0, $0xb8;
	[tilespmem:$0x1A000] =	vst v63  }
0x6b: {  	s29 =	simm.s32 $0x0  }
0x6c: {  	[tilespmem:s23], [sflag:$0x2] =	stream.indirect_vreg.gather [hbm4b:s1+s3], $0x80, v3, vm0, $0xb8;
	[tilespmem:$0x1A000] =	vst v63  }
.LBB2_2:
0x6d: {  	_ =	swait.ge [sflag:s24], $0x4000  }
0x6e: {  	[sflag:s24] =	ssyncset.done $0x0  }
0x6f: {  	[sflag:s24] =	ssyncadd.s32 $0xFFFFC000  }
0x70: {  	v10 =	vld [tilespmem:$0x2000]  }
0x71: {  	v11 =	vld [tilespmem:$0x2010]  }
0x72: {  	v12 =	vld [tilespmem:$0x2020]  }
0x73: {  	v13 =	vld [tilespmem:$0x2030]  }
0x74: {  	v14 =	vld [tilespmem:$0x2040]  }
0x75: {  	v20 =	vld [tilespmem:$0x2050]  }
0x76: {  	v23 =	vld [tilespmem:$0x2060]  }
0x77: {  	v24 =	vld [tilespmem:$0x2070]  }
0x78: {  	v25 =	vld [tilespmem:$0x2400]  }
0x79: {  	v9 =	vld [tilespmem:$0x2410]  }
0x7a: {  	v8 =	vld [tilespmem:$0x2420]  }
0x7b: {  	v7 =	vld [tilespmem:$0x2430]  }
0x7c: {  	v6 =	vld [tilespmem:$0x2440]  }
0x7d: {  	s0 =	simm.s32 $0x100;
	s2 =	simm.s32 $0x80;
	v4 =	vld [tilespmem:$0x2450]  }
0x7e: {  	s0 =	sand.u32 $0x1800, s0;
	s2 =	sand.u32 $0x380, s2;
	v3 =	vld [tilespmem:$0x2460]  }
0x7f: {  	s0 =	sor.u32 s2, s0;
	v5 =	vld [tilespmem:$0x2470]  }
0x80: {  	v15 =	vld [tilespmem:s0+$0x2470]  }
0x81: {  	v16 =	vld [tilespmem:s0+$0x2000]  }
0x82: {  	v17 =	vld [tilespmem:s0+$0x2010]  }
0x83: {  	v19 =	vld [tilespmem:s0+$0x2020]  }
0x84: {  	v26 =	vld [tilespmem:s0+$0x2030]  }
0x85: {  	v27 =	vld [tilespmem:s0+$0x2040]  }
0x86: {  	v28 =	vld [tilespmem:s0+$0x2050]  }
0x87: {  	v29 =	vld [tilespmem:s0+$0x2060]  }
0x88: {  	v30 =	vld [tilespmem:s0+$0x2070]  }
0x89: {  	v31 =	vld [tilespmem:s0+$0x2400]  }
0x8a: {  	v22 =	vld [tilespmem:s0+$0x2410];
	v5 =	vadd.f32 v15, v5;
	v18 =	vadd.f32 v16, v10  }
0x8b: {  	v21 =	vld [tilespmem:s0+$0x2420];
	v17 =	vadd.f32 v17, v11;
	v16 =	vadd.f32 v19, v12  }
0x8c: {  	v15 =	vadd.f32 v26, v13;
	v14 =	vadd.f32 v27, v14;
	v19 =	vld [tilespmem:s0+$0x2430]  }
0x8d: {  	s8 =	simm.s32 $0x200;
	s2 =	simm.s32 $0x100;
	v13 =	vadd.f32 v28, v20;
	v12 =	vadd.f32 v29, v23;
	v20 =	vld [tilespmem:s0+$0x2440]  }
0x8e: {  	s9 =	sand.u32 $0x1800, s8;
	s8 =	simm.s32 $0x300;
	s10 =	sand.u32 $0x380, s2;
	v10 =	vadd.f32 v30, v24;
	v11 =	vadd.f32 v31, v25;
	v23 =	vld [tilespmem:s0+$0x2450]  }
.LBB2_3:
0x8f: {  	p0 =	sne.s32 s8, $0x1F00;
	v9 =	vadd.f32 v22, v9;
	v22 =	vld [tilespmem:s0+$0x2460];
	s0 =	sor.u32 s10, s9  }
0x90: {  	v24 =	vld [tilespmem:s0+$0x2470];
	v8 =	vadd.f32 v21, v8  }
0x91: {  	v21 =	vld [tilespmem:s0+$0x2000];
	v7 =	vadd.f32 v19, v7  }
0x92: {  	v19 =	vld [tilespmem:s0+$0x2010];
	v6 =	vadd.f32 v20, v6  }
0x93: {  	v20 =	vld [tilespmem:s0+$0x2020];
	v4 =	vadd.f32 v23, v4  }
0x94: {  	v23 =	vld [tilespmem:s0+$0x2030];
	v3 =	vadd.f32 v22, v3  }
0x95: {  	v22 =	vld [tilespmem:s0+$0x2040];
	v5 =	vadd.f32 v24, v5  }
0x96: {  	v18 =	vadd.f32 v21, v18;
	v21 =	vld [tilespmem:s0+$0x2050]  }
0x97: {  	v17 =	vadd.f32 v19, v17;
	v19 =	vld [tilespmem:s0+$0x2060]  }
0x98: {  	v16 =	vadd.f32 v20, v16;
	v20 =	vld [tilespmem:s0+$0x2070]  }
0x99: {  	v15 =	vadd.f32 v23, v15;
	v23 =	vld [tilespmem:s0+$0x2400]  }
.Ltmp2:
0x9a: {  	v14 =	vadd.f32 v22, v14;
	v22 =	vld [tilespmem:s0+$0x2410];
	(pc) =	sbr.rel @p0 .LBB2_3-.Ltmp2, $4  }
0x9b: {  	v13 =	vadd.f32 v21, v13;
	v21 =	vld [tilespmem:s0+$0x2420]  }
0x9c: {  	v12 =	vadd.f32 v19, v12;
	v19 =	vld [tilespmem:s0+$0x2430]  }
0x9d: {  	s2 =	sadd.s32 $0x80, s2;
	v10 =	vadd.f32 v20, v10;
	v20 =	vld [tilespmem:s0+$0x2440]  }
0x9e: {  	s9 =	sand.u32 $0x1800, s8;
	s8 =	sadd.s32 $0x100, s8;
	s10 =	sand.u32 $0x380, s2;
	v11 =	vadd.f32 v23, v11;
	v23 =	vld [tilespmem:s0+$0x2450]  }
0x9f: {  	s8 =	sor.u32 s10, s9;
	v24 =	vld [tilespmem:s0+$0x2460]  }
0xa0: {  	v25 =	vld [tilespmem:s8+$0x2470]  }
0xa1: {  	v26 =	vld [tilespmem:s8+$0x2000]  }
0xa2: {  	v27 =	vld [tilespmem:s8+$0x2010]  }
0xa3: {  	v28 =	vld [tilespmem:s8+$0x2020]  }
0xa4: {  	v29 =	vld [tilespmem:s8+$0x2030]  }
0xa5: {  	v30 =	vld [tilespmem:s8+$0x2040]  }
0xa6: {  	v31 =	vld [tilespmem:s8+$0x2050]  }
0xa7: {  	v32 =	vld [tilespmem:s8+$0x2060]  }
0xa8: {  	v33 =	vld [tilespmem:s8+$0x2070]  }
0xa9: {  	v34 =	vld [tilespmem:s8+$0x2400]  }
0xaa: {  	v35 =	vld [tilespmem:s8+$0x2410]  }
0xab: {  	s31 =	sshll.u32 s29, $0xA;
	v36 =	vld [tilespmem:s8+$0x2420];
	v18 =	vadd.f32 v26, v18  }
0xac: {  	s30 =	sshll.u32 s29, $0x9;
	v52 =	vld [tilespmem:s8+$0x2430];
	s10 =	sand.u32 $0xF800, s31;
	v17 =	vadd.f32 v27, v17  }
0xad: {  	v53 =	vld [tilespmem:s8+$0x2440];
	s2 =	sand.u32 $0x200, s30;
	s0 =	sadd.s32 $0xA000, s10;
	v16 =	vadd.f32 v28, v16;
	v18 =	vmul.f32 $3.125000000e-02, v18  }
0xae: {  	v54 =	vld [tilespmem:s8+$0x2450];
	s11 =	sor.u32 s2, s0;
	v15 =	vadd.f32 v29, v15;
	v17 =	vmul.f32 $3.125000000e-02, v17  }
0xaf: {  	v55 =	vld [tilespmem:s8+$0x2460];
	v14 =	vadd.f32 v30, v14;
	v16 =	vmul.f32 $3.125000000e-02, v16;
	[tilespmem:s11+$0x0] =	vst v18  }
0xb0: {  	v13 =	vadd.f32 v31, v13;
	v15 =	vmul.f32 $3.125000000e-02, v15;
	[tilespmem:s11+$0x10] =	vst v17  }
0xb1: {  	v12 =	vadd.f32 v32, v12;
	v14 =	vmul.f32 $3.125000000e-02, v14;
	[tilespmem:s11+$0x20] =	vst v16  }
0xb2: {  	v9 =	vadd.f32 v22, v9;
	v10 =	vadd.f32 v33, v10;
	v13 =	vmul.f32 $3.125000000e-02, v13;
	[tilespmem:s11+$0x30] =	vst v15  }
0xb3: {  	v8 =	vadd.f32 v21, v8;
	v11 =	vadd.f32 v34, v11;
	v12 =	vmul.f32 $3.125000000e-02, v12;
	[tilespmem:s11+$0x40] =	vst v14  }
0xb4: {  	v7 =	vadd.f32 v19, v7;
	v9 =	vadd.f32 v35, v9;
	v10 =	vmul.f32 $3.125000000e-02, v10;
	[tilespmem:s11+$0x50] =	vst v13  }
0xb5: {  	s9 =	sor.u32 s31, s2;
	v6 =	vadd.f32 v20, v6;
	v8 =	vadd.f32 v36, v8;
	v11 =	vmul.f32 $3.125000000e-02, v11;
	[tilespmem:s11+$0x60] =	vst v12  }
0xb6: {  	s12 =	sor.u32 $0x400, s9;
	v4 =	vadd.f32 v23, v4;
	v7 =	vadd.f32 v52, v7;
	v9 =	vmul.f32 $3.125000000e-02, v9;
	[tilespmem:s11+$0x70] =	vst v10  }
0xb7: {  	s10 =	sor.u32 $0x410, s9;
	v3 =	vadd.f32 v24, v3;
	v6 =	vadd.f32 v53, v6;
	v8 =	vmul.f32 $3.125000000e-02, v8;
	[tilespmem:s12+$0xA000] =	vst v11  }
0xb8: {  	v4 =	vadd.f32 v54, v4;
	v7 =	vmul.f32 $3.125000000e-02, v7;
	s11 =	sor.u32 $0x420, s9;
	[tilespmem:s10+$0xA000] =	vst v9  }
0xb9: {  	v3 =	vadd.f32 v55, v3;
	v6 =	vmul.f32 $3.125000000e-02, v6;
	s12 =	sor.u32 $0x430, s9;
	[tilespmem:s11+$0xA000] =	vst v8  }
0xba: {  	v5 =	vadd.f32 v25, v5;
	v4 =	vmul.f32 $3.125000000e-02, v4;
	s10 =	sor.u32 $0x440, s9;
	[tilespmem:s12+$0xA000] =	vst v7  }
0xbb: {  	v3 =	vmul.f32 $3.125000000e-02, v3;
	s11 =	sor.u32 $0x450, s9;
	[tilespmem:s10+$0xA000] =	vst v6  }
0xbc: {  	s12 =	sor.u32 $0x460, s9;
	[tilespmem:s11+$0xA000] =	vst v4;
	v4 =	vmul.f32 $3.125000000e-02, v5  }
0xbd: {  	s9 =	sor.u32 $0x470, s9;
	[tilespmem:s12+$0xA000] =	vst v3  }
0xbe: {  	[tilespmem:s9+$0xA000] =	vst v4  }
0xbf: {  	v10 =	vld [tilespmem:$0x4000]  }
0xc0: {  	v11 =	vld [tilespmem:$0x4010]  }
0xc1: {  	v12 =	vld [tilespmem:$0x4020]  }
0xc2: {  	v13 =	vld [tilespmem:$0x4030]  }
0xc3: {  	v14 =	vld [tilespmem:$0x4040]  }
0xc4: {  	v20 =	vld [tilespmem:$0x4050]  }
0xc5: {  	v23 =	vld [tilespmem:$0x4060]  }
0xc6: {  	v56 =	vld [tilespmem:$0x4070]  }
0xc7: {  	v57 =	vld [tilespmem:$0x4400]  }
0xc8: {  	v9 =	vld [tilespmem:$0x4410]  }
0xc9: {  	v8 =	vld [tilespmem:$0x4420]  }
0xca: {  	v7 =	vld [tilespmem:$0x4430]  }
0xcb: {  	v6 =	vld [tilespmem:$0x4440]  }
0xcc: {  	s10 =	simm.s32 $0x100;
	s11 =	simm.s32 $0x80;
	v4 =	vld [tilespmem:$0x4450]  }
0xcd: {  	s8 =	sand.u32 $0x1800, s10;
	s9 =	sand.u32 $0x380, s11;
	v3 =	vld [tilespmem:$0x4460]  }
0xce: {  	v5 =	vld [tilespmem:$0x4470];
	s8 =	sor.u32 s9, s8  }
0xcf: {  	v15 =	vld [tilespmem:s8+$0x4470]  }
0xd0: {  	v16 =	vld [tilespmem:s8+$0x4000]  }
0xd1: {  	v18 =	vld [tilespmem:s8+$0x4010]  }
0xd2: {  	v19 =	vld [tilespmem:s8+$0x4020]  }
0xd3: {  	v58 =	vld [tilespmem:s8+$0x4030]  }
0xd4: {  	v59 =	vld [tilespmem:s8+$0x4040]  }
0xd5: {  	v60 =	vld [tilespmem:s8+$0x4050]  }
0xd6: {  	v61 =	vld [tilespmem:s8+$0x4060]  }
0xd7: {  	v62 =	vld [tilespmem:s8+$0x4070]  }
0xd8: {  	v63 =	vld [tilespmem:s8+$0x4400]  }
0xd9: {  	v22 =	vld [tilespmem:s8+$0x4410];
	v5 =	vadd.f32 v15, v5;
	v17 =	vadd.f32 v16, v10  }
0xda: {  	v21 =	vld [tilespmem:s8+$0x4420];
	v18 =	vadd.f32 v18, v11;
	v16 =	vadd.f32 v19, v12  }
0xdb: {  	v15 =	vadd.f32 v58, v13;
	v14 =	vadd.f32 v59, v14;
	v19 =	vld [tilespmem:s8+$0x4430]  }
0xdc: {  	s12 =	simm.s32 $0x200;
	s9 =	simm.s32 $0x100;
	v13 =	vadd.f32 v60, v20;
	v12 =	vadd.f32 v61, v23;
	v20 =	vld [tilespmem:s8+$0x4440]  }
0xdd: {  	s10 =	simm.s32 $0x300;
	s11 =	sand.u32 $0x1800, s12;
	s12 =	sand.u32 $0x380, s9;
	v10 =	vadd.f32 v62, v56;
	v11 =	vadd.f32 v63, v57;
	v23 =	vld [tilespmem:s8+$0x4450]  }
.LBB2_5:
0xde: {  	p0 =	sne.s32 s10, $0x1F00;
	v9 =	vadd.f32 v22, v9;
	v22 =	vld [tilespmem:s8+$0x4460];
	s8 =	sor.u32 s12, s11  }
0xdf: {  	v24 =	vld [tilespmem:s8+$0x4470];
	v8 =	vadd.f32 v21, v8  }
0xe0: {  	v21 =	vld [tilespmem:s8+$0x4000];
	v7 =	vadd.f32 v19, v7  }
0xe1: {  	v19 =	vld [tilespmem:s8+$0x4010];
	v6 =	vadd.f32 v20, v6  }
0xe2: {  	v20 =	vld [tilespmem:s8+$0x4020];
	v4 =	vadd.f32 v23, v4  }
0xe3: {  	v23 =	vld [tilespmem:s8+$0x4030];
	v3 =	vadd.f32 v22, v3  }
0xe4: {  	v22 =	vld [tilespmem:s8+$0x4040];
	v5 =	vadd.f32 v24, v5  }
0xe5: {  	v17 =	vadd.f32 v21, v17;
	v21 =	vld [tilespmem:s8+$0x4050]  }
0xe6: {  	v18 =	vadd.f32 v19, v18;
	v19 =	vld [tilespmem:s8+$0x4060]  }
0xe7: {  	v16 =	vadd.f32 v20, v16;
	v20 =	vld [tilespmem:s8+$0x4070]  }
0xe8: {  	v15 =	vadd.f32 v23, v15;
	v23 =	vld [tilespmem:s8+$0x4400]  }
.Ltmp3:
0xe9: {  	v14 =	vadd.f32 v22, v14;
	v22 =	vld [tilespmem:s8+$0x4410];
	(pc) =	sbr.rel @p0 .LBB2_5-.Ltmp3, $4  }
0xea: {  	v13 =	vadd.f32 v21, v13;
	v21 =	vld [tilespmem:s8+$0x4420]  }
0xeb: {  	v12 =	vadd.f32 v19, v12;
	v19 =	vld [tilespmem:s8+$0x4430]  }
0xec: {  	s9 =	sadd.s32 $0x80, s9;
	v10 =	vadd.f32 v20, v10;
	v20 =	vld [tilespmem:s8+$0x4440]  }
0xed: {  	s11 =	sand.u32 $0x1800, s10;
	s10 =	sadd.s32 $0x100, s10;
	s12 =	sand.u32 $0x380, s9;
	v11 =	vadd.f32 v23, v11;
	v23 =	vld [tilespmem:s8+$0x4450]  }
0xee: {  	s9 =	sor.u32 s12, s11;
	v24 =	vld [tilespmem:s8+$0x4460]  }
0xef: {  	v25 =	vld [tilespmem:s9+$0x4470]  }
0xf0: {  	v26 =	vld [tilespmem:s9+$0x4000]  }
0xf1: {  	v27 =	vld [tilespmem:s9+$0x4010]  }
0xf2: {  	v28 =	vld [tilespmem:s9+$0x4020]  }
0xf3: {  	v29 =	vld [tilespmem:s9+$0x4030]  }
0xf4: {  	v30 =	vld [tilespmem:s9+$0x4040]  }
0xf5: {  	v31 =	vld [tilespmem:s9+$0x4050]  }
0xf6: {  	v32 =	vld [tilespmem:s9+$0x4060]  }
0xf7: {  	v33 =	vld [tilespmem:s9+$0x4070]  }
0xf8: {  	v34 =	vld [tilespmem:s9+$0x4400]  }
0xf9: {  	v35 =	vld [tilespmem:s9+$0x4410]  }
0xfa: {  	v36 =	vld [tilespmem:s9+$0x4420];
	v17 =	vadd.f32 v26, v17  }
0xfb: {  	v52 =	vld [tilespmem:s9+$0x4430];
	v18 =	vadd.f32 v27, v18  }
0xfc: {  	s10 =	sor.u32 $0x80, s2;
	v53 =	vld [tilespmem:s9+$0x4440];
	v16 =	vadd.f32 v28, v16;
	v17 =	vmul.f32 $3.125000000e-02, v17  }
0xfd: {  	v54 =	vld [tilespmem:s9+$0x4450];
	s11 =	sadd.s32 s10, s0;
	v15 =	vadd.f32 v29, v15;
	v18 =	vmul.f32 $3.125000000e-02, v18  }
0xfe: {  	v55 =	vld [tilespmem:s9+$0x4460];
	v14 =	vadd.f32 v30, v14;
	v16 =	vmul.f32 $3.125000000e-02, v16;
	[tilespmem:s11+$0x0] =	vst v17  }
0xff: {  	v13 =	vadd.f32 v31, v13;
	v15 =	vmul.f32 $3.125000000e-02, v15;
	[tilespmem:s11+$0x10] =	vst v18  }
0x100: {  	v12 =	vadd.f32 v32, v12;
	v14 =	vmul.f32 $3.125000000e-02, v14;
	[tilespmem:s11+$0x20] =	vst v16  }
0x101: {  	v9 =	vadd.f32 v22, v9;
	v10 =	vadd.f32 v33, v10;
	v13 =	vmul.f32 $3.125000000e-02, v13;
	[tilespmem:s11+$0x30] =	vst v15  }
0x102: {  	v8 =	vadd.f32 v21, v8;
	v11 =	vadd.f32 v34, v11;
	v12 =	vmul.f32 $3.125000000e-02, v12;
	[tilespmem:s11+$0x40] =	vst v14  }
0x103: {  	v7 =	vadd.f32 v19, v7;
	v9 =	vadd.f32 v35, v9;
	v10 =	vmul.f32 $3.125000000e-02, v10;
	[tilespmem:s11+$0x50] =	vst v13  }
0x104: {  	s8 =	sor.u32 s31, s10;
	v6 =	vadd.f32 v20, v6;
	v8 =	vadd.f32 v36, v8;
	v11 =	vmul.f32 $3.125000000e-02, v11;
	[tilespmem:s11+$0x60] =	vst v12  }
0x105: {  	s12 =	sor.u32 $0x400, s8;
	v4 =	vadd.f32 v23, v4;
	v7 =	vadd.f32 v52, v7;
	v9 =	vmul.f32 $3.125000000e-02, v9;
	[tilespmem:s11+$0x70] =	vst v10  }
0x106: {  	s10 =	sor.u32 $0x410, s8;
	v3 =	vadd.f32 v24, v3;
	v6 =	vadd.f32 v53, v6;
	v8 =	vmul.f32 $3.125000000e-02, v8;
	[tilespmem:s12+$0xA000] =	vst v11  }
0x107: {  	v4 =	vadd.f32 v54, v4;
	v7 =	vmul.f32 $3.125000000e-02, v7;
	s11 =	sor.u32 $0x420, s8;
	[tilespmem:s10+$0xA000] =	vst v9  }
0x108: {  	v3 =	vadd.f32 v55, v3;
	v6 =	vmul.f32 $3.125000000e-02, v6;
	s12 =	sor.u32 $0x430, s8;
	[tilespmem:s11+$0xA000] =	vst v8  }
0x109: {  	v5 =	vadd.f32 v25, v5;
	v4 =	vmul.f32 $3.125000000e-02, v4;
	s10 =	sor.u32 $0x440, s8;
	[tilespmem:s12+$0xA000] =	vst v7  }
0x10a: {  	v3 =	vmul.f32 $3.125000000e-02, v3;
	s11 =	sor.u32 $0x450, s8;
	[tilespmem:s10+$0xA000] =	vst v6  }
0x10b: {  	s12 =	sor.u32 $0x460, s8;
	[tilespmem:s11+$0xA000] =	vst v4;
	v4 =	vmul.f32 $3.125000000e-02, v5  }
0x10c: {  	p0 =	seq.s32 s29, $0x3F;
	s8 =	sor.u32 $0x470, s8;
	[tilespmem:s12+$0xA000] =	vst v3  }
0x10d: {  	[tilespmem:s8+$0xA000] =	vst v4;
	s8 =	sshrl.u32 @!p0 s30, $0x2  }
0x10e: {  	v3 =	vld @!p0 [tilespmem:s8+$0x80];
	_ =	sdelay $0x4  }
0x10f: {  	v4 =	vshll.u32 @!p0 v3, $0x1  }
0x110: {  	v5 =	vlaneseq.u32 @!p0;
	v3 =	vand.u32 @!p0 $0x7, v3;
	v4 =	vand.u32 @!p0 $0xFFFFFFF0, v4  }
0x111: {  	v6 =	vshrl.u32 @!p0 v5, $0x3;
	v3 =	vor.u32 @!p0 v3, v4;
	v4 =	vand.u32 @!p0 $0x7, v5  }
0x112: {  	v6 =	vmul.u32 @!p0 $0x8, v6;
	v7 =	vperm.xlane @!p0 v3, v4  }
0x113: {  	v5 =	vor.u32 @!p0 $0x8, v5  }
0x114: {  	v3 =	vperm.xlane @!p0 v3, v5;
	v7 =	vadd.s32 @!p0 v6, v7;
	_ =	sdelay $0x1  }
0x115: {  	v3 =	vadd.s32 @!p0 v6, v3;
	_ =	sdelay $0x1  }
0x116: {  	vm1 =	vmmov @!p0 $0xffff;
	s9 =	simm.s32 @!p0 $0x0;
	s10 =	simm.s32 @!p0 $0x2000  }
0x117: {  	[tilespmem:s10], [sflag:$0x1] =	stream.indirect_vreg.gather @!p0 [hbm4b:s1+s9], $0x80, v7, vm1, $0xb8;
	[tilespmem:$0x1A000] =	vst v63  }
0x118: {  	s10 =	simm.s32 @!p0 $0x2800  }
0x119: {  	[tilespmem:s10], [sflag:$0x1] =	stream.indirect_vreg.gather @!p0 [hbm4b:s1+s9], $0x80, v3, vm1, $0xb8;
	[tilespmem:$0x1A000] =	vst v63  }
0x11a: {  	v3 =	vld @!p0 [tilespmem:s8+$0x90];
	_ =	sdelay $0x4  }
0x11b: {  	v7 =	vshll.u32 @!p0 v3, $0x1  }
0x11c: {  	v3 =	vand.u32 @!p0 $0x7, v3;
	v7 =	vand.u32 @!p0 $0xFFFFFFF0, v7  }
0x11d: {  	v3 =	vor.u32 @!p0 v3, v7  }
0x11e: {  	v7 =	vperm.xlane @!p0 v3, v4;
	_ =	sdelay $0x1  }
0x11f: {  	v3 =	vperm.xlane @!p0 v3, v5;
	v7 =	vadd.s32 @!p0 v6, v7;
	_ =	sdelay $0x1  }
0x120: {  	v3 =	vadd.s32 @!p0 v6, v3;
	_ =	sdelay $0x1  }
0x121: {  	s10 =	simm.s32 @!p0 $0x3000  }
0x122: {  	[tilespmem:s10], [sflag:$0x1] =	stream.indirect_vreg.gather @!p0 [hbm4b:s1+s9], $0x80, v7, vm1, $0xb8;
	[tilespmem:$0x1A000] =	vst v63  }
0x123: {  	s10 =	simm.s32 @!p0 $0x3800  }
0x124: {  	[tilespmem:s10], [sflag:$0x1] =	stream.indirect_vreg.gather @!p0 [hbm4b:s1+s9], $0x80, v3, vm1, $0xb8;
	[tilespmem:$0x1A000] =	vst v63  }
0x125: {  	v3 =	vld @!p0 [tilespmem:s8+$0xA0];
	_ =	sdelay $0x4  }
0x126: {  	v7 =	vshll.u32 @!p0 v3, $0x1  }
0x127: {  	v3 =	vand.u32 @!p0 $0x7, v3;
	v7 =	vand.u32 @!p0 $0xFFFFFFF0, v7  }
0x128: {  	v3 =	vor.u32 @!p0 v3, v7  }
0x129: {  	v7 =	vperm.xlane @!p0 v3, v4;
	_ =	sdelay $0x1  }
0x12a: {  	v3 =	vperm.xlane @!p0 v3, v5;
	v7 =	vadd.s32 @!p0 v6, v7;
	_ =	sdelay $0x1  }
0x12b: {  	v3 =	vadd.s32 @!p0 v6, v3;
	_ =	sdelay $0x1  }
0x12c: {  	s10 =	simm.s32 @!p0 $0x4000  }
0x12d: {  	[tilespmem:s10], [sflag:$0x1] =	stream.indirect_vreg.gather @!p0 [hbm4b:s1+s9], $0x80, v7, vm1, $0xb8;
	[tilespmem:$0x1A000] =	vst v63  }
0x12e: {  	s10 =	simm.s32 @!p0 $0x4800  }
0x12f: {  	[tilespmem:s10], [sflag:$0x1] =	stream.indirect_vreg.gather @!p0 [hbm4b:s1+s9], $0x80, v3, vm1, $0xb8;
	[tilespmem:$0x1A000] =	vst v63  }
0x130: {  	v3 =	vld @!p0 [tilespmem:s8+$0xB0];
	_ =	sdelay $0x4  }
0x131: {  	v7 =	vshll.u32 @!p0 v3, $0x1  }
0x132: {  	v3 =	vand.u32 @!p0 $0x7, v3;
	v7 =	vand.u32 @!p0 $0xFFFFFFF0, v7  }
0x133: {  	v3 =	vor.u32 @!p0 v3, v7  }
0x134: {  	v4 =	vperm.xlane @!p0 v3, v4;
	_ =	sdelay $0x1  }
0x135: {  	v3 =	vperm.xlane @!p0 v3, v5;
	v4 =	vadd.s32 @!p0 v6, v4;
	_ =	sdelay $0x1  }
0x136: {  	v3 =	vadd.s32 @!p0 v6, v3;
	_ =	sdelay $0x1  }
0x137: {  	s8 =	simm.s32 @!p0 $0x5000  }
0x138: {  	[tilespmem:s8], [sflag:$0x1] =	stream.indirect_vreg.gather @!p0 [hbm4b:s1+s9], $0x80, v4, vm1, $0xb8;
	[tilespmem:$0x1A000] =	vst v63  }
0x139: {  	s8 =	simm.s32 @!p0 $0x5800  }
0x13a: {  	[tilespmem:s8], [sflag:$0x1] =	stream.indirect_vreg.gather @!p0 [hbm4b:s1+s9], $0x80, v3, vm1, $0xb8;
	[tilespmem:$0x1A000] =	vst v63  }
0x13b: {  	_ =	swait.ge [sflag:s25], $0x4000  }
0x13c: {  	[sflag:s25] =	ssyncset.done $0x0  }
0x13d: {  	[sflag:s25] =	ssyncadd.s32 $0xFFFFC000  }
0x13e: {  	v10 =	vld [tilespmem:$0x6000]  }
0x13f: {  	v11 =	vld [tilespmem:$0x6010]  }
0x140: {  	v12 =	vld [tilespmem:$0x6020]  }
0x141: {  	v13 =	vld [tilespmem:$0x6030]  }
0x142: {  	v14 =	vld [tilespmem:$0x6040]  }
0x143: {  	v20 =	vld [tilespmem:$0x6050]  }
0x144: {  	v23 =	vld [tilespmem:$0x6060]  }
0x145: {  	v56 =	vld [tilespmem:$0x6070]  }
0x146: {  	v57 =	vld [tilespmem:$0x6400]  }
0x147: {  	v9 =	vld [tilespmem:$0x6410]  }
0x148: {  	v8 =	vld [tilespmem:$0x6420]  }
0x149: {  	v7 =	vld [tilespmem:$0x6430]  }
0x14a: {  	v6 =	vld [tilespmem:$0x6440]  }
0x14b: {  	s11 =	simm.s32 $0x80;
	s10 =	simm.s32 $0x100;
	v4 =	vld [tilespmem:$0x6450]  }
0x14c: {  	s8 =	sand.u32 $0x1800, s10;
	s9 =	sand.u32 $0x380, s11;
	v3 =	vld [tilespmem:$0x6460]  }
0x14d: {  	s8 =	sor.u32 s9, s8;
	v5 =	vld [tilespmem:$0x6470]  }
0x14e: {  	v15 =	vld [tilespmem:s8+$0x6470]  }
0x14f: {  	v16 =	vld [tilespmem:s8+$0x6000]  }
0x150: {  	v18 =	vld [tilespmem:s8+$0x6010]  }
0x151: {  	v19 =	vld [tilespmem:s8+$0x6020]  }
0x152: {  	v58 =	vld [tilespmem:s8+$0x6030]  }
0x153: {  	v59 =	vld [tilespmem:s8+$0x6040]  }
0x154: {  	v60 =	vld [tilespmem:s8+$0x6050]  }
0x155: {  	v61 =	vld [tilespmem:s8+$0x6060]  }
0x156: {  	v62 =	vld [tilespmem:s8+$0x6070]  }
0x157: {  	v63 =	vld [tilespmem:s8+$0x6400]  }
0x158: {  	v22 =	vld [tilespmem:s8+$0x6410];
	v5 =	vadd.f32 v15, v5;
	v17 =	vadd.f32 v16, v10  }
0x159: {  	v21 =	vld [tilespmem:s8+$0x6420];
	v18 =	vadd.f32 v18, v11;
	v16 =	vadd.f32 v19, v12  }
0x15a: {  	v15 =	vadd.f32 v58, v13;
	v14 =	vadd.f32 v59, v14;
	v19 =	vld [tilespmem:s8+$0x6430]  }
0x15b: {  	s12 =	simm.s32 $0x200;
	s9 =	simm.s32 $0x100;
	v13 =	vadd.f32 v60, v20;
	v12 =	vadd.f32 v61, v23;
	v20 =	vld [tilespmem:s8+$0x6440]  }
0x15c: {  	s11 =	sand.u32 $0x1800, s12;
	s10 =	simm.s32 $0x300;
	s12 =	sand.u32 $0x380, s9;
	v10 =	vadd.f32 v62, v56;
	v11 =	vadd.f32 v63, v57;
	v23 =	vld [tilespmem:s8+$0x6450]  }
.LBB2_7:
0x15d: {  	p1 =	sne.s32 s10, $0x1F00;
	v9 =	vadd.f32 v22, v9;
	v22 =	vld [tilespmem:s8+$0x6460];
	s8 =	sor.u32 s12, s11  }
0x15e: {  	v24 =	vld [tilespmem:s8+$0x6470];
	v8 =	vadd.f32 v21, v8  }
0x15f: {  	v21 =	vld [tilespmem:s8+$0x6000];
	v7 =	vadd.f32 v19, v7  }
0x160: {  	v19 =	vld [tilespmem:s8+$0x6010];
	v6 =	vadd.f32 v20, v6  }
0x161: {  	v20 =	vld [tilespmem:s8+$0x6020];
	v4 =	vadd.f32 v23, v4  }
0x162: {  	v23 =	vld [tilespmem:s8+$0x6030];
	v3 =	vadd.f32 v22, v3  }
0x163: {  	v22 =	vld [tilespmem:s8+$0x6040];
	v5 =	vadd.f32 v24, v5  }
0x164: {  	v17 =	vadd.f32 v21, v17;
	v21 =	vld [tilespmem:s8+$0x6050]  }
0x165: {  	v18 =	vadd.f32 v19, v18;
	v19 =	vld [tilespmem:s8+$0x6060]  }
0x166: {  	v16 =	vadd.f32 v20, v16;
	v20 =	vld [tilespmem:s8+$0x6070]  }
0x167: {  	v15 =	vadd.f32 v23, v15;
	v23 =	vld [tilespmem:s8+$0x6400]  }
.Ltmp4:
0x168: {  	v14 =	vadd.f32 v22, v14;
	v22 =	vld [tilespmem:s8+$0x6410];
	(pc) =	sbr.rel @p1 .LBB2_7-.Ltmp4, $4  }
0x169: {  	v13 =	vadd.f32 v21, v13;
	v21 =	vld [tilespmem:s8+$0x6420]  }
0x16a: {  	v12 =	vadd.f32 v19, v12;
	v19 =	vld [tilespmem:s8+$0x6430]  }
0x16b: {  	s9 =	sadd.s32 $0x80, s9;
	v10 =	vadd.f32 v20, v10;
	v20 =	vld [tilespmem:s8+$0x6440]  }
0x16c: {  	s11 =	sand.u32 $0x1800, s10;
	s10 =	sadd.s32 $0x100, s10;
	s12 =	sand.u32 $0x380, s9;
	v11 =	vadd.f32 v23, v11;
	v23 =	vld [tilespmem:s8+$0x6450]  }
0x16d: {  	s9 =	sor.u32 s12, s11;
	v24 =	vld [tilespmem:s8+$0x6460]  }
0x16e: {  	v25 =	vld [tilespmem:s9+$0x6470]  }
0x16f: {  	v26 =	vld [tilespmem:s9+$0x6000]  }
0x170: {  	v27 =	vld [tilespmem:s9+$0x6010]  }
0x171: {  	v28 =	vld [tilespmem:s9+$0x6020]  }
0x172: {  	v29 =	vld [tilespmem:s9+$0x6030]  }
0x173: {  	v30 =	vld [tilespmem:s9+$0x6040]  }
0x174: {  	v31 =	vld [tilespmem:s9+$0x6050]  }
0x175: {  	v32 =	vld [tilespmem:s9+$0x6060]  }
0x176: {  	v33 =	vld [tilespmem:s9+$0x6070]  }
0x177: {  	v34 =	vld [tilespmem:s9+$0x6400]  }
0x178: {  	v35 =	vld [tilespmem:s9+$0x6410]  }
0x179: {  	v36 =	vld [tilespmem:s9+$0x6420];
	v17 =	vadd.f32 v26, v17  }
0x17a: {  	v52 =	vld [tilespmem:s9+$0x6430];
	v18 =	vadd.f32 v27, v18  }
0x17b: {  	s11 =	sor.u32 $0x100, s2;
	v53 =	vld [tilespmem:s9+$0x6440];
	v16 =	vadd.f32 v28, v16;
	v17 =	vmul.f32 $3.125000000e-02, v17  }
0x17c: {  	v54 =	vld [tilespmem:s9+$0x6450];
	s12 =	sadd.s32 s11, s0;
	v15 =	vadd.f32 v29, v15;
	v18 =	vmul.f32 $3.125000000e-02, v18  }
0x17d: {  	v55 =	vld [tilespmem:s9+$0x6460];
	v14 =	vadd.f32 v30, v14;
	v16 =	vmul.f32 $3.125000000e-02, v16;
	[tilespmem:s12+$0x0] =	vst v17  }
0x17e: {  	v13 =	vadd.f32 v31, v13;
	v15 =	vmul.f32 $3.125000000e-02, v15;
	[tilespmem:s12+$0x10] =	vst v18  }
0x17f: {  	v12 =	vadd.f32 v32, v12;
	v14 =	vmul.f32 $3.125000000e-02, v14;
	[tilespmem:s12+$0x20] =	vst v16  }
0x180: {  	v9 =	vadd.f32 v22, v9;
	v10 =	vadd.f32 v33, v10;
	v13 =	vmul.f32 $3.125000000e-02, v13;
	[tilespmem:s12+$0x30] =	vst v15  }
0x181: {  	v8 =	vadd.f32 v21, v8;
	v11 =	vadd.f32 v34, v11;
	v12 =	vmul.f32 $3.125000000e-02, v12;
	[tilespmem:s12+$0x40] =	vst v14  }
0x182: {  	v7 =	vadd.f32 v19, v7;
	v9 =	vadd.f32 v35, v9;
	v10 =	vmul.f32 $3.125000000e-02, v10;
	[tilespmem:s12+$0x50] =	vst v13  }
0x183: {  	s8 =	sor.u32 s31, s11;
	v6 =	vadd.f32 v20, v6;
	v8 =	vadd.f32 v36, v8;
	v11 =	vmul.f32 $3.125000000e-02, v11;
	[tilespmem:s12+$0x60] =	vst v12  }
0x184: {  	s10 =	sor.u32 $0x400, s8;
	v4 =	vadd.f32 v23, v4;
	v7 =	vadd.f32 v52, v7;
	v9 =	vmul.f32 $3.125000000e-02, v9;
	[tilespmem:s12+$0x70] =	vst v10  }
0x185: {  	s11 =	sor.u32 $0x410, s8;
	v3 =	vadd.f32 v24, v3;
	v6 =	vadd.f32 v53, v6;
	v8 =	vmul.f32 $3.125000000e-02, v8;
	[tilespmem:s10+$0xA000] =	vst v11  }
0x186: {  	v4 =	vadd.f32 v54, v4;
	v7 =	vmul.f32 $3.125000000e-02, v7;
	s12 =	sor.u32 $0x420, s8;
	[tilespmem:s11+$0xA000] =	vst v9  }
0x187: {  	v3 =	vadd.f32 v55, v3;
	v6 =	vmul.f32 $3.125000000e-02, v6;
	s10 =	sor.u32 $0x430, s8;
	[tilespmem:s12+$0xA000] =	vst v8  }
0x188: {  	v5 =	vadd.f32 v25, v5;
	v4 =	vmul.f32 $3.125000000e-02, v4;
	s11 =	sor.u32 $0x440, s8;
	[tilespmem:s10+$0xA000] =	vst v7  }
0x189: {  	v3 =	vmul.f32 $3.125000000e-02, v3;
	s12 =	sor.u32 $0x450, s8;
	[tilespmem:s11+$0xA000] =	vst v6  }
0x18a: {  	s10 =	sor.u32 $0x460, s8;
	[tilespmem:s12+$0xA000] =	vst v4;
	v4 =	vmul.f32 $3.125000000e-02, v5  }
0x18b: {  	s8 =	sor.u32 $0x470, s8;
	[tilespmem:s10+$0xA000] =	vst v3  }
0x18c: {  	[tilespmem:s8+$0xA000] =	vst v4  }
0x18d: {  	v10 =	vld [tilespmem:$0x8000]  }
0x18e: {  	v11 =	vld [tilespmem:$0x8010]  }
0x18f: {  	v12 =	vld [tilespmem:$0x8020]  }
0x190: {  	v13 =	vld [tilespmem:$0x8030]  }
0x191: {  	v14 =	vld [tilespmem:$0x8040]  }
0x192: {  	v20 =	vld [tilespmem:$0x8050]  }
0x193: {  	v23 =	vld [tilespmem:$0x8060]  }
0x194: {  	v56 =	vld [tilespmem:$0x8070]  }
0x195: {  	v57 =	vld [tilespmem:$0x8400]  }
0x196: {  	v9 =	vld [tilespmem:$0x8410]  }
0x197: {  	v8 =	vld [tilespmem:$0x8420]  }
0x198: {  	v7 =	vld [tilespmem:$0x8430]  }
0x199: {  	v6 =	vld [tilespmem:$0x8440]  }
0x19a: {  	s11 =	simm.s32 $0x100;
	s12 =	simm.s32 $0x80;
	v4 =	vld [tilespmem:$0x8450]  }
0x19b: {  	s9 =	sand.u32 $0x380, s12;
	s8 =	sand.u32 $0x1800, s11;
	v3 =	vld [tilespmem:$0x8460]  }
0x19c: {  	v5 =	vld [tilespmem:$0x8470];
	s8 =	sor.u32 s9, s8  }
0x19d: {  	v15 =	vld [tilespmem:s8+$0x8470]  }
0x19e: {  	v16 =	vld [tilespmem:s8+$0x8000]  }
0x19f: {  	v18 =	vld [tilespmem:s8+$0x8010]  }
0x1a0: {  	v19 =	vld [tilespmem:s8+$0x8020]  }
0x1a1: {  	v58 =	vld [tilespmem:s8+$0x8030]  }
0x1a2: {  	v59 =	vld [tilespmem:s8+$0x8040]  }
0x1a3: {  	v60 =	vld [tilespmem:s8+$0x8050]  }
0x1a4: {  	v61 =	vld [tilespmem:s8+$0x8060]  }
0x1a5: {  	v62 =	vld [tilespmem:s8+$0x8070]  }
0x1a6: {  	v63 =	vld [tilespmem:s8+$0x8400]  }
0x1a7: {  	v22 =	vld [tilespmem:s8+$0x8410];
	v5 =	vadd.f32 v15, v5;
	v17 =	vadd.f32 v16, v10  }
0x1a8: {  	v21 =	vld [tilespmem:s8+$0x8420];
	v18 =	vadd.f32 v18, v11;
	v16 =	vadd.f32 v19, v12  }
0x1a9: {  	v15 =	vadd.f32 v58, v13;
	v14 =	vadd.f32 v59, v14;
	v19 =	vld [tilespmem:s8+$0x8430]  }
0x1aa: {  	s10 =	simm.s32 $0x200;
	s9 =	simm.s32 $0x100;
	v13 =	vadd.f32 v60, v20;
	v12 =	vadd.f32 v61, v23;
	v20 =	vld [tilespmem:s8+$0x8440]  }
0x1ab: {  	s11 =	sand.u32 $0x1800, s10;
	s10 =	simm.s32 $0x300;
	s12 =	sand.u32 $0x380, s9;
	v10 =	vadd.f32 v62, v56;
	v11 =	vadd.f32 v63, v57;
	v23 =	vld [tilespmem:s8+$0x8450]  }
.LBB2_9:
0x1ac: {  	p1 =	sne.s32 s10, $0x1F00;
	v9 =	vadd.f32 v22, v9;
	v22 =	vld [tilespmem:s8+$0x8460];
	s8 =	sor.u32 s12, s11  }
0x1ad: {  	v24 =	vld [tilespmem:s8+$0x8470];
	v8 =	vadd.f32 v21, v8  }
0x1ae: {  	v21 =	vld [tilespmem:s8+$0x8000];
	v7 =	vadd.f32 v19, v7  }
0x1af: {  	v19 =	vld [tilespmem:s8+$0x8010];
	v6 =	vadd.f32 v20, v6  }
0x1b0: {  	v20 =	vld [tilespmem:s8+$0x8020];
	v4 =	vadd.f32 v23, v4  }
0x1b1: {  	v23 =	vld [tilespmem:s8+$0x8030];
	v3 =	vadd.f32 v22, v3  }
0x1b2: {  	v22 =	vld [tilespmem:s8+$0x8040];
	v5 =	vadd.f32 v24, v5  }
0x1b3: {  	v17 =	vadd.f32 v21, v17;
	v21 =	vld [tilespmem:s8+$0x8050]  }
0x1b4: {  	v18 =	vadd.f32 v19, v18;
	v19 =	vld [tilespmem:s8+$0x8060]  }
0x1b5: {  	v16 =	vadd.f32 v20, v16;
	v20 =	vld [tilespmem:s8+$0x8070]  }
0x1b6: {  	v15 =	vadd.f32 v23, v15;
	v23 =	vld [tilespmem:s8+$0x8400]  }
.Ltmp5:
0x1b7: {  	v14 =	vadd.f32 v22, v14;
	v22 =	vld [tilespmem:s8+$0x8410];
	(pc) =	sbr.rel @p1 .LBB2_9-.Ltmp5, $4  }
0x1b8: {  	v13 =	vadd.f32 v21, v13;
	v21 =	vld [tilespmem:s8+$0x8420]  }
0x1b9: {  	v12 =	vadd.f32 v19, v12;
	v19 =	vld [tilespmem:s8+$0x8430]  }
0x1ba: {  	s9 =	sadd.s32 $0x80, s9;
	v10 =	vadd.f32 v20, v10;
	v20 =	vld [tilespmem:s8+$0x8440]  }
0x1bb: {  	s11 =	sand.u32 $0x1800, s10;
	s10 =	sadd.s32 $0x100, s10;
	s12 =	sand.u32 $0x380, s9;
	v11 =	vadd.f32 v23, v11;
	v23 =	vld [tilespmem:s8+$0x8450]  }
0x1bc: {  	s9 =	sor.u32 s12, s11;
	v24 =	vld [tilespmem:s8+$0x8460]  }
0x1bd: {  	v25 =	vld [tilespmem:s9+$0x8470]  }
0x1be: {  	v26 =	vld [tilespmem:s9+$0x8000]  }
0x1bf: {  	v27 =	vld [tilespmem:s9+$0x8010]  }
0x1c0: {  	v28 =	vld [tilespmem:s9+$0x8020]  }
0x1c1: {  	v29 =	vld [tilespmem:s9+$0x8030]  }
0x1c2: {  	v30 =	vld [tilespmem:s9+$0x8040]  }
0x1c3: {  	v31 =	vld [tilespmem:s9+$0x8050]  }
0x1c4: {  	v32 =	vld [tilespmem:s9+$0x8060]  }
0x1c5: {  	v33 =	vld [tilespmem:s9+$0x8070]  }
0x1c6: {  	v34 =	vld [tilespmem:s9+$0x8400]  }
0x1c7: {  	v35 =	vld [tilespmem:s9+$0x8410]  }
0x1c8: {  	v36 =	vld [tilespmem:s9+$0x8420];
	v17 =	vadd.f32 v26, v17  }
0x1c9: {  	v59 =	vld [tilespmem:s9+$0x8430];
	v18 =	vadd.f32 v27, v18  }
0x1ca: {  	s2 =	sor.u32 $0x180, s2;
	v60 =	vld [tilespmem:s9+$0x8440];
	v16 =	vadd.f32 v28, v16;
	v17 =	vmul.f32 $3.125000000e-02, v17  }
0x1cb: {  	v61 =	vld [tilespmem:s9+$0x8450];
	s0 =	sadd.s32 s2, s0;
	v15 =	vadd.f32 v29, v15;
	v18 =	vmul.f32 $3.125000000e-02, v18  }
0x1cc: {  	v62 =	vld [tilespmem:s9+$0x8460];
	v14 =	vadd.f32 v30, v14;
	v16 =	vmul.f32 $3.125000000e-02, v16;
	[tilespmem:s0+$0x0] =	vst v17  }
0x1cd: {  	v13 =	vadd.f32 v31, v13;
	v15 =	vmul.f32 $3.125000000e-02, v15;
	[tilespmem:s0+$0x10] =	vst v18  }
0x1ce: {  	v12 =	vadd.f32 v32, v12;
	v14 =	vmul.f32 $3.125000000e-02, v14;
	[tilespmem:s0+$0x20] =	vst v16  }
0x1cf: {  	v9 =	vadd.f32 v22, v9;
	v10 =	vadd.f32 v33, v10;
	v13 =	vmul.f32 $3.125000000e-02, v13;
	[tilespmem:s0+$0x30] =	vst v15  }
0x1d0: {  	v8 =	vadd.f32 v21, v8;
	v11 =	vadd.f32 v34, v11;
	v12 =	vmul.f32 $3.125000000e-02, v12;
	[tilespmem:s0+$0x40] =	vst v14  }
0x1d1: {  	v7 =	vadd.f32 v19, v7;
	v9 =	vadd.f32 v35, v9;
	v10 =	vmul.f32 $3.125000000e-02, v10;
	[tilespmem:s0+$0x50] =	vst v13  }
0x1d2: {  	s2 =	sor.u32 s31, s2;
	v6 =	vadd.f32 v20, v6;
	v8 =	vadd.f32 v36, v8;
	v11 =	vmul.f32 $3.125000000e-02, v11;
	[tilespmem:s0+$0x60] =	vst v12  }
0x1d3: {  	s12 =	sor.u32 $0x400, s2;
	v4 =	vadd.f32 v23, v4;
	v7 =	vadd.f32 v59, v7;
	v9 =	vmul.f32 $3.125000000e-02, v9;
	[tilespmem:s0+$0x70] =	vst v10  }
0x1d4: {  	s31 =	sor.u32 $0x410, s2;
	v3 =	vadd.f32 v24, v3;
	v6 =	vadd.f32 v60, v6;
	v8 =	vmul.f32 $3.125000000e-02, v8;
	[tilespmem:s12+$0xA000] =	vst v11  }
0x1d5: {  	s8 =	sor.u32 $0x420, s2;
	v4 =	vadd.f32 v61, v4;
	v7 =	vmul.f32 $3.125000000e-02, v7;
	[tilespmem:s31+$0xA000] =	vst v9  }
0x1d6: {  	s9 =	sor.u32 $0x430, s2;
	v3 =	vadd.f32 v62, v3;
	v6 =	vmul.f32 $3.125000000e-02, v6;
	[tilespmem:s8+$0xA000] =	vst v8  }
.Ltmp6:
0x1d7: {  	s10 =	sor.u32 $0x440, s2;
	v5 =	vadd.f32 v25, v5;
	v4 =	vmul.f32 $3.125000000e-02, v4;
	[tilespmem:s9+$0xA000] =	vst v7;
	(pc) =	sbr.rel @p0 .LBB2_12-.Ltmp6, $4  }
0x1d8: {  	s11 =	sor.u32 $0x450, s2;
	v3 =	vmul.f32 $3.125000000e-02, v3;
	[tilespmem:s10+$0xA000] =	vst v6  }
0x1d9: {  	v63 =	vmul.f32 $3.125000000e-02, v5;
	s12 =	sor.u32 $0x460, s2;
	[tilespmem:s11+$0xA000] =	vst v4  }
0x1da: {  	s31 =	sor.u32 $0x470, s2;
	[tilespmem:s12+$0xA000] =	vst v3  }
0x1db: {  	[tilespmem:s31+$0xA000] =	vst v63  }
0x1dc: {  	s0 =	sshrl.u32 s30, $0x2  }
0x1dd: {  	v3 =	vld [tilespmem:s0+$0xC0];
	_ =	sdelay $0x4  }
0x1de: {  	v4 =	vshll.u32 v3, $0x1  }
0x1df: {  	v3 =	vand.u32 $0x7, v3;
	v4 =	vand.u32 $0xFFFFFFF0, v4  }
0x1e0: {  	v3 =	vor.u32 v3, v4  }
0x1e1: {  	v4 =	vperm.xlane v3, v0;
	_ =	sdelay $0x1  }
0x1e2: {  	v3 =	vperm.xlane v3, v2;
	v4 =	vadd.s32 v1, v4;
	_ =	sdelay $0x1  }
0x1e3: {  	v3 =	vadd.s32 v1, v3;
	_ =	sdelay $0x2  }
0x1e4: {  	[tilespmem:s16], [sflag:$0x2] =	stream.indirect_vreg.gather [hbm4b:s1+s3], $0x80, v4, vm0, $0xb8;
	[tilespmem:$0x1A000] =	vst v63  }
0x1e5: {  	_ = 	snop  }
0x1e6: {  	[tilespmem:s17], [sflag:$0x2] =	stream.indirect_vreg.gather [hbm4b:s1+s3], $0x80, v3, vm0, $0xb8;
	[tilespmem:$0x1A000] =	vst v63  }
0x1e7: {  	v3 =	vld [tilespmem:s0+$0xD0];
	_ =	sdelay $0x4  }
0x1e8: {  	v61 =	vshll.u32 v3, $0x1  }
0x1e9: {  	v3 =	vand.u32 $0x7, v3;
	v4 =	vand.u32 $0xFFFFFFF0, v61  }
0x1ea: {  	v3 =	vor.u32 v3, v4  }
0x1eb: {  	v4 =	vperm.xlane v3, v0;
	_ =	sdelay $0x1  }
0x1ec: {  	v3 =	vperm.xlane v3, v2;
	v4 =	vadd.s32 v1, v4;
	_ =	sdelay $0x1  }
0x1ed: {  	v3 =	vadd.s32 v1, v3;
	_ =	sdelay $0x2  }
0x1ee: {  	[tilespmem:s18], [sflag:$0x2] =	stream.indirect_vreg.gather [hbm4b:s1+s3], $0x80, v4, vm0, $0xb8;
	[tilespmem:$0x1A000] =	vst v63  }
0x1ef: {  	_ = 	snop  }
0x1f0: {  	[tilespmem:s19], [sflag:$0x2] =	stream.indirect_vreg.gather [hbm4b:s1+s3], $0x80, v3, vm0, $0xb8;
	[tilespmem:$0x1A000] =	vst v63  }
0x1f1: {  	v3 =	vld [tilespmem:s0+$0xE0];
	_ =	sdelay $0x4  }
0x1f2: {  	v62 =	vshll.u32 v3, $0x1  }
0x1f3: {  	v3 =	vand.u32 $0x7, v3;
	v4 =	vand.u32 $0xFFFFFFF0, v62  }
0x1f4: {  	v3 =	vor.u32 v3, v4  }
0x1f5: {  	v4 =	vperm.xlane v3, v0;
	_ =	sdelay $0x1  }
0x1f6: {  	v3 =	vperm.xlane v3, v2;
	v4 =	vadd.s32 v1, v4;
	_ =	sdelay $0x1  }
0x1f7: {  	v3 =	vadd.s32 v1, v3;
	_ =	sdelay $0x2  }
0x1f8: {  	[tilespmem:s20], [sflag:$0x2] =	stream.indirect_vreg.gather [hbm4b:s1+s3], $0x80, v4, vm0, $0xb8;
	[tilespmem:$0x1A000] =	vst v63  }
0x1f9: {  	_ = 	snop  }
0x1fa: {  	[tilespmem:s21], [sflag:$0x2] =	stream.indirect_vreg.gather [hbm4b:s1+s3], $0x80, v3, vm0, $0xb8;
	[tilespmem:$0x1A000] =	vst v63  }
0x1fb: {  	v3 =	vld [tilespmem:s0+$0xF0];
	_ =	sdelay $0x4  }
0x1fc: {  	v63 =	vshll.u32 v3, $0x1  }
0x1fd: {  	v3 =	vand.u32 $0x7, v3;
	v4 =	vand.u32 $0xFFFFFFF0, v63  }
0x1fe: {  	v3 =	vor.u32 v3, v4  }
0x1ff: {  	v4 =	vperm.xlane v3, v0;
	_ =	sdelay $0x1  }
0x200: {  	v3 =	vperm.xlane v3, v2;
	v4 =	vadd.s32 v1, v4;
	_ =	sdelay $0x1  }
0x201: {  	v3 =	vadd.s32 v1, v3  }
.Ltmp7:
0x202: {  	_ = 	snop;
	(pc) =	sbr.rel .LBB2_2-.Ltmp7, $4  }
0x203: {  	_ = 	snop  }
0x204: {  	[tilespmem:s22], [sflag:$0x2] =	stream.indirect_vreg.gather [hbm4b:s1+s3], $0x80, v4, vm0, $0xb8;
	[tilespmem:$0x1A000] =	vst v63  }
0x205: {  	s29 =	sadd.s32 $0x1, s29  }
0x206: {  	[tilespmem:s23], [sflag:$0x2] =	stream.indirect_vreg.gather [hbm4b:s1+s3], $0x80, v3, vm0, $0xb8;
	[tilespmem:$0x1A000] =	vst v63  }
.LBB2_13:
0x207: {  	_ =	sfence.sel $0x180000  }
0x208: {  	[bflag:$0x0] =	sbarrier.arrive $0xFFFF  }
0x209: {  	_ =	strace $0x90000047  }
0x20a: {  	s0 =	stileid.u32;
	[bflag:$0x2] =	sbarrier.arrive $0xFFFF  }
0x20b: {  	p0 =	sne.s32 s0, $0x0;
	s0 =	rddreg [dreg:$0x3]  }
0x20c: {  	s0 =	sadd.s32 @!p0 $0x100000, s0  }
0x20d: {  	[sflag:s0] =	ssyncadd.tile.s32 @!p0 $0x1;
	_ =	shalt  }
.Lfunc_end2:
_tile_overlayer_lowered:
.L_overlay_start_2:
0x20e: {  	(tag) =	ssettag $0x2  }
0x20f: {  	s0 =	rddreg [dreg:$0x0];
	s2 =	stileid.u32  }
0x210: {  	s1 =	rddreg [dreg:$0x1];
	p0 =	sne.s32 s2, $0x0  }
0x211: {  	s3 =	rddreg [dreg:$0x2];
	[bflag:$0x3] =	sbarrier.arrive $0xFFFF;
	s2 =	simm.s32 @!p0 $0x1C03  }
0x212: {  	[timem:s3], [sflag:s2] =	dma.local @!p0 [hbm:s0], s1  }
0x213: {  	s0 =	simm.s32 @!p0 $0x3  }
0x214: {  	_ =	swait.ge @!p0 [sflag:s0], s1  }
0x215: {  	s1 =	ssub.s32 @!p0 $0x0, s1;
	[sflag:s0] =	ssyncset.done @!p0 $0x0  }
0x216: {  	[sflag:s0] =	ssyncadd.s32 @!p0 s1  }
0x217: {  	[bflag:$0x3] =	sbarrier.arrive $0xFFFF  }
0x218: {  	_ =	shalt  }

</sc_bundles>
